<compile_context>
chip_gen: v7x
topology: tpu7x:2x2x1
jax: 0.10.2.dev20260603
libtpu: 0.0.44.dev20260713+nightly
codegen_flags: <defaults>
</compile_context>

<pallas_src>
import functools

import jax
import jax.numpy as jnp
import numpy as np
from jax import lax
from jax.experimental import pallas as pl
from jax.experimental.pallas import tpu as pltpu
from jax.experimental.pallas import tpu_sc as plsc

D = 128
HW = 72
H0 = 72
H1 = D - H0
NC, NS = 2, 16
NW = NC * NS
CH = 80
RB = 10


def _proj_body(xi_ref, xt_ref, wi_ref, bi_ref, wt_ref, bt_ref, avs_ref,
               avd_ref, h0_ref, h1_ref, als_ref, ald_ref):
    cdims = (((1,), (1,)), ((), ()))
    xs = lax.dot_general(xi_ref[...], wi_ref[...], cdims,
                         preferred_element_type=jnp.float32) + bi_ref[...]
    xd = lax.dot_general(xt_ref[...], wt_ref[...], cdims,
                         preferred_element_type=jnp.float32) + bt_ref[...]
    als_ref[...] = lax.dot_general(xs, avs_ref[...], cdims,
                                   preferred_element_type=jnp.float32)
    ald_ref[...] = lax.dot_general(xd, avd_ref[...], cdims,
                                   preferred_element_type=jnp.float32)
    h0_ref[...] = xs[:, :H0]
    n = xs.shape[0]
    lane = lax.broadcasted_iota(jnp.int32, (n, HW - H1), 1)
    extra = jnp.where(lane == 0, 1.0, 0.0).astype(jnp.float32)
    h1_ref[...] = jnp.concatenate([xs[:, H0:], extra], axis=1)


def _proj(x_ing, x_taste, w_ing, b_ing, w_taste, b_taste, av_s, av_d):
    n = x_ing.shape[0]
    blk = n // RB
    full = pl.BlockSpec((D, D), lambda i: (0, 0))
    vec = pl.BlockSpec((1, D), lambda i: (0, 0))
    rows = pl.BlockSpec((blk, D), lambda i: (i, 0))
    half = pl.BlockSpec((blk, HW), lambda i: (i, 0))
    return pl.pallas_call(
        _proj_body,
        grid=(RB,),
        in_specs=[rows, rows, full, vec, full, vec, vec, vec],
        out_specs=[
            half,
            half,
            pl.BlockSpec((blk, 1), lambda i: (i, 0)),
            pl.BlockSpec((blk, 1), lambda i: (i, 0)),
        ],
        out_shape=[
            jax.ShapeDtypeStruct((n, HW), jnp.float32),
            jax.ShapeDtypeStruct((n, HW), jnp.float32),
            jax.ShapeDtypeStruct((n, 1), jnp.float32),
            jax.ShapeDtypeStruct((n, 1), jnp.float32),
        ],
    )(x_ing, x_taste, w_ing, b_ing, w_taste, b_taste, av_s, av_d)


def _edge_body(h0_hbm, h1_hbm, src_hbm, dst_hbm, als_hbm, ald_hbm, out_hbm,
               as_v, ad_v, src1d, dst1d, w1d, rows0, rows1, ssm0, ssm1,
               dsm0, dsm1, acc, gsem0, gsem1, ssem0, ssem1, *, n_pad, epw):
    c = lax.axis_index("c")
    s = lax.axis_index("s")
    wid = c * NS + s
    per_tile = n_pad // NS
    nchunk = epw // CH
    rows = (rows0, rows1)
    ssm = (ssm0, ssm1)
    dsm = (dsm0, dsm1)
    gsem = (gsem0, gsem1)
    ssem = (ssem0, ssem1)

    zero = jnp.zeros((16,), jnp.float32)

    def zfill(e, carry):
        for j in range(HW // 16):
            rows0[e, pl.ds(j * 16, 16)] = zero
        rows0[e, pl.ds(HW - 16, 16)] = zero
        return carry

    def zero_my_slice():
        lax.fori_loop(0, CH, zfill, 0)
        base = s * per_tile
        for k in range(per_tile // CH):
            pltpu.sync_copy(rows0, acc.at[pl.ds(base + k * CH, CH)])
        rem = per_tile % CH
        if rem:
            pltpu.sync_copy(rows0.at[pl.ds(0, rem)],
                            acc.at[pl.ds(base + per_tile - rem, rem)])

    pltpu.sync_copy(src_hbm.at[wid], src1d)
    pltpu.sync_copy(dst_hbm.at[wid], dst1d)
    pltpu.sync_copy(als_hbm, as_v)
    pltpu.sync_copy(ald_hbm, ad_v)

    def wgrp(g, carry):
        sg = src1d[pl.ds(g * 16, 16)]
        dg = dst1d[pl.ds(g * 16, 16)]
        a = plsc.load_gather(as_v, [sg]) + plsc.load_gather(ad_v, [dg])
        a = jnp.where(a >= 0, a, 0.2 * a)
        w1d[pl.ds(g * 16, 16)] = jnp.exp(a)
        return carry

    lax.fori_loop(0, epw // 16, wgrp, 0)

    lane = lax.iota(jnp.int32, 16)
    z16 = jnp.zeros((16,), jnp.int32)

    def fill_idx(buf, src_ref, i):
        for g in range(CH // 16):
            buf[pl.ds(g * 16, 16)] = src_ref[pl.ds(i * CH + g * 16, 16)]

    for p, tab_hbm in ((0, h0_hbm), (1, h1_hbm)):
        zero_my_slice()
        plsc.subcore_barrier()

        def scale_scatter(i, b, tab_hbm=tab_hbm):
            rv = rows[b]

            def scale(e, cc):
                wb = plsc.load_gather(w1d, [z16 + (i * CH + e)])
                for j in range(HW // 16):
                    rv[e, pl.ds(j * 16, 16)] = rv[e, pl.ds(j * 16, 16)] * wb
                tail = jnp.where(lane < (16 - HW % 16), 1.0, wb)
                rv[e, pl.ds(HW - 16, 16)] = rv[e, pl.ds(HW - 16, 16)] * tail
                return cc

            lax.fori_loop(0, CH, scale, 0)
            fill_idx(dsm[b], dst1d, i)
            pltpu.async_copy(rv, acc.at[dsm[b]], ssem[b], add=True)

        def drain_scatter(b):
            pltpu.make_async_copy(rows[b], acc.at[dsm[b]], ssem[b]).wait()

        def pair(k, carry, tab_hbm=tab_hbm, first=False):
            i0 = 2 * k
            i1 = 2 * k + 1
            if not first:
                drain_scatter(0)
            fill_idx(ssm[0], src1d, i0)
            g0 = pltpu.async_copy(tab_hbm.at[ssm[0]], rows[0], gsem[0])
            if not first:
                drain_scatter(1)
            fill_idx(ssm[1], src1d, i1)
            g1 = pltpu.async_copy(tab_hbm.at[ssm[1]], rows[1], gsem[1])
            g0.wait()
            scale_scatter(i0, 0)
            g1.wait()
            scale_scatter(i1, 1)
            return carry

        pair(0, 0, first=True)
        lax.fori_loop(1, nchunk // 2, pair, 0)
        drain_scatter(0)
        if nchunk % 2:
            i_last = nchunk - 1
            fill_idx(ssm[0], src1d, i_last)
            pltpu.async_copy(tab_hbm.at[ssm[0]], rows[0], gsem[0]).wait()
            scale_scatter(i_last, 0)
            drain_scatter(0)
        drain_scatter(1)

        plsc.subcore_barrier()
        pltpu.sync_copy(acc.at[pl.ds(s * per_tile, per_tile)],
                        out_hbm.at[c, p, pl.ds(s * per_tile, per_tile)])
        plsc.subcore_barrier()


def _edge(x_h0, x_h1, src, dst, als, ald):
    n_ing = x_h0.shape[0]
    n_taste = ald.shape[0]
    n_pad = ((n_taste + 8 * NS - 1) // (8 * NS)) * (8 * NS)
    e = src.shape[0]
    epw = e // NW
    nchunk = epw // CH
    mesh = plsc.VectorSubcoreMesh(core_axis_name="c", subcore_axis_name="s",
                                  num_cores=NC, num_subcores=NS)
    kfn = pl.kernel(
        functools.partial(_edge_body, n_pad=n_pad, epw=epw),
        out_type=jax.ShapeDtypeStruct((NC, 2, n_pad, HW), jnp.float32),
        mesh=mesh,
        scratch_types=[
            pltpu.VMEM((n_ing,), jnp.float32),
            pltpu.VMEM((n_taste,), jnp.float32),
            pltpu.VMEM((epw,), jnp.int32),
            pltpu.VMEM((epw,), jnp.int32),
            pltpu.VMEM((epw,), jnp.float32),
            pltpu.VMEM((CH, HW), jnp.float32),
            pltpu.VMEM((CH, HW), jnp.float32),
            pltpu.VMEM((CH,), jnp.int32),
            pltpu.VMEM((CH,), jnp.int32),
            pltpu.VMEM((CH,), jnp.int32),
            pltpu.VMEM((CH,), jnp.int32),
            pltpu.VMEM_SHARED((n_pad, HW), jnp.float32),
            pltpu.SemaphoreType.DMA,
            pltpu.SemaphoreType.DMA,
            pltpu.SemaphoreType.DMA,
            pltpu.SemaphoreType.DMA,
        ],
        compiler_params=pltpu.CompilerParams(use_tc_tiling_on_sc=False,
                                             needs_layout_passes=False),
    )
    return kfn(x_h0, x_h1, src.reshape(NW, epw), dst.reshape(NW, epw),
               als, ald)


def _finish_body(p_ref, o_ref):
    s0 = p_ref[0, 0] + p_ref[1, 0]
    s1 = p_ref[0, 1] + p_ref[1, 1]
    num = jnp.concatenate([s0, s1[:, :H1]], axis=1)
    den = s1[:, H1:H1 + 1]
    r = jnp.maximum(num / (den + 1e-16), 0.0)
    o_ref[...] = 0.5 * r * (1.0 + lax.erf(r * (1.0 / np.sqrt(2.0))))


def _finish(parts):
    n = parts.shape[2]
    blk = n // NS
    return pl.pallas_call(
        _finish_body,
        grid=(NS,),
        in_specs=[pl.BlockSpec((NC, 2, blk, HW), lambda i: (0, 0, i, 0))],
        out_specs=pl.BlockSpec((blk, D), lambda i: (i, 0)),
        out_shape=jax.ShapeDtypeStruct((n, D), jnp.float32),
    )(parts)


def kernel(x_ingredient, x_taste, edge_index, W_ing, b_ing, W_taste, b_taste,
           att_src, att_dst, W_k, b_k, q):
    del W_k, b_k, q
    src = edge_index[0]
    dst = edge_index[1]
    x_h0, x_h1, als, ald = _proj(
        x_ingredient, x_taste, W_ing, b_ing.reshape(1, D),
        W_taste, b_taste.reshape(1, D),
        att_src.reshape(1, D), att_dst.reshape(1, D))
    parts = _edge(x_h0, x_h1, src, dst, als.reshape(-1), ald.reshape(-1))
    return _finish(parts)[:x_taste.shape[0]]

# --- scband reference (transcript-rebuilt; emitter-appended) ---
"""Pipeline reference for scband-taste-gnn-11759620456961 (READ-ONLY COPY).

The authoritative reference and input builder live on the scoring server;
editing this copy changes nothing except your own understanding.
"""

import jax, jax.numpy as jnp
import numpy as np

N_ING = 10000
N_TASTE = 10000
E = 320000
D = 128

def setup_inputs(seed: int = 0):
    key = jax.random.key(seed)
    ks = jax.random.split(key, 16)
    s = 1.0 / np.sqrt(D)
    inp = {}
    inp["x_ingredient"] = jax.random.normal(ks[0], (N_ING, D), dtype=jnp.float32)
    inp["x_taste"] = jax.random.normal(ks[1], (N_TASTE, D), dtype=jnp.float32)
    src = jax.random.randint(ks[2], (E,), 0, N_ING, dtype=jnp.int32)
    dst = jax.random.randint(ks[3], (E,), 0, N_TASTE, dtype=jnp.int32)
    inp["edge_index"] = jnp.stack([src, dst], axis=0)
    inp["W_ing"] = jax.random.normal(ks[4], (D, D), dtype=jnp.float32) * s
    inp["b_ing"] = jnp.zeros((D,), dtype=jnp.float32)
    inp["W_taste"] = jax.random.normal(ks[5], (D, D), dtype=jnp.float32) * s
    inp["b_taste"] = jnp.zeros((D,), dtype=jnp.float32)
    inp["att_src"] = jax.random.normal(ks[6], (1, 1, D), dtype=jnp.float32) * s
    inp["att_dst"] = jax.random.normal(ks[7], (1, 1, D), dtype=jnp.float32) * s
    inp["W_k"] = jax.random.normal(ks[8], (D, D), dtype=jnp.float32) * s
    inp["b_k"] = jnp.zeros((D,), dtype=jnp.float32)
    inp["q"] = jax.random.normal(ks[9], (1, D), dtype=jnp.float32) * s
    return inp

def reference(x_ingredient, x_taste, edge_index, W_ing, b_ing, W_taste, b_taste, att_src, att_dst, W_k, b_k, q):
    # TasteGNN: dropout(0.4) is identity in eval mode; HANConv(heads=1) on single edge type (ingredient->taste)
    src = edge_index[0]
    dst = edge_index[1]
    x_src = (x_ingredient @ W_ing.T + b_ing).reshape(-1, 1, D)
    x_dst = (x_taste @ W_taste.T + b_taste).reshape(-1, 1, D)
    alpha_src = (x_src * att_src).sum(-1)  # (N_ING, 1)
    alpha_dst = (x_dst * att_dst).sum(-1)  # (N_TASTE, 1)
    alpha = alpha_src[src] + alpha_dst[dst]  # (E, 1)
    alpha = jax.nn.leaky_relu(alpha, negative_slope=0.2)
    m = jax.ops.segment_max(alpha, dst, num_segments=N_TASTE)
    alpha = jnp.exp(alpha - jax.lax.stop_gradient(m)[dst])
    denom = jax.ops.segment_sum(alpha, dst, num_segments=N_TASTE)
    alpha = alpha / (denom[dst] + 1e-16)
    msg = (x_src[src] * alpha[:, :, None]).reshape(E, D)
    out = jax.ops.segment_sum(msg, dst, num_segments=N_TASTE)
    out = jax.nn.relu(out)
    # semantic attention (group) over the single metapath
    outs = out[None, :, :]  # (1, N_TASTE, D)
    k = jnp.tanh(outs @ W_k.T + b_k).mean(axis=1)  # (1, D)
    attn_score = (q * k).sum(-1)  # (1,)
    attn = jax.nn.softmax(attn_score, axis=0)
    out = (attn.reshape(-1, 1, 1) * outs).sum(axis=0)  # (N_TASTE, D)
    return jax.nn.gelu(out, approximate=False)

if __name__ == "__main__":
    import jax
    _d = setup_inputs()
    print(jax.jit(kernel)(*tuple(_d.values())))

</pallas_src>

<mosaic_0001>
#map = affine_map<(d0, d1) -> (0, 0)>
#map1 = affine_map<(d0, d1) -> (0)>
#map2 = affine_map<(d0, d1) -> (0, 0, 0, 0)>
module attributes {stable_mosaic.version = 14 : i64} {
  func.func @_edge_body(%arg0: i32, %arg1: i32, %arg2: memref<10000x72xf32, #tpu.memory_space<hbm>>, %arg3: memref<10000x72xf32, #tpu.memory_space<hbm>>, %arg4: memref<32x10000xi32, #tpu.memory_space<hbm>>, %arg5: memref<32x10000xi32, #tpu.memory_space<hbm>>, %arg6: memref<10000xf32, #tpu.memory_space<hbm>>, %arg7: memref<10000xf32, #tpu.memory_space<hbm>>, %arg8: memref<2x2x10112x72xf32, #tpu.memory_space<hbm>>, %arg9: memref<10000xf32, #tpu.memory_space<vmem>>, %arg10: memref<10000xf32, #tpu.memory_space<vmem>>, %arg11: memref<10000xi32, #tpu.memory_space<vmem>>, %arg12: memref<10000xi32, #tpu.memory_space<vmem>>, %arg13: memref<10000xf32, #tpu.memory_space<vmem>>, %arg14: memref<80x72xf32, #tpu.memory_space<vmem>>, %arg15: memref<80x72xf32, #tpu.memory_space<vmem>>, %arg16: memref<80xi32, #tpu.memory_space<vmem>>, %arg17: memref<80xi32, #tpu.memory_space<vmem>>, %arg18: memref<80xi32, #tpu.memory_space<vmem>>, %arg19: memref<80xi32, #tpu.memory_space<vmem>>, %arg20: memref<10112x72xf32, #tpu.memory_space<vmem_shared>>, %arg21: memref<!tpu.dma_semaphore, #tpu.memory_space<semaphore_mem>>, %arg22: memref<!tpu.dma_semaphore, #tpu.memory_space<semaphore_mem>>, %arg23: memref<!tpu.dma_semaphore, #tpu.memory_space<semaphore_mem>>, %arg24: memref<!tpu.dma_semaphore, #tpu.memory_space<semaphore_mem>>) attributes {dimension_semantics = [#tpu.dimension_semantics<core_parallel>, #tpu.dimension_semantics<subcore_parallel>], iteration_bounds = array<i64: 2, 16>, scalar_prefetch = 0 : i64, scratch_operands = 16 : i64, tpu.core_type = #tpu.core_type<sc_vector_subcore>, window_params = [{transform_indices = #map}, {transform_indices = #map}, {transform_indices = #map}, {transform_indices = #map}, {transform_indices = #map1}, {transform_indices = #map1}, {transform_indices = #map2}]} {
    %mul3A = arith.constant 16 : i32
    %mul3A_0 = arith.muli %arg0, %mul3A : i32
    %add3A = arith.addi %mul3A_0, %arg1 : i32
    %broadcast_in_dim3A = arith.constant 0.000000e+00 : f32
    %broadcast_in_dim3A_1 = vector.broadcast %broadcast_in_dim3A : f32 to vector<16xf32>
    "tpu.region"() ({
      %run_scoped3A_430 = tpu.sem_alloc : memref<!tpu.dma_semaphore, #tpu.memory_space<semaphore_mem>>
      %dma_start3A_431 = arith.constant 0 : i32
      %dma_start3A_432 = tpu.memref_slice %arg4[%add3A, %dma_start3A_431] : memref<32x10000xi32, #tpu.memory_space<hbm>> -> memref<1x10000xi32, #tpu.memory_space<hbm>>
      %dma_start3A_433 = tpu.memref_squeeze %dma_start3A_432 : memref<1x10000xi32, #tpu.memory_space<hbm>> -> memref<10000xi32, #tpu.memory_space<hbm>>
      %dma_start3A_434 = arith.constant 0 : i32
      %dma_start3A_435 = tpu.memref_slice %arg4[%add3A, %dma_start3A_434] : memref<32x10000xi32, #tpu.memory_space<hbm>> -> memref<1x10000xi32, #tpu.memory_space<hbm>>
      %dma_start3A_436 = tpu.memref_squeeze %dma_start3A_435 : memref<1x10000xi32, #tpu.memory_space<hbm>> -> memref<10000xi32, #tpu.memory_space<hbm>>
      tpu.enqueue_dma source(%dma_start3A_436 : memref<10000xi32, #tpu.memory_space<hbm>>) target(%arg11 : memref<10000xi32, #tpu.memory_space<vmem>>) target_semaphore(%run_scoped3A_430 : memref<!tpu.dma_semaphore, #tpu.memory_space<semaphore_mem>>)
      %dma_wait3A_437 = arith.constant 0 : i32
      %dma_wait3A_438 = tpu.memref_slice %arg4[%add3A, %dma_wait3A_437] : memref<32x10000xi32, #tpu.memory_space<hbm>> -> memref<1x10000xi32, #tpu.memory_space<hbm>>
      %dma_wait3A_439 = tpu.memref_squeeze %dma_wait3A_438 : memref<1x10000xi32, #tpu.memory_space<hbm>> -> memref<10000xi32, #tpu.memory_space<hbm>>
      %dma_wait3A_440 = arith.constant 0 : i32
      %dma_wait3A_441 = tpu.memref_slice %arg4[%add3A, %dma_wait3A_440] : memref<32x10000xi32, #tpu.memory_space<hbm>> -> memref<1x10000xi32, #tpu.memory_space<hbm>>
      %dma_wait3A_442 = tpu.memref_squeeze %dma_wait3A_441 : memref<1x10000xi32, #tpu.memory_space<hbm>> -> memref<10000xi32, #tpu.memory_space<hbm>>
      tpu.wait_dma2 semaphore(%run_scoped3A_430 : memref<!tpu.dma_semaphore, #tpu.memory_space<semaphore_mem>>) src(%dma_wait3A_442 : memref<10000xi32, #tpu.memory_space<hbm>>) dst(%arg11 : memref<10000xi32, #tpu.memory_space<vmem>>)
      tpu.yield
    }) : () -> ()
    "tpu.region"() ({
      %run_scoped3A_430 = tpu.sem_alloc : memref<!tpu.dma_semaphore, #tpu.memory_space<semaphore_mem>>
      %dma_start3A_431 = arith.constant 0 : i32
      %dma_start3A_432 = tpu.memref_slice %arg5[%add3A, %dma_start3A_431] : memref<32x10000xi32, #tpu.memory_space<hbm>> -> memref<1x10000xi32, #tpu.memory_space<hbm>>
      %dma_start3A_433 = tpu.memref_squeeze %dma_start3A_432 : memref<1x10000xi32, #tpu.memory_space<hbm>> -> memref<10000xi32, #tpu.memory_space<hbm>>
      %dma_start3A_434 = arith.constant 0 : i32
      %dma_start3A_435 = tpu.memref_slice %arg5[%add3A, %dma_start3A_434] : memref<32x10000xi32, #tpu.memory_space<hbm>> -> memref<1x10000xi32, #tpu.memory_space<hbm>>
      %dma_start3A_436 = tpu.memref_squeeze %dma_start3A_435 : memref<1x10000xi32, #tpu.memory_space<hbm>> -> memref<10000xi32, #tpu.memory_space<hbm>>
      tpu.enqueue_dma source(%dma_start3A_436 : memref<10000xi32, #tpu.memory_space<hbm>>) target(%arg12 : memref<10000xi32, #tpu.memory_space<vmem>>) target_semaphore(%run_scoped3A_430 : memref<!tpu.dma_semaphore, #tpu.memory_space<semaphore_mem>>)
      %dma_wait3A_437 = arith.constant 0 : i32
      %dma_wait3A_438 = tpu.memref_slice %arg5[%add3A, %dma_wait3A_437] : memref<32x10000xi32, #tpu.memory_space<hbm>> -> memref<1x10000xi32, #tpu.memory_space<hbm>>
      %dma_wait3A_439 = tpu.memref_squeeze %dma_wait3A_438 : memref<1x10000xi32, #tpu.memory_space<hbm>> -> memref<10000xi32, #tpu.memory_space<hbm>>
      %dma_wait3A_440 = arith.constant 0 : i32
      %dma_wait3A_441 = tpu.memref_slice %arg5[%add3A, %dma_wait3A_440] : memref<32x10000xi32, #tpu.memory_space<hbm>> -> memref<1x10000xi32, #tpu.memory_space<hbm>>
      %dma_wait3A_442 = tpu.memref_squeeze %dma_wait3A_441 : memref<1x10000xi32, #tpu.memory_space<hbm>> -> memref<10000xi32, #tpu.memory_space<hbm>>
      tpu.wait_dma2 semaphore(%run_scoped3A_430 : memref<!tpu.dma_semaphore, #tpu.memory_space<semaphore_mem>>) src(%dma_wait3A_442 : memref<10000xi32, #tpu.memory_space<hbm>>) dst(%arg12 : memref<10000xi32, #tpu.memory_space<vmem>>)
      tpu.yield
    }) : () -> ()
    "tpu.region"() ({
      %run_scoped3A_430 = tpu.sem_alloc : memref<!tpu.dma_semaphore, #tpu.memory_space<semaphore_mem>>
      tpu.enqueue_dma source(%arg6 : memref<10000xf32, #tpu.memory_space<hbm>>) target(%arg9 : memref<10000xf32, #tpu.memory_space<vmem>>) target_semaphore(%run_scoped3A_430 : memref<!tpu.dma_semaphore, #tpu.memory_space<semaphore_mem>>)
      tpu.wait_dma2 semaphore(%run_scoped3A_430 : memref<!tpu.dma_semaphore, #tpu.memory_space<semaphore_mem>>) src(%arg6 : memref<10000xf32, #tpu.memory_space<hbm>>) dst(%arg9 : memref<10000xf32, #tpu.memory_space<vmem>>)
      tpu.yield
    }) : () -> ()
    "tpu.region"() ({
      %run_scoped3A_430 = tpu.sem_alloc : memref<!tpu.dma_semaphore, #tpu.memory_space<semaphore_mem>>
      tpu.enqueue_dma source(%arg7 : memref<10000xf32, #tpu.memory_space<hbm>>) target(%arg10 : memref<10000xf32, #tpu.memory_space<vmem>>) target_semaphore(%run_scoped3A_430 : memref<!tpu.dma_semaphore, #tpu.memory_space<semaphore_mem>>)
      tpu.wait_dma2 semaphore(%run_scoped3A_430 : memref<!tpu.dma_semaphore, #tpu.memory_space<semaphore_mem>>) src(%arg7 : memref<10000xf32, #tpu.memory_space<hbm>>) dst(%arg10 : memref<10000xf32, #tpu.memory_space<vmem>>)
      tpu.yield
    }) : () -> ()
    %scan3A = arith.constant 0 : i32
    %scan3A_2 = arith.constant 0 : i32
    %scan3A_3 = arith.constant 625 : i32
    %scan3A_4 = arith.addi %scan3A_2, %scan3A_3 : i32
    %scan3A_5 = arith.constant 1 : i32
    scf.for %scan3A_430 = %scan3A_2 to %scan3A_4 step %scan3A_5  : i32 {
      %mul3A_431 = arith.constant 16 : i32
      %mul3A_432 = arith.muli %scan3A_430, %mul3A_431 : i32
      %get3A_433 = arith.index_cast %mul3A_432 : i32 to index
      %get3A_434 = tpu.vector_load %arg11[%get3A_433] {strides = array<i32>} : memref<10000xi32, #tpu.memory_space<vmem>>, vector<16xi32>,
      %mul3A_435 = arith.constant 16 : i32
      %mul3A_436 = arith.muli %scan3A_430, %mul3A_435 : i32
      %get3A_437 = arith.index_cast %mul3A_436 : i32 to index
      %get3A_438 = tpu.vector_load %arg12[%get3A_437] {strides = array<i32>} : memref<10000xi32, #tpu.memory_space<vmem>>, vector<16xi32>,
      %gather3A = tpu.vector_load_idx %arg9[%get3A_434] : memref<10000xf32, #tpu.memory_space<vmem>>[vector<16xi32>], vector<16xf32>,
      %gather3A_439 = tpu.vector_load_idx %arg10[%get3A_438] : memref<10000xf32, #tpu.memory_space<vmem>>[vector<16xi32>], vector<16xf32>,
      %add3A_440 = arith.addf %gather3A, %gather3A_439 : vector<16xf32>
      %ge3A = arith.constant 0.000000e+00 : f32
      %ge3A_441 = vector.broadcast %ge3A : f32 to vector<16xf32>
      %ge3A_442 = arith.cmpf oge, %add3A_440, %ge3A_441 : vector<16xf32>
      %mul3A_443 = arith.constant 2.000000e-01 : f32
      %mul3A_444 = vector.broadcast %mul3A_443 : f32 to vector<16xf32>
      %mul3A_445 = arith.mulf %mul3A_444, %add3A_440 : vector<16xf32>
      %select_n3A = arith.select %ge3A_442, %add3A_440, %mul3A_445 : vector<16xi1>, vector<16xf32>
      %exp3A = math.exp %select_n3A : vector<16xf32>
      %mul3A_446 = arith.constant 16 : i32
      %mul3A_447 = arith.muli %scan3A_430, %mul3A_446 : i32
      %swap3A_448 = arith.index_cast %mul3A_447 : i32 to index
      %swap3A_449 = tpu.vector_load %arg13[%swap3A_448] {strides = array<i32>} : memref<10000xf32, #tpu.memory_space<vmem>>, vector<16xf32>,
      tpu.vector_store %arg13[%swap3A_448], %exp3A {strides = array<i32>} : memref<10000xf32, #tpu.memory_space<vmem>>, vector<16xf32>,
    }
    %scan3A_6 = arith.constant 625 : i32
    %iota3A = tpu.iota {dimensions = array<i32: 0>} : vector<16xi32>
    %broadcast_in_dim3A_7 = arith.constant 0 : i32
    %broadcast_in_dim3A_8 = vector.broadcast %broadcast_in_dim3A_7 : i32 to vector<16xi32>
    %scan3A_9 = arith.constant 0 : i32
    %scan3A_10 = arith.constant 0 : i32
    %scan3A_11 = arith.constant 80 : i32
    %scan3A_12 = arith.addi %scan3A_10, %scan3A_11 : i32
    %scan3A_13 = arith.constant 1 : i32
    scf.for %scan3A_430 = %scan3A_10 to %scan3A_12 step %scan3A_13  : i32 {
      %swap3A_431 = arith.index_cast %scan3A_430 : i32 to index
      %swap3A_432 = arith.constant 0 : index
      %swap3A_433 = tpu.vector_load %arg14[%swap3A_431, %swap3A_432] {strides = array<i32>} : memref<80x72xf32, #tpu.memory_space<vmem>>, vector<16xf32>,
      tpu.vector_store %arg14[%swap3A_431, %swap3A_432], %broadcast_in_dim3A_1 {strides = array<i32>} : memref<80x72xf32, #tpu.memory_space<vmem>>, vector<16xf32>,
      %swap3A_434 = arith.index_cast %scan3A_430 : i32 to index
      %swap3A_435 = arith.constant 16 : index
      %swap3A_436 = tpu.vector_load %arg14[%swap3A_434, %swap3A_435] {strides = array<i32>} : memref<80x72xf32, #tpu.memory_space<vmem>>, vector<16xf32>,
      tpu.vector_store %arg14[%swap3A_434, %swap3A_435], %broadcast_in_dim3A_1 {strides = array<i32>} : memref<80x72xf32, #tpu.memory_space<vmem>>, vector<16xf32>,
      %swap3A_437 = arith.index_cast %scan3A_430 : i32 to index
      %swap3A_438 = arith.constant 32 : index
      %swap3A_439 = tpu.vector_load %arg14[%swap3A_437, %swap3A_438] {strides = array<i32>} : memref<80x72xf32, #tpu.memory_space<vmem>>, vector<16xf32>,
      tpu.vector_store %arg14[%swap3A_437, %swap3A_438], %broadcast_in_dim3A_1 {strides = array<i32>} : memref<80x72xf32, #tpu.memory_space<vmem>>, vector<16xf32>,
      %swap3A_440 = arith.index_cast %scan3A_430 : i32 to index
      %swap3A_441 = arith.constant 48 : index
      %swap3A_442 = tpu.vector_load %arg14[%swap3A_440, %swap3A_441] {strides = array<i32>} : memref<80x72xf32, #tpu.memory_space<vmem>>, vector<16xf32>,
      tpu.vector_store %arg14[%swap3A_440, %swap3A_441], %broadcast_in_dim3A_1 {strides = array<i32>} : memref<80x72xf32, #tpu.memory_space<vmem>>, vector<16xf32>,
      %swap3A_443 = arith.index_cast %scan3A_430 : i32 to index
      %swap3A_444 = arith.constant 56 : index
      %swap3A_445 = tpu.vector_load %arg14[%swap3A_443, %swap3A_444] {strides = array<i32>} : memref<80x72xf32, #tpu.memory_space<vmem>>, vector<16xf32>,
      tpu.vector_store %arg14[%swap3A_443, %swap3A_444], %broadcast_in_dim3A_1 {strides = array<i32>} : memref<80x72xf32, #tpu.memory_space<vmem>>, vector<16xf32>,
    }
    %scan3A_14 = arith.constant 80 : i32
    %mul3A_15 = arith.constant 632 : i32
    %mul3A_16 = arith.muli %arg1, %mul3A_15 : i32
    %add3A_17 = arith.constant 0 : i32
    %add3A_18 = arith.addi %mul3A_16, %add3A_17 : i32
    "tpu.region"() ({
      %run_scoped3A_430 = tpu.sem_alloc : memref<!tpu.dma_semaphore, #tpu.memory_space<semaphore_mem>>
      %dma_start3A_431 = arith.constant 0 : i32
      %dma_start3A_432 = tpu.memref_slice %arg20[%add3A_18, %dma_start3A_431] : memref<10112x72xf32, #tpu.memory_space<vmem_shared>> -> memref<80x72xf32, #tpu.memory_space<vmem_shared>>
      %dma_start3A_433 = arith.constant 0 : i32
      %dma_start3A_434 = tpu.memref_slice %arg20[%add3A_18, %dma_start3A_433] : memref<10112x72xf32, #tpu.memory_space<vmem_shared>> -> memref<80x72xf32, #tpu.memory_space<vmem_shared>>
      tpu.enqueue_dma source(%arg14 : memref<80x72xf32, #tpu.memory_space<vmem>>) target(%dma_start3A_434 : memref<80x72xf32, #tpu.memory_space<vmem_shared>>) target_semaphore(%run_scoped3A_430 : memref<!tpu.dma_semaphore, #tpu.memory_space<semaphore_mem>>)
      %dma_wait3A_435 = arith.constant 0 : i32
      %dma_wait3A_436 = tpu.memref_slice %arg20[%add3A_18, %dma_wait3A_435] : memref<10112x72xf32, #tpu.memory_space<vmem_shared>> -> memref<80x72xf32, #tpu.memory_space<vmem_shared>>
      %dma_wait3A_437 = arith.constant 0 : i32
      %dma_wait3A_438 = tpu.memref_slice %arg20[%add3A_18, %dma_wait3A_437] : memref<10112x72xf32, #tpu.memory_space<vmem_shared>> -> memref<80x72xf32, #tpu.memory_space<vmem_shared>>
      tpu.wait_dma2 semaphore(%run_scoped3A_430 : memref<!tpu.dma_semaphore, #tpu.memory_space<semaphore_mem>>) src(%arg14 : memref<80x72xf32, #tpu.memory_space<vmem>>) dst(%dma_wait3A_438 : memref<80x72xf32, #tpu.memory_space<vmem_shared>>)
      tpu.yield
    }) : () -> ()
    %add3A_19 = arith.constant 80 : i32
    %add3A_20 = arith.addi %mul3A_16, %add3A_19 : i32
    "tpu.region"() ({
      %run_scoped3A_430 = tpu.sem_alloc : memref<!tpu.dma_semaphore, #tpu.memory_space<semaphore_mem>>
      %dma_start3A_431 = arith.constant 0 : i32
      %dma_start3A_432 = tpu.memref_slice %arg20[%add3A_20, %dma_start3A_431] : memref<10112x72xf32, #tpu.memory_space<vmem_shared>> -> memref<80x72xf32, #tpu.memory_space<vmem_shared>>
      %dma_start3A_433 = arith.constant 0 : i32
      %dma_start3A_434 = tpu.memref_slice %arg20[%add3A_20, %dma_start3A_433] : memref<10112x72xf32, #tpu.memory_space<vmem_shared>> -> memref<80x72xf32, #tpu.memory_space<vmem_shared>>
      tpu.enqueue_dma source(%arg14 : memref<80x72xf32, #tpu.memory_space<vmem>>) target(%dma_start3A_434 : memref<80x72xf32, #tpu.memory_space<vmem_shared>>) target_semaphore(%run_scoped3A_430 : memref<!tpu.dma_semaphore, #tpu.memory_space<semaphore_mem>>)
      %dma_wait3A_435 = arith.constant 0 : i32
      %dma_wait3A_436 = tpu.memref_slice %arg20[%add3A_20, %dma_wait3A_435] : memref<10112x72xf32, #tpu.memory_space<vmem_shared>> -> memref<80x72xf32, #tpu.memory_space<vmem_shared>>
      %dma_wait3A_437 = arith.constant 0 : i32
      %dma_wait3A_438 = tpu.memref_slice %arg20[%add3A_20, %dma_wait3A_437] : memref<10112x72xf32, #tpu.memory_space<vmem_shared>> -> memref<80x72xf32, #tpu.memory_space<vmem_shared>>
      tpu.wait_dma2 semaphore(%run_scoped3A_430 : memref<!tpu.dma_semaphore, #tpu.memory_space<semaphore_mem>>) src(%arg14 : memref<80x72xf32, #tpu.memory_space<vmem>>) dst(%dma_wait3A_438 : memref<80x72xf32, #tpu.memory_space<vmem_shared>>)
      tpu.yield
    }) : () -> ()
    %add3A_21 = arith.constant 160 : i32
    %add3A_22 = arith.addi %mul3A_16, %add3A_21 : i32
    "tpu.region"() ({
      %run_scoped3A_430 = tpu.sem_alloc : memref<!tpu.dma_semaphore, #tpu.memory_space<semaphore_mem>>
      %dma_start3A_431 = arith.constant 0 : i32
      %dma_start3A_432 = tpu.memref_slice %arg20[%add3A_22, %dma_start3A_431] : memref<10112x72xf32, #tpu.memory_space<vmem_shared>> -> memref<80x72xf32, #tpu.memory_space<vmem_shared>>
      %dma_start3A_433 = arith.constant 0 : i32
      %dma_start3A_434 = tpu.memref_slice %arg20[%add3A_22, %dma_start3A_433] : memref<10112x72xf32, #tpu.memory_space<vmem_shared>> -> memref<80x72xf32, #tpu.memory_space<vmem_shared>>
      tpu.enqueue_dma source(%arg14 : memref<80x72xf32, #tpu.memory_space<vmem>>) target(%dma_start3A_434 : memref<80x72xf32, #tpu.memory_space<vmem_shared>>) target_semaphore(%run_scoped3A_430 : memref<!tpu.dma_semaphore, #tpu.memory_space<semaphore_mem>>)
      %dma_wait3A_435 = arith.constant 0 : i32
      %dma_wait3A_436 = tpu.memref_slice %arg20[%add3A_22, %dma_wait3A_435] : memref<10112x72xf32, #tpu.memory_space<vmem_shared>> -> memref<80x72xf32, #tpu.memory_space<vmem_shared>>
      %dma_wait3A_437 = arith.constant 0 : i32
      %dma_wait3A_438 = tpu.memref_slice %arg20[%add3A_22, %dma_wait3A_437] : memref<10112x72xf32, #tpu.memory_space<vmem_shared>> -> memref<80x72xf32, #tpu.memory_space<vmem_shared>>
      tpu.wait_dma2 semaphore(%run_scoped3A_430 : memref<!tpu.dma_semaphore, #tpu.memory_space<semaphore_mem>>) src(%arg14 : memref<80x72xf32, #tpu.memory_space<vmem>>) dst(%dma_wait3A_438 : memref<80x72xf32, #tpu.memory_space<vmem_shared>>)
      tpu.yield
    }) : () -> ()
    %add3A_23 = arith.constant 240 : i32
    %add3A_24 = arith.addi %mul3A_16, %add3A_23 : i32
    "tpu.region"() ({
      %run_scoped3A_430 = tpu.sem_alloc : memref<!tpu.dma_semaphore, #tpu.memory_space<semaphore_mem>>
      %dma_start3A_431 = arith.constant 0 : i32
      %dma_start3A_432 = tpu.memref_slice %arg20[%add3A_24, %dma_start3A_431] : memref<10112x72xf32, #tpu.memory_space<vmem_shared>> -> memref<80x72xf32, #tpu.memory_space<vmem_shared>>
      %dma_start3A_433 = arith.constant 0 : i32
      %dma_start3A_434 = tpu.memref_slice %arg20[%add3A_24, %dma_start3A_433] : memref<10112x72xf32, #tpu.memory_space<vmem_shared>> -> memref<80x72xf32, #tpu.memory_space<vmem_shared>>
      tpu.enqueue_dma source(%arg14 : memref<80x72xf32, #tpu.memory_space<vmem>>) target(%dma_start3A_434 : memref<80x72xf32, #tpu.memory_space<vmem_shared>>) target_semaphore(%run_scoped3A_430 : memref<!tpu.dma_semaphore, #tpu.memory_space<semaphore_mem>>)
      %dma_wait3A_435 = arith.constant 0 : i32
      %dma_wait3A_436 = tpu.memref_slice %arg20[%add3A_24, %dma_wait3A_435] : memref<10112x72xf32, #tpu.memory_space<vmem_shared>> -> memref<80x72xf32, #tpu.memory_space<vmem_shared>>
      %dma_wait3A_437 = arith.constant 0 : i32
      %dma_wait3A_438 = tpu.memref_slice %arg20[%add3A_24, %dma_wait3A_437] : memref<10112x72xf32, #tpu.memory_space<vmem_shared>> -> memref<80x72xf32, #tpu.memory_space<vmem_shared>>
      tpu.wait_dma2 semaphore(%run_scoped3A_430 : memref<!tpu.dma_semaphore, #tpu.memory_space<semaphore_mem>>) src(%arg14 : memref<80x72xf32, #tpu.memory_space<vmem>>) dst(%dma_wait3A_438 : memref<80x72xf32, #tpu.memory_space<vmem_shared>>)
      tpu.yield
    }) : () -> ()
    %add3A_25 = arith.constant 320 : i32
    %add3A_26 = arith.addi %mul3A_16, %add3A_25 : i32
    "tpu.region"() ({
      %run_scoped3A_430 = tpu.sem_alloc : memref<!tpu.dma_semaphore, #tpu.memory_space<semaphore_mem>>
      %dma_start3A_431 = arith.constant 0 : i32
      %dma_start3A_432 = tpu.memref_slice %arg20[%add3A_26, %dma_start3A_431] : memref<10112x72xf32, #tpu.memory_space<vmem_shared>> -> memref<80x72xf32, #tpu.memory_space<vmem_shared>>
      %dma_start3A_433 = arith.constant 0 : i32
      %dma_start3A_434 = tpu.memref_slice %arg20[%add3A_26, %dma_start3A_433] : memref<10112x72xf32, #tpu.memory_space<vmem_shared>> -> memref<80x72xf32, #tpu.memory_space<vmem_shared>>
      tpu.enqueue_dma source(%arg14 : memref<80x72xf32, #tpu.memory_space<vmem>>) target(%dma_start3A_434 : memref<80x72xf32, #tpu.memory_space<vmem_shared>>) target_semaphore(%run_scoped3A_430 : memref<!tpu.dma_semaphore, #tpu.memory_space<semaphore_mem>>)
      %dma_wait3A_435 = arith.constant 0 : i32
      %dma_wait3A_436 = tpu.memref_slice %arg20[%add3A_26, %dma_wait3A_435] : memref<10112x72xf32, #tpu.memory_space<vmem_shared>> -> memref<80x72xf32, #tpu.memory_space<vmem_shared>>
      %dma_wait3A_437 = arith.constant 0 : i32
      %dma_wait3A_438 = tpu.memref_slice %arg20[%add3A_26, %dma_wait3A_437] : memref<10112x72xf32, #tpu.memory_space<vmem_shared>> -> memref<80x72xf32, #tpu.memory_space<vmem_shared>>
      tpu.wait_dma2 semaphore(%run_scoped3A_430 : memref<!tpu.dma_semaphore, #tpu.memory_space<semaphore_mem>>) src(%arg14 : memref<80x72xf32, #tpu.memory_space<vmem>>) dst(%dma_wait3A_438 : memref<80x72xf32, #tpu.memory_space<vmem_shared>>)
      tpu.yield
    }) : () -> ()
    %add3A_27 = arith.constant 400 : i32
    %add3A_28 = arith.addi %mul3A_16, %add3A_27 : i32
    "tpu.region"() ({
      %run_scoped3A_430 = tpu.sem_alloc : memref<!tpu.dma_semaphore, #tpu.memory_space<semaphore_mem>>
      %dma_start3A_431 = arith.constant 0 : i32
      %dma_start3A_432 = tpu.memref_slice %arg20[%add3A_28, %dma_start3A_431] : memref<10112x72xf32, #tpu.memory_space<vmem_shared>> -> memref<80x72xf32, #tpu.memory_space<vmem_shared>>
      %dma_start3A_433 = arith.constant 0 : i32
      %dma_start3A_434 = tpu.memref_slice %arg20[%add3A_28, %dma_start3A_433] : memref<10112x72xf32, #tpu.memory_space<vmem_shared>> -> memref<80x72xf32, #tpu.memory_space<vmem_shared>>
      tpu.enqueue_dma source(%arg14 : memref<80x72xf32, #tpu.memory_space<vmem>>) target(%dma_start3A_434 : memref<80x72xf32, #tpu.memory_space<vmem_shared>>) target_semaphore(%run_scoped3A_430 : memref<!tpu.dma_semaphore, #tpu.memory_space<semaphore_mem>>)
      %dma_wait3A_435 = arith.constant 0 : i32
      %dma_wait3A_436 = tpu.memref_slice %arg20[%add3A_28, %dma_wait3A_435] : memref<10112x72xf32, #tpu.memory_space<vmem_shared>> -> memref<80x72xf32, #tpu.memory_space<vmem_shared>>
      %dma_wait3A_437 = arith.constant 0 : i32
      %dma_wait3A_438 = tpu.memref_slice %arg20[%add3A_28, %dma_wait3A_437] : memref<10112x72xf32, #tpu.memory_space<vmem_shared>> -> memref<80x72xf32, #tpu.memory_space<vmem_shared>>
      tpu.wait_dma2 semaphore(%run_scoped3A_430 : memref<!tpu.dma_semaphore, #tpu.memory_space<semaphore_mem>>) src(%arg14 : memref<80x72xf32, #tpu.memory_space<vmem>>) dst(%dma_wait3A_438 : memref<80x72xf32, #tpu.memory_space<vmem_shared>>)
      tpu.yield
    }) : () -> ()
    %add3A_29 = arith.constant 480 : i32
    %add3A_30 = arith.addi %mul3A_16, %add3A_29 : i32
    "tpu.region"() ({
      %run_scoped3A_430 = tpu.sem_alloc : memref<!tpu.dma_semaphore, #tpu.memory_space<semaphore_mem>>
      %dma_start3A_431 = arith.constant 0 : i32
      %dma_start3A_432 = tpu.memref_slice %arg20[%add3A_30, %dma_start3A_431] : memref<10112x72xf32, #tpu.memory_space<vmem_shared>> -> memref<80x72xf32, #tpu.memory_space<vmem_shared>>
      %dma_start3A_433 = arith.constant 0 : i32
      %dma_start3A_434 = tpu.memref_slice %arg20[%add3A_30, %dma_start3A_433] : memref<10112x72xf32, #tpu.memory_space<vmem_shared>> -> memref<80x72xf32, #tpu.memory_space<vmem_shared>>
      tpu.enqueue_dma source(%arg14 : memref<80x72xf32, #tpu.memory_space<vmem>>) target(%dma_start3A_434 : memref<80x72xf32, #tpu.memory_space<vmem_shared>>) target_semaphore(%run_scoped3A_430 : memref<!tpu.dma_semaphore, #tpu.memory_space<semaphore_mem>>)
      %dma_wait3A_435 = arith.constant 0 : i32
      %dma_wait3A_436 = tpu.memref_slice %arg20[%add3A_30, %dma_wait3A_435] : memref<10112x72xf32, #tpu.memory_space<vmem_shared>> -> memref<80x72xf32, #tpu.memory_space<vmem_shared>>
      %dma_wait3A_437 = arith.constant 0 : i32
      %dma_wait3A_438 = tpu.memref_slice %arg20[%add3A_30, %dma_wait3A_437] : memref<10112x72xf32, #tpu.memory_space<vmem_shared>> -> memref<80x72xf32, #tpu.memory_space<vmem_shared>>
      tpu.wait_dma2 semaphore(%run_scoped3A_430 : memref<!tpu.dma_semaphore, #tpu.memory_space<semaphore_mem>>) src(%arg14 : memref<80x72xf32, #tpu.memory_space<vmem>>) dst(%dma_wait3A_438 : memref<80x72xf32, #tpu.memory_space<vmem_shared>>)
      tpu.yield
    }) : () -> ()
    %add3A_31 = arith.constant 632 : i32
    %add3A_32 = arith.addi %mul3A_16, %add3A_31 : i32
    %sub3A = arith.constant 72 : i32
    %sub3A_33 = arith.subi %add3A_32, %sub3A : i32
    "tpu.region"() ({
      %run_scoped3A_430 = tpu.sem_alloc : memref<!tpu.dma_semaphore, #tpu.memory_space<semaphore_mem>>
      %dma_start3A_431 = arith.constant 0 : i32
      %dma_start3A_432 = arith.constant 0 : i32
      %dma_start3A_433 = tpu.memref_slice %arg14[%dma_start3A_431, %dma_start3A_432] : memref<80x72xf32, #tpu.memory_space<vmem>> -> memref<72x72xf32, #tpu.memory_space<vmem>>
      %dma_start3A_434 = arith.constant 0 : i32
      %dma_start3A_435 = tpu.memref_slice %arg20[%sub3A_33, %dma_start3A_434] : memref<10112x72xf32, #tpu.memory_space<vmem_shared>> -> memref<72x72xf32, #tpu.memory_space<vmem_shared>>
      %dma_start3A_436 = arith.constant 0 : i32
      %dma_start3A_437 = tpu.memref_slice %arg20[%sub3A_33, %dma_start3A_436] : memref<10112x72xf32, #tpu.memory_space<vmem_shared>> -> memref<72x72xf32, #tpu.memory_space<vmem_shared>>
      %dma_start3A_438 = arith.constant 0 : i32
      %dma_start3A_439 = arith.constant 0 : i32
      %dma_start3A_440 = tpu.memref_slice %arg14[%dma_start3A_438, %dma_start3A_439] : memref<80x72xf32, #tpu.memory_space<vmem>> -> memref<72x72xf32, #tpu.memory_space<vmem>>
      tpu.enqueue_dma source(%dma_start3A_440 : memref<72x72xf32, #tpu.memory_space<vmem>>) target(%dma_start3A_437 : memref<72x72xf32, #tpu.memory_space<vmem_shared>>) target_semaphore(%run_scoped3A_430 : memref<!tpu.dma_semaphore, #tpu.memory_space<semaphore_mem>>)
      %dma_wait3A_441 = arith.constant 0 : i32
      %dma_wait3A_442 = arith.constant 0 : i32
      %dma_wait3A_443 = tpu.memref_slice %arg14[%dma_wait3A_441, %dma_wait3A_442] : memref<80x72xf32, #tpu.memory_space<vmem>> -> memref<72x72xf32, #tpu.memory_space<vmem>>
      %dma_wait3A_444 = arith.constant 0 : i32
      %dma_wait3A_445 = tpu.memref_slice %arg20[%sub3A_33, %dma_wait3A_444] : memref<10112x72xf32, #tpu.memory_space<vmem_shared>> -> memref<72x72xf32, #tpu.memory_space<vmem_shared>>
      %dma_wait3A_446 = arith.constant 0 : i32
      %dma_wait3A_447 = tpu.memref_slice %arg20[%sub3A_33, %dma_wait3A_446] : memref<10112x72xf32, #tpu.memory_space<vmem_shared>> -> memref<72x72xf32, #tpu.memory_space<vmem_shared>>
      %dma_wait3A_448 = arith.constant 0 : i32
      %dma_wait3A_449 = arith.constant 0 : i32
      %dma_wait3A_450 = tpu.memref_slice %arg14[%dma_wait3A_448, %dma_wait3A_449] : memref<80x72xf32, #tpu.memory_space<vmem>> -> memref<72x72xf32, #tpu.memory_space<vmem>>
      tpu.wait_dma2 semaphore(%run_scoped3A_430 : memref<!tpu.dma_semaphore, #tpu.memory_space<semaphore_mem>>) src(%dma_wait3A_450 : memref<72x72xf32, #tpu.memory_space<vmem>>) dst(%dma_wait3A_447 : memref<72x72xf32, #tpu.memory_space<vmem_shared>>)
      tpu.yield
    }) : () -> ()
    %barrier3A = arith.constant 0 : index
    tpu.barrier barrier_id(%barrier3A)
    %get3A = arith.constant 0 : index
    %get3A_34 = tpu.vector_load %arg11[%get3A] {strides = array<i32>} : memref<10000xi32, #tpu.memory_space<vmem>>, vector<16xi32>,
    %swap3A = arith.constant 0 : index
    %swap3A_35 = tpu.vector_load %arg16[%swap3A] {strides = array<i32>} : memref<80xi32, #tpu.memory_space<vmem>>, vector<16xi32>,
    tpu.vector_store %arg16[%swap3A], %get3A_34 {strides = array<i32>} : memref<80xi32, #tpu.memory_space<vmem>>, vector<16xi32>,
    %get3A_36 = arith.constant 16 : index
    %get3A_37 = tpu.vector_load %arg11[%get3A_36] {strides = array<i32>} : memref<10000xi32, #tpu.memory_space<vmem>>, vector<16xi32>,
    %swap3A_38 = arith.constant 16 : index
    %swap3A_39 = tpu.vector_load %arg16[%swap3A_38] {strides = array<i32>} : memref<80xi32, #tpu.memory_space<vmem>>, vector<16xi32>,
    tpu.vector_store %arg16[%swap3A_38], %get3A_37 {strides = array<i32>} : memref<80xi32, #tpu.memory_space<vmem>>, vector<16xi32>,
    %get3A_40 = arith.constant 32 : index
    %get3A_41 = tpu.vector_load %arg11[%get3A_40] {strides = array<i32>} : memref<10000xi32, #tpu.memory_space<vmem>>, vector<16xi32>,
    %swap3A_42 = arith.constant 32 : index
    %swap3A_43 = tpu.vector_load %arg16[%swap3A_42] {strides = array<i32>} : memref<80xi32, #tpu.memory_space<vmem>>, vector<16xi32>,
    tpu.vector_store %arg16[%swap3A_42], %get3A_41 {strides = array<i32>} : memref<80xi32, #tpu.memory_space<vmem>>, vector<16xi32>,
    %get3A_44 = arith.constant 48 : index
    %get3A_45 = tpu.vector_load %arg11[%get3A_44] {strides = array<i32>} : memref<10000xi32, #tpu.memory_space<vmem>>, vector<16xi32>,
    %swap3A_46 = arith.constant 48 : index
    %swap3A_47 = tpu.vector_load %arg16[%swap3A_46] {strides = array<i32>} : memref<80xi32, #tpu.memory_space<vmem>>, vector<16xi32>,
    tpu.vector_store %arg16[%swap3A_46], %get3A_45 {strides = array<i32>} : memref<80xi32, #tpu.memory_space<vmem>>, vector<16xi32>,
    %get3A_48 = arith.constant 64 : index
    %get3A_49 = tpu.vector_load %arg11[%get3A_48] {strides = array<i32>} : memref<10000xi32, #tpu.memory_space<vmem>>, vector<16xi32>,
    %swap3A_50 = arith.constant 64 : index
    %swap3A_51 = tpu.vector_load %arg16[%swap3A_50] {strides = array<i32>} : memref<80xi32, #tpu.memory_space<vmem>>, vector<16xi32>,
    tpu.vector_store %arg16[%swap3A_50], %get3A_49 {strides = array<i32>} : memref<80xi32, #tpu.memory_space<vmem>>, vector<16xi32>,
    %dma_start3A = arith.constant 0 : i32
    %dma_start3A_52 = arith.constant 0 : i32
    %dma_start3A_53 = tpu.memref_slice %arg2[%dma_start3A, %dma_start3A_52] : memref<10000x72xf32, #tpu.memory_space<hbm>> -> memref<10000x72xf32, #tpu.memory_space<hbm>>
    tpu.enqueue_indirect_dma source(%dma_start3A_53 : memref<10000x72xf32, #tpu.memory_space<hbm>>) target(%arg14 : memref<80x72xf32, #tpu.memory_space<vmem>>) offsets(%arg16 : memref<80xi32, #tpu.memory_space<vmem>>) semaphore(%arg21 : memref<!tpu.dma_semaphore, #tpu.memory_space<semaphore_mem>>)
    %get3A_54 = arith.constant 80 : index
    %get3A_55 = tpu.vector_load %arg11[%get3A_54] {strides = array<i32>} : memref<10000xi32, #tpu.memory_space<vmem>>, vector<16xi32>,
    %swap3A_56 = arith.constant 0 : index
    %swap3A_57 = tpu.vector_load %arg17[%swap3A_56] {strides = array<i32>} : memref<80xi32, #tpu.memory_space<vmem>>, vector<16xi32>,
    tpu.vector_store %arg17[%swap3A_56], %get3A_55 {strides = array<i32>} : memref<80xi32, #tpu.memory_space<vmem>>, vector<16xi32>,
    %get3A_58 = arith.constant 96 : index
    %get3A_59 = tpu.vector_load %arg11[%get3A_58] {strides = array<i32>} : memref<10000xi32, #tpu.memory_space<vmem>>, vector<16xi32>,
    %swap3A_60 = arith.constant 16 : index
    %swap3A_61 = tpu.vector_load %arg17[%swap3A_60] {strides = array<i32>} : memref<80xi32, #tpu.memory_space<vmem>>, vector<16xi32>,
    tpu.vector_store %arg17[%swap3A_60], %get3A_59 {strides = array<i32>} : memref<80xi32, #tpu.memory_space<vmem>>, vector<16xi32>,
    %get3A_62 = arith.constant 112 : index
    %get3A_63 = tpu.vector_load %arg11[%get3A_62] {strides = array<i32>} : memref<10000xi32, #tpu.memory_space<vmem>>, vector<16xi32>,
    %swap3A_64 = arith.constant 32 : index
    %swap3A_65 = tpu.vector_load %arg17[%swap3A_64] {strides = array<i32>} : memref<80xi32, #tpu.memory_space<vmem>>, vector<16xi32>,
    tpu.vector_store %arg17[%swap3A_64], %get3A_63 {strides = array<i32>} : memref<80xi32, #tpu.memory_space<vmem>>, vector<16xi32>,
    %get3A_66 = arith.constant 128 : index
    %get3A_67 = tpu.vector_load %arg11[%get3A_66] {strides = array<i32>} : memref<10000xi32, #tpu.memory_space<vmem>>, vector<16xi32>,
    %swap3A_68 = arith.constant 48 : index
    %swap3A_69 = tpu.vector_load %arg17[%swap3A_68] {strides = array<i32>} : memref<80xi32, #tpu.memory_space<vmem>>, vector<16xi32>,
    tpu.vector_store %arg17[%swap3A_68], %get3A_67 {strides = array<i32>} : memref<80xi32, #tpu.memory_space<vmem>>, vector<16xi32>,
    %get3A_70 = arith.constant 144 : index
    %get3A_71 = tpu.vector_load %arg11[%get3A_70] {strides = array<i32>} : memref<10000xi32, #tpu.memory_space<vmem>>, vector<16xi32>,
    %swap3A_72 = arith.constant 64 : index
    %swap3A_73 = tpu.vector_load %arg17[%swap3A_72] {strides = array<i32>} : memref<80xi32, #tpu.memory_space<vmem>>, vector<16xi32>,
    tpu.vector_store %arg17[%swap3A_72], %get3A_71 {strides = array<i32>} : memref<80xi32, #tpu.memory_space<vmem>>, vector<16xi32>,
    %dma_start3A_74 = arith.constant 0 : i32
    %dma_start3A_75 = arith.constant 0 : i32
    %dma_start3A_76 = tpu.memref_slice %arg2[%dma_start3A_74, %dma_start3A_75] : memref<10000x72xf32, #tpu.memory_space<hbm>> -> memref<10000x72xf32, #tpu.memory_space<hbm>>
    tpu.enqueue_indirect_dma source(%dma_start3A_76 : memref<10000x72xf32, #tpu.memory_space<hbm>>) target(%arg15 : memref<80x72xf32, #tpu.memory_space<vmem>>) offsets(%arg17 : memref<80xi32, #tpu.memory_space<vmem>>) semaphore(%arg22 : memref<!tpu.dma_semaphore, #tpu.memory_space<semaphore_mem>>)
    %dma_wait3A = arith.constant 0 : i32
    %dma_wait3A_77 = arith.constant 0 : i32
    %dma_wait3A_78 = tpu.memref_slice %arg2[%dma_wait3A, %dma_wait3A_77] : memref<10000x72xf32, #tpu.memory_space<hbm>> -> memref<10000x72xf32, #tpu.memory_space<hbm>>
    tpu.wait_indirect_dma semaphore(%arg21 : memref<!tpu.dma_semaphore, #tpu.memory_space<semaphore_mem>>) src(%dma_wait3A_78 : memref<10000x72xf32, #tpu.memory_space<hbm>>) dst(%arg14 : memref<80x72xf32, #tpu.memory_space<vmem>>)
    %scan3A_79 = arith.constant 0 : i32
    %scan3A_80 = arith.constant 0 : i32
    %scan3A_81 = arith.constant 80 : i32
    %scan3A_82 = arith.addi %scan3A_80, %scan3A_81 : i32
    %scan3A_83 = arith.constant 1 : i32
    scf.for %scan3A_430 = %scan3A_80 to %scan3A_82 step %scan3A_83  : i32 {
      %add3A_431 = arith.constant 0 : i32
      %add3A_432 = arith.addi %add3A_431, %scan3A_430 : i32
      %add3A_433 = vector.broadcast %add3A_432 : i32 to vector<16xi32>
      %add3A_434 = arith.addi %broadcast_in_dim3A_8, %add3A_433 : vector<16xi32>
      %gather3A = tpu.vector_load_idx %arg13[%add3A_434] : memref<10000xf32, #tpu.memory_space<vmem>>[vector<16xi32>], vector<16xf32>,
      %get3A_435 = arith.index_cast %scan3A_430 : i32 to index
      %get3A_436 = arith.constant 0 : index
      %get3A_437 = tpu.vector_load %arg14[%get3A_435, %get3A_436] {strides = array<i32>} : memref<80x72xf32, #tpu.memory_space<vmem>>, vector<16xf32>,
      %mul3A_438 = arith.mulf %get3A_437, %gather3A : vector<16xf32>
      %swap3A_439 = arith.index_cast %scan3A_430 : i32 to index
      %swap3A_440 = arith.constant 0 : index
      %swap3A_441 = tpu.vector_load %arg14[%swap3A_439, %swap3A_440] {strides = array<i32>} : memref<80x72xf32, #tpu.memory_space<vmem>>, vector<16xf32>,
      tpu.vector_store %arg14[%swap3A_439, %swap3A_440], %mul3A_438 {strides = array<i32>} : memref<80x72xf32, #tpu.memory_space<vmem>>, vector<16xf32>,
      %get3A_442 = arith.index_cast %scan3A_430 : i32 to index
      %get3A_443 = arith.constant 16 : index
      %get3A_444 = tpu.vector_load %arg14[%get3A_442, %get3A_443] {strides = array<i32>} : memref<80x72xf32, #tpu.memory_space<vmem>>, vector<16xf32>,
      %mul3A_445 = arith.mulf %get3A_444, %gather3A : vector<16xf32>
      %swap3A_446 = arith.index_cast %scan3A_430 : i32 to index
      %swap3A_447 = arith.constant 16 : index
      %swap3A_448 = tpu.vector_load %arg14[%swap3A_446, %swap3A_447] {strides = array<i32>} : memref<80x72xf32, #tpu.memory_space<vmem>>, vector<16xf32>,
      tpu.vector_store %arg14[%swap3A_446, %swap3A_447], %mul3A_445 {strides = array<i32>} : memref<80x72xf32, #tpu.memory_space<vmem>>, vector<16xf32>,
      %get3A_449 = arith.index_cast %scan3A_430 : i32 to index
      %get3A_450 = arith.constant 32 : index
      %get3A_451 = tpu.vector_load %arg14[%get3A_449, %get3A_450] {strides = array<i32>} : memref<80x72xf32, #tpu.memory_space<vmem>>, vector<16xf32>,
      %mul3A_452 = arith.mulf %get3A_451, %gather3A : vector<16xf32>
      %swap3A_453 = arith.index_cast %scan3A_430 : i32 to index
      %swap3A_454 = arith.constant 32 : index
      %swap3A_455 = tpu.vector_load %arg14[%swap3A_453, %swap3A_454] {strides = array<i32>} : memref<80x72xf32, #tpu.memory_space<vmem>>, vector<16xf32>,
      tpu.vector_store %arg14[%swap3A_453, %swap3A_454], %mul3A_452 {strides = array<i32>} : memref<80x72xf32, #tpu.memory_space<vmem>>, vector<16xf32>,
      %get3A_456 = arith.index_cast %scan3A_430 : i32 to index
      %get3A_457 = arith.constant 48 : index
      %get3A_458 = tpu.vector_load %arg14[%get3A_456, %get3A_457] {strides = array<i32>} : memref<80x72xf32, #tpu.memory_space<vmem>>, vector<16xf32>,
      %mul3A_459 = arith.mulf %get3A_458, %gather3A : vector<16xf32>
      %swap3A_460 = arith.index_cast %scan3A_430 : i32 to index
      %swap3A_461 = arith.constant 48 : index
      %swap3A_462 = tpu.vector_load %arg14[%swap3A_460, %swap3A_461] {strides = array<i32>} : memref<80x72xf32, #tpu.memory_space<vmem>>, vector<16xf32>,
      tpu.vector_store %arg14[%swap3A_460, %swap3A_461], %mul3A_459 {strides = array<i32>} : memref<80x72xf32, #tpu.memory_space<vmem>>, vector<16xf32>,
      %lt3A = arith.constant 8 : i32
      %lt3A_463 = vector.broadcast %lt3A : i32 to vector<16xi32>
      %lt3A_464 = arith.cmpi slt, %iota3A, %lt3A_463 : vector<16xi32>
      %jit3A = arith.constant 1.000000e+00 : f32
      %broadcast_in_dim3A_465 = vector.broadcast %jit3A : f32 to vector<16xf32>
      %select_n3A = arith.select %lt3A_464, %broadcast_in_dim3A_465, %gather3A : vector<16xi1>, vector<16xf32>
      %get3A_466 = arith.index_cast %scan3A_430 : i32 to index
      %get3A_467 = arith.constant 56 : index
      %get3A_468 = tpu.vector_load %arg14[%get3A_466, %get3A_467] {strides = array<i32>} : memref<80x72xf32, #tpu.memory_space<vmem>>, vector<16xf32>,
      %mul3A_469 = arith.mulf %get3A_468, %select_n3A : vector<16xf32>
      %swap3A_470 = arith.index_cast %scan3A_430 : i32 to index
      %swap3A_471 = arith.constant 56 : index
      %swap3A_472 = tpu.vector_load %arg14[%swap3A_470, %swap3A_471] {strides = array<i32>} : memref<80x72xf32, #tpu.memory_space<vmem>>, vector<16xf32>,
      tpu.vector_store %arg14[%swap3A_470, %swap3A_471], %mul3A_469 {strides = array<i32>} : memref<80x72xf32, #tpu.memory_space<vmem>>, vector<16xf32>,
    }
    %scan3A_84 = arith.constant 80 : i32
    %get3A_85 = arith.constant 0 : index
    %get3A_86 = tpu.vector_load %arg12[%get3A_85] {strides = array<i32>} : memref<10000xi32, #tpu.memory_space<vmem>>, vector<16xi32>,
    %swap3A_87 = arith.constant 0 : index
    %swap3A_88 = tpu.vector_load %arg18[%swap3A_87] {strides = array<i32>} : memref<80xi32, #tpu.memory_space<vmem>>, vector<16xi32>,
    tpu.vector_store %arg18[%swap3A_87], %get3A_86 {strides = array<i32>} : memref<80xi32, #tpu.memory_space<vmem>>, vector<16xi32>,
    %get3A_89 = arith.constant 16 : index
    %get3A_90 = tpu.vector_load %arg12[%get3A_89] {strides = array<i32>} : memref<10000xi32, #tpu.memory_space<vmem>>, vector<16xi32>,
    %swap3A_91 = arith.constant 16 : index
    %swap3A_92 = tpu.vector_load %arg18[%swap3A_91] {strides = array<i32>} : memref<80xi32, #tpu.memory_space<vmem>>, vector<16xi32>,
    tpu.vector_store %arg18[%swap3A_91], %get3A_90 {strides = array<i32>} : memref<80xi32, #tpu.memory_space<vmem>>, vector<16xi32>,
    %get3A_93 = arith.constant 32 : index
    %get3A_94 = tpu.vector_load %arg12[%get3A_93] {strides = array<i32>} : memref<10000xi32, #tpu.memory_space<vmem>>, vector<16xi32>,
    %swap3A_95 = arith.constant 32 : index
    %swap3A_96 = tpu.vector_load %arg18[%swap3A_95] {strides = array<i32>} : memref<80xi32, #tpu.memory_space<vmem>>, vector<16xi32>,
    tpu.vector_store %arg18[%swap3A_95], %get3A_94 {strides = array<i32>} : memref<80xi32, #tpu.memory_space<vmem>>, vector<16xi32>,
    %get3A_97 = arith.constant 48 : index
    %get3A_98 = tpu.vector_load %arg12[%get3A_97] {strides = array<i32>} : memref<10000xi32, #tpu.memory_space<vmem>>, vector<16xi32>,
    %swap3A_99 = arith.constant 48 : index
    %swap3A_100 = tpu.vector_load %arg18[%swap3A_99] {strides = array<i32>} : memref<80xi32, #tpu.memory_space<vmem>>, vector<16xi32>,
    tpu.vector_store %arg18[%swap3A_99], %get3A_98 {strides = array<i32>} : memref<80xi32, #tpu.memory_space<vmem>>, vector<16xi32>,
    %get3A_101 = arith.constant 64 : index
    %get3A_102 = tpu.vector_load %arg12[%get3A_101] {strides = array<i32>} : memref<10000xi32, #tpu.memory_space<vmem>>, vector<16xi32>,
    %swap3A_103 = arith.constant 64 : index
    %swap3A_104 = tpu.vector_load %arg18[%swap3A_103] {strides = array<i32>} : memref<80xi32, #tpu.memory_space<vmem>>, vector<16xi32>,
    tpu.vector_store %arg18[%swap3A_103], %get3A_102 {strides = array<i32>} : memref<80xi32, #tpu.memory_space<vmem>>, vector<16xi32>,
    %dma_start3A_105 = arith.constant 0 : i32
    %dma_start3A_106 = arith.constant 0 : i32
    %dma_start3A_107 = tpu.memref_slice %arg20[%dma_start3A_105, %dma_start3A_106] : memref<10112x72xf32, #tpu.memory_space<vmem_shared>> -> memref<10112x72xf32, #tpu.memory_space<vmem_shared>>
    tpu.enqueue_indirect_dma source(%arg14 : memref<80x72xf32, #tpu.memory_space<vmem>>) target(%dma_start3A_107 : memref<10112x72xf32, #tpu.memory_space<vmem_shared>>) offsets(%arg18 : memref<80xi32, #tpu.memory_space<vmem>>) semaphore(%arg23 : memref<!tpu.dma_semaphore, #tpu.memory_space<semaphore_mem>>) {add = true}
    %dma_wait3A_108 = arith.constant 0 : i32
    %dma_wait3A_109 = arith.constant 0 : i32
    %dma_wait3A_110 = tpu.memref_slice %arg2[%dma_wait3A_108, %dma_wait3A_109] : memref<10000x72xf32, #tpu.memory_space<hbm>> -> memref<10000x72xf32, #tpu.memory_space<hbm>>
    tpu.wait_indirect_dma semaphore(%arg22 : memref<!tpu.dma_semaphore, #tpu.memory_space<semaphore_mem>>) src(%dma_wait3A_110 : memref<10000x72xf32, #tpu.memory_space<hbm>>) dst(%arg15 : memref<80x72xf32, #tpu.memory_space<vmem>>)
    %scan3A_111 = arith.constant 0 : i32
    %scan3A_112 = arith.constant 0 : i32
    %scan3A_113 = arith.constant 80 : i32
    %scan3A_114 = arith.addi %scan3A_112, %scan3A_113 : i32
    %scan3A_115 = arith.constant 1 : i32
    scf.for %scan3A_430 = %scan3A_112 to %scan3A_114 step %scan3A_115  : i32 {
      %add3A_431 = arith.constant 80 : i32
      %add3A_432 = arith.addi %add3A_431, %scan3A_430 : i32
      %add3A_433 = vector.broadcast %add3A_432 : i32 to vector<16xi32>
      %add3A_434 = arith.addi %broadcast_in_dim3A_8, %add3A_433 : vector<16xi32>
      %gather3A = tpu.vector_load_idx %arg13[%add3A_434] : memref<10000xf32, #tpu.memory_space<vmem>>[vector<16xi32>], vector<16xf32>,
      %get3A_435 = arith.index_cast %scan3A_430 : i32 to index
      %get3A_436 = arith.constant 0 : index
      %get3A_437 = tpu.vector_load %arg15[%get3A_435, %get3A_436] {strides = array<i32>} : memref<80x72xf32, #tpu.memory_space<vmem>>, vector<16xf32>,
      %mul3A_438 = arith.mulf %get3A_437, %gather3A : vector<16xf32>
      %swap3A_439 = arith.index_cast %scan3A_430 : i32 to index
      %swap3A_440 = arith.constant 0 : index
      %swap3A_441 = tpu.vector_load %arg15[%swap3A_439, %swap3A_440] {strides = array<i32>} : memref<80x72xf32, #tpu.memory_space<vmem>>, vector<16xf32>,
      tpu.vector_store %arg15[%swap3A_439, %swap3A_440], %mul3A_438 {strides = array<i32>} : memref<80x72xf32, #tpu.memory_space<vmem>>, vector<16xf32>,
      %get3A_442 = arith.index_cast %scan3A_430 : i32 to index
      %get3A_443 = arith.constant 16 : index
      %get3A_444 = tpu.vector_load %arg15[%get3A_442, %get3A_443] {strides = array<i32>} : memref<80x72xf32, #tpu.memory_space<vmem>>, vector<16xf32>,
      %mul3A_445 = arith.mulf %get3A_444, %gather3A : vector<16xf32>
      %swap3A_446 = arith.index_cast %scan3A_430 : i32 to index
      %swap3A_447 = arith.constant 16 : index
      %swap3A_448 = tpu.vector_load %arg15[%swap3A_446, %swap3A_447] {strides = array<i32>} : memref<80x72xf32, #tpu.memory_space<vmem>>, vector<16xf32>,
      tpu.vector_store %arg15[%swap3A_446, %swap3A_447], %mul3A_445 {strides = array<i32>} : memref<80x72xf32, #tpu.memory_space<vmem>>, vector<16xf32>,
      %get3A_449 = arith.index_cast %scan3A_430 : i32 to index
      %get3A_450 = arith.constant 32 : index
      %get3A_451 = tpu.vector_load %arg15[%get3A_449, %get3A_450] {strides = array<i32>} : memref<80x72xf32, #tpu.memory_space<vmem>>, vector<16xf32>,
      %mul3A_452 = arith.mulf %get3A_451, %gather3A : vector<16xf32>
      %swap3A_453 = arith.index_cast %scan3A_430 : i32 to index
      %swap3A_454 = arith.constant 32 : index
      %swap3A_455 = tpu.vector_load %arg15[%swap3A_453, %swap3A_454] {strides = array<i32>} : memref<80x72xf32, #tpu.memory_space<vmem>>, vector<16xf32>,
      tpu.vector_store %arg15[%swap3A_453, %swap3A_454], %mul3A_452 {strides = array<i32>} : memref<80x72xf32, #tpu.memory_space<vmem>>, vector<16xf32>,
      %get3A_456 = arith.index_cast %scan3A_430 : i32 to index
      %get3A_457 = arith.constant 48 : index
      %get3A_458 = tpu.vector_load %arg15[%get3A_456, %get3A_457] {strides = array<i32>} : memref<80x72xf32, #tpu.memory_space<vmem>>, vector<16xf32>,
      %mul3A_459 = arith.mulf %get3A_458, %gather3A : vector<16xf32>
      %swap3A_460 = arith.index_cast %scan3A_430 : i32 to index
      %swap3A_461 = arith.constant 48 : index
      %swap3A_462 = tpu.vector_load %arg15[%swap3A_460, %swap3A_461] {strides = array<i32>} : memref<80x72xf32, #tpu.memory_space<vmem>>, vector<16xf32>,
      tpu.vector_store %arg15[%swap3A_460, %swap3A_461], %mul3A_459 {strides = array<i32>} : memref<80x72xf32, #tpu.memory_space<vmem>>, vector<16xf32>,
      %lt3A = arith.constant 8 : i32
      %lt3A_463 = vector.broadcast %lt3A : i32 to vector<16xi32>
      %lt3A_464 = arith.cmpi slt, %iota3A, %lt3A_463 : vector<16xi32>
      %jit3A = arith.constant 1.000000e+00 : f32
      %broadcast_in_dim3A_465 = vector.broadcast %jit3A : f32 to vector<16xf32>
      %select_n3A = arith.select %lt3A_464, %broadcast_in_dim3A_465, %gather3A : vector<16xi1>, vector<16xf32>
      %get3A_466 = arith.index_cast %scan3A_430 : i32 to index
      %get3A_467 = arith.constant 56 : index
      %get3A_468 = tpu.vector_load %arg15[%get3A_466, %get3A_467] {strides = array<i32>} : memref<80x72xf32, #tpu.memory_space<vmem>>, vector<16xf32>,
      %mul3A_469 = arith.mulf %get3A_468, %select_n3A : vector<16xf32>
      %swap3A_470 = arith.index_cast %scan3A_430 : i32 to index
      %swap3A_471 = arith.constant 56 : index
      %swap3A_472 = tpu.vector_load %arg15[%swap3A_470, %swap3A_471] {strides = array<i32>} : memref<80x72xf32, #tpu.memory_space<vmem>>, vector<16xf32>,
      tpu.vector_store %arg15[%swap3A_470, %swap3A_471], %mul3A_469 {strides = array<i32>} : memref<80x72xf32, #tpu.memory_space<vmem>>, vector<16xf32>,
    }
    %scan3A_116 = arith.constant 80 : i32
    %get3A_117 = arith.constant 80 : index
    %get3A_118 = tpu.vector_load %arg12[%get3A_117] {strides = array<i32>} : memref<10000xi32, #tpu.memory_space<vmem>>, vector<16xi32>,
    %swap3A_119 = arith.constant 0 : index
    %swap3A_120 = tpu.vector_load %arg19[%swap3A_119] {strides = array<i32>} : memref<80xi32, #tpu.memory_space<vmem>>, vector<16xi32>,
    tpu.vector_store %arg19[%swap3A_119], %get3A_118 {strides = array<i32>} : memref<80xi32, #tpu.memory_space<vmem>>, vector<16xi32>,
    %get3A_121 = arith.constant 96 : index
    %get3A_122 = tpu.vector_load %arg12[%get3A_121] {strides = array<i32>} : memref<10000xi32, #tpu.memory_space<vmem>>, vector<16xi32>,
    %swap3A_123 = arith.constant 16 : index
    %swap3A_124 = tpu.vector_load %arg19[%swap3A_123] {strides = array<i32>} : memref<80xi32, #tpu.memory_space<vmem>>, vector<16xi32>,
    tpu.vector_store %arg19[%swap3A_123], %get3A_122 {strides = array<i32>} : memref<80xi32, #tpu.memory_space<vmem>>, vector<16xi32>,
    %get3A_125 = arith.constant 112 : index
    %get3A_126 = tpu.vector_load %arg12[%get3A_125] {strides = array<i32>} : memref<10000xi32, #tpu.memory_space<vmem>>, vector<16xi32>,
    %swap3A_127 = arith.constant 32 : index
    %swap3A_128 = tpu.vector_load %arg19[%swap3A_127] {strides = array<i32>} : memref<80xi32, #tpu.memory_space<vmem>>, vector<16xi32>,
    tpu.vector_store %arg19[%swap3A_127], %get3A_126 {strides = array<i32>} : memref<80xi32, #tpu.memory_space<vmem>>, vector<16xi32>,
    %get3A_129 = arith.constant 128 : index
    %get3A_130 = tpu.vector_load %arg12[%get3A_129] {strides = array<i32>} : memref<10000xi32, #tpu.memory_space<vmem>>, vector<16xi32>,
    %swap3A_131 = arith.constant 48 : index
    %swap3A_132 = tpu.vector_load %arg19[%swap3A_131] {strides = array<i32>} : memref<80xi32, #tpu.memory_space<vmem>>, vector<16xi32>,
    tpu.vector_store %arg19[%swap3A_131], %get3A_130 {strides = array<i32>} : memref<80xi32, #tpu.memory_space<vmem>>, vector<16xi32>,
    %get3A_133 = arith.constant 144 : index
    %get3A_134 = tpu.vector_load %arg12[%get3A_133] {strides = array<i32>} : memref<10000xi32, #tpu.memory_space<vmem>>, vector<16xi32>,
    %swap3A_135 = arith.constant 64 : index
    %swap3A_136 = tpu.vector_load %arg19[%swap3A_135] {strides = array<i32>} : memref<80xi32, #tpu.memory_space<vmem>>, vector<16xi32>,
    tpu.vector_store %arg19[%swap3A_135], %get3A_134 {strides = array<i32>} : memref<80xi32, #tpu.memory_space<vmem>>, vector<16xi32>,
    %dma_start3A_137 = arith.constant 0 : i32
    %dma_start3A_138 = arith.constant 0 : i32
    %dma_start3A_139 = tpu.memref_slice %arg20[%dma_start3A_137, %dma_start3A_138] : memref<10112x72xf32, #tpu.memory_space<vmem_shared>> -> memref<10112x72xf32, #tpu.memory_space<vmem_shared>>
    tpu.enqueue_indirect_dma source(%arg15 : memref<80x72xf32, #tpu.memory_space<vmem>>) target(%dma_start3A_139 : memref<10112x72xf32, #tpu.memory_space<vmem_shared>>) offsets(%arg19 : memref<80xi32, #tpu.memory_space<vmem>>) semaphore(%arg24 : memref<!tpu.dma_semaphore, #tpu.memory_space<semaphore_mem>>) {add = true}
    %scan3A_140 = arith.constant 0 : i32
    %scan3A_141 = arith.constant 1 : i32
    %scan3A_142 = arith.constant 61 : i32
    %scan3A_143 = arith.addi %scan3A_141, %scan3A_142 : i32
    %scan3A_144 = arith.constant 1 : i32
    scf.for %scan3A_430 = %scan3A_141 to %scan3A_143 step %scan3A_144  : i32 {
      %mul3A_431 = arith.constant 2 : i32
      %mul3A_432 = arith.muli %mul3A_431, %scan3A_430 : i32
      %mul3A_433 = arith.constant 2 : i32
      %mul3A_434 = arith.muli %mul3A_433, %scan3A_430 : i32
      %add3A_435 = arith.constant 1 : i32
      %add3A_436 = arith.addi %mul3A_434, %add3A_435 : i32
      %dma_wait3A_437 = arith.constant 0 : i32
      %dma_wait3A_438 = arith.constant 0 : i32
      %dma_wait3A_439 = tpu.memref_slice %arg20[%dma_wait3A_437, %dma_wait3A_438] : memref<10112x72xf32, #tpu.memory_space<vmem_shared>> -> memref<10112x72xf32, #tpu.memory_space<vmem_shared>>
      tpu.wait_indirect_dma semaphore(%arg23 : memref<!tpu.dma_semaphore, #tpu.memory_space<semaphore_mem>>) src(%arg14 : memref<80x72xf32, #tpu.memory_space<vmem>>) dst(%dma_wait3A_439 : memref<10112x72xf32, #tpu.memory_space<vmem_shared>>)
      %mul3A_440 = arith.constant 80 : i32
      %mul3A_441 = arith.muli %mul3A_432, %mul3A_440 : i32
      %add3A_442 = arith.constant 0 : i32
      %add3A_443 = arith.addi %mul3A_441, %add3A_442 : i32
      %get3A_444 = arith.index_cast %add3A_443 : i32 to index
      %get3A_445 = tpu.vector_load %arg11[%get3A_444] {strides = array<i32>} : memref<10000xi32, #tpu.memory_space<vmem>>, vector<16xi32>,
      %swap3A_446 = arith.constant 0 : index
      %swap3A_447 = tpu.vector_load %arg16[%swap3A_446] {strides = array<i32>} : memref<80xi32, #tpu.memory_space<vmem>>, vector<16xi32>,
      tpu.vector_store %arg16[%swap3A_446], %get3A_445 {strides = array<i32>} : memref<80xi32, #tpu.memory_space<vmem>>, vector<16xi32>,
      %mul3A_448 = arith.constant 80 : i32
      %mul3A_449 = arith.muli %mul3A_432, %mul3A_448 : i32
      %add3A_450 = arith.constant 16 : i32
      %add3A_451 = arith.addi %mul3A_449, %add3A_450 : i32
      %get3A_452 = arith.index_cast %add3A_451 : i32 to index
      %get3A_453 = tpu.vector_load %arg11[%get3A_452] {strides = array<i32>} : memref<10000xi32, #tpu.memory_space<vmem>>, vector<16xi32>,
      %swap3A_454 = arith.constant 16 : index
      %swap3A_455 = tpu.vector_load %arg16[%swap3A_454] {strides = array<i32>} : memref<80xi32, #tpu.memory_space<vmem>>, vector<16xi32>,
      tpu.vector_store %arg16[%swap3A_454], %get3A_453 {strides = array<i32>} : memref<80xi32, #tpu.memory_space<vmem>>, vector<16xi32>,
      %mul3A_456 = arith.constant 80 : i32
      %mul3A_457 = arith.muli %mul3A_432, %mul3A_456 : i32
      %add3A_458 = arith.constant 32 : i32
      %add3A_459 = arith.addi %mul3A_457, %add3A_458 : i32
      %get3A_460 = arith.index_cast %add3A_459 : i32 to index
      %get3A_461 = tpu.vector_load %arg11[%get3A_460] {strides = array<i32>} : memref<10000xi32, #tpu.memory_space<vmem>>, vector<16xi32>,
      %swap3A_462 = arith.constant 32 : index
      %swap3A_463 = tpu.vector_load %arg16[%swap3A_462] {strides = array<i32>} : memref<80xi32, #tpu.memory_space<vmem>>, vector<16xi32>,
      tpu.vector_store %arg16[%swap3A_462], %get3A_461 {strides = array<i32>} : memref<80xi32, #tpu.memory_space<vmem>>, vector<16xi32>,
      %mul3A_464 = arith.constant 80 : i32
      %mul3A_465 = arith.muli %mul3A_432, %mul3A_464 : i32
      %add3A_466 = arith.constant 48 : i32
      %add3A_467 = arith.addi %mul3A_465, %add3A_466 : i32
      %get3A_468 = arith.index_cast %add3A_467 : i32 to index
      %get3A_469 = tpu.vector_load %arg11[%get3A_468] {strides = array<i32>} : memref<10000xi32, #tpu.memory_space<vmem>>, vector<16xi32>,
      %swap3A_470 = arith.constant 48 : index
      %swap3A_471 = tpu.vector_load %arg16[%swap3A_470] {strides = array<i32>} : memref<80xi32, #tpu.memory_space<vmem>>, vector<16xi32>,
      tpu.vector_store %arg16[%swap3A_470], %get3A_469 {strides = array<i32>} : memref<80xi32, #tpu.memory_space<vmem>>, vector<16xi32>,
      %mul3A_472 = arith.constant 80 : i32
      %mul3A_473 = arith.muli %mul3A_432, %mul3A_472 : i32
      %add3A_474 = arith.constant 64 : i32
      %add3A_475 = arith.addi %mul3A_473, %add3A_474 : i32
      %get3A_476 = arith.index_cast %add3A_475 : i32 to index
      %get3A_477 = tpu.vector_load %arg11[%get3A_476] {strides = array<i32>} : memref<10000xi32, #tpu.memory_space<vmem>>, vector<16xi32>,
      %swap3A_478 = arith.constant 64 : index
      %swap3A_479 = tpu.vector_load %arg16[%swap3A_478] {strides = array<i32>} : memref<80xi32, #tpu.memory_space<vmem>>, vector<16xi32>,
      tpu.vector_store %arg16[%swap3A_478], %get3A_477 {strides = array<i32>} : memref<80xi32, #tpu.memory_space<vmem>>, vector<16xi32>,
      %dma_start3A_480 = arith.constant 0 : i32
      %dma_start3A_481 = arith.constant 0 : i32
      %dma_start3A_482 = tpu.memref_slice %arg2[%dma_start3A_480, %dma_start3A_481] : memref<10000x72xf32, #tpu.memory_space<hbm>> -> memref<10000x72xf32, #tpu.memory_space<hbm>>
      tpu.enqueue_indirect_dma source(%dma_start3A_482 : memref<10000x72xf32, #tpu.memory_space<hbm>>) target(%arg14 : memref<80x72xf32, #tpu.memory_space<vmem>>) offsets(%arg16 : memref<80xi32, #tpu.memory_space<vmem>>) semaphore(%arg21 : memref<!tpu.dma_semaphore, #tpu.memory_space<semaphore_mem>>)
      %dma_wait3A_483 = arith.constant 0 : i32
      %dma_wait3A_484 = arith.constant 0 : i32
      %dma_wait3A_485 = tpu.memref_slice %arg20[%dma_wait3A_483, %dma_wait3A_484] : memref<10112x72xf32, #tpu.memory_space<vmem_shared>> -> memref<10112x72xf32, #tpu.memory_space<vmem_shared>>
      tpu.wait_indirect_dma semaphore(%arg24 : memref<!tpu.dma_semaphore, #tpu.memory_space<semaphore_mem>>) src(%arg15 : memref<80x72xf32, #tpu.memory_space<vmem>>) dst(%dma_wait3A_485 : memref<10112x72xf32, #tpu.memory_space<vmem_shared>>)
      %mul3A_486 = arith.constant 80 : i32
      %mul3A_487 = arith.muli %add3A_436, %mul3A_486 : i32
      %add3A_488 = arith.constant 0 : i32
      %add3A_489 = arith.addi %mul3A_487, %add3A_488 : i32
      %get3A_490 = arith.index_cast %add3A_489 : i32 to index
      %get3A_491 = tpu.vector_load %arg11[%get3A_490] {strides = array<i32>} : memref<10000xi32, #tpu.memory_space<vmem>>, vector<16xi32>,
      %swap3A_492 = arith.constant 0 : index
      %swap3A_493 = tpu.vector_load %arg17[%swap3A_492] {strides = array<i32>} : memref<80xi32, #tpu.memory_space<vmem>>, vector<16xi32>,
      tpu.vector_store %arg17[%swap3A_492], %get3A_491 {strides = array<i32>} : memref<80xi32, #tpu.memory_space<vmem>>, vector<16xi32>,
      %mul3A_494 = arith.constant 80 : i32
      %mul3A_495 = arith.muli %add3A_436, %mul3A_494 : i32
      %add3A_496 = arith.constant 16 : i32
      %add3A_497 = arith.addi %mul3A_495, %add3A_496 : i32
      %get3A_498 = arith.index_cast %add3A_497 : i32 to index
      %get3A_499 = tpu.vector_load %arg11[%get3A_498] {strides = array<i32>} : memref<10000xi32, #tpu.memory_space<vmem>>, vector<16xi32>,
      %swap3A_500 = arith.constant 16 : index
      %swap3A_501 = tpu.vector_load %arg17[%swap3A_500] {strides = array<i32>} : memref<80xi32, #tpu.memory_space<vmem>>, vector<16xi32>,
      tpu.vector_store %arg17[%swap3A_500], %get3A_499 {strides = array<i32>} : memref<80xi32, #tpu.memory_space<vmem>>, vector<16xi32>,
      %mul3A_502 = arith.constant 80 : i32
      %mul3A_503 = arith.muli %add3A_436, %mul3A_502 : i32
      %add3A_504 = arith.constant 32 : i32
      %add3A_505 = arith.addi %mul3A_503, %add3A_504 : i32
      %get3A_506 = arith.index_cast %add3A_505 : i32 to index
      %get3A_507 = tpu.vector_load %arg11[%get3A_506] {strides = array<i32>} : memref<10000xi32, #tpu.memory_space<vmem>>, vector<16xi32>,
      %swap3A_508 = arith.constant 32 : index
      %swap3A_509 = tpu.vector_load %arg17[%swap3A_508] {strides = array<i32>} : memref<80xi32, #tpu.memory_space<vmem>>, vector<16xi32>,
      tpu.vector_store %arg17[%swap3A_508], %get3A_507 {strides = array<i32>} : memref<80xi32, #tpu.memory_space<vmem>>, vector<16xi32>,
      %mul3A_510 = arith.constant 80 : i32
      %mul3A_511 = arith.muli %add3A_436, %mul3A_510 : i32
      %add3A_512 = arith.constant 48 : i32
      %add3A_513 = arith.addi %mul3A_511, %add3A_512 : i32
      %get3A_514 = arith.index_cast %add3A_513 : i32 to index
      %get3A_515 = tpu.vector_load %arg11[%get3A_514] {strides = array<i32>} : memref<10000xi32, #tpu.memory_space<vmem>>, vector<16xi32>,
      %swap3A_516 = arith.constant 48 : index
      %swap3A_517 = tpu.vector_load %arg17[%swap3A_516] {strides = array<i32>} : memref<80xi32, #tpu.memory_space<vmem>>, vector<16xi32>,
      tpu.vector_store %arg17[%swap3A_516], %get3A_515 {strides = array<i32>} : memref<80xi32, #tpu.memory_space<vmem>>, vector<16xi32>,
      %mul3A_518 = arith.constant 80 : i32
      %mul3A_519 = arith.muli %add3A_436, %mul3A_518 : i32
      %add3A_520 = arith.constant 64 : i32
      %add3A_521 = arith.addi %mul3A_519, %add3A_520 : i32
      %get3A_522 = arith.index_cast %add3A_521 : i32 to index
      %get3A_523 = tpu.vector_load %arg11[%get3A_522] {strides = array<i32>} : memref<10000xi32, #tpu.memory_space<vmem>>, vector<16xi32>,
      %swap3A_524 = arith.constant 64 : index
      %swap3A_525 = tpu.vector_load %arg17[%swap3A_524] {strides = array<i32>} : memref<80xi32, #tpu.memory_space<vmem>>, vector<16xi32>,
      tpu.vector_store %arg17[%swap3A_524], %get3A_523 {strides = array<i32>} : memref<80xi32, #tpu.memory_space<vmem>>, vector<16xi32>,
      %dma_start3A_526 = arith.constant 0 : i32
      %dma_start3A_527 = arith.constant 0 : i32
      %dma_start3A_528 = tpu.memref_slice %arg2[%dma_start3A_526, %dma_start3A_527] : memref<10000x72xf32, #tpu.memory_space<hbm>> -> memref<10000x72xf32, #tpu.memory_space<hbm>>
      tpu.enqueue_indirect_dma source(%dma_start3A_528 : memref<10000x72xf32, #tpu.memory_space<hbm>>) target(%arg15 : memref<80x72xf32, #tpu.memory_space<vmem>>) offsets(%arg17 : memref<80xi32, #tpu.memory_space<vmem>>) semaphore(%arg22 : memref<!tpu.dma_semaphore, #tpu.memory_space<semaphore_mem>>)
      %dma_wait3A_529 = arith.constant 0 : i32
      %dma_wait3A_530 = arith.constant 0 : i32
      %dma_wait3A_531 = tpu.memref_slice %arg2[%dma_wait3A_529, %dma_wait3A_530] : memref<10000x72xf32, #tpu.memory_space<hbm>> -> memref<10000x72xf32, #tpu.memory_space<hbm>>
      tpu.wait_indirect_dma semaphore(%arg21 : memref<!tpu.dma_semaphore, #tpu.memory_space<semaphore_mem>>) src(%dma_wait3A_531 : memref<10000x72xf32, #tpu.memory_space<hbm>>) dst(%arg14 : memref<80x72xf32, #tpu.memory_space<vmem>>)
      %scan3A_532 = arith.constant 0 : i32
      %scan3A_533 = arith.constant 0 : i32
      %scan3A_534 = arith.constant 80 : i32
      %scan3A_535 = arith.addi %scan3A_533, %scan3A_534 : i32
      %scan3A_536 = arith.constant 1 : i32
      scf.for %scan3A_633 = %scan3A_533 to %scan3A_535 step %scan3A_536  : i32 {
        %mul3A_634 = arith.constant 80 : i32
        %mul3A_635 = arith.muli %mul3A_432, %mul3A_634 : i32
        %add3A_636 = arith.addi %mul3A_635, %scan3A_633 : i32
        %add3A_637 = vector.broadcast %add3A_636 : i32 to vector<16xi32>
        %add3A_638 = arith.addi %broadcast_in_dim3A_8, %add3A_637 : vector<16xi32>
        %gather3A = tpu.vector_load_idx %arg13[%add3A_638] : memref<10000xf32, #tpu.memory_space<vmem>>[vector<16xi32>], vector<16xf32>,
        %get3A_639 = arith.index_cast %scan3A_633 : i32 to index
        %get3A_640 = arith.constant 0 : index
        %get3A_641 = tpu.vector_load %arg14[%get3A_639, %get3A_640] {strides = array<i32>} : memref<80x72xf32, #tpu.memory_space<vmem>>, vector<16xf32>,
        %mul3A_642 = arith.mulf %get3A_641, %gather3A : vector<16xf32>
        %swap3A_643 = arith.index_cast %scan3A_633 : i32 to index
        %swap3A_644 = arith.constant 0 : index
        %swap3A_645 = tpu.vector_load %arg14[%swap3A_643, %swap3A_644] {strides = array<i32>} : memref<80x72xf32, #tpu.memory_space<vmem>>, vector<16xf32>,
        tpu.vector_store %arg14[%swap3A_643, %swap3A_644], %mul3A_642 {strides = array<i32>} : memref<80x72xf32, #tpu.memory_space<vmem>>, vector<16xf32>,
        %get3A_646 = arith.index_cast %scan3A_633 : i32 to index
        %get3A_647 = arith.constant 16 : index
        %get3A_648 = tpu.vector_load %arg14[%get3A_646, %get3A_647] {strides = array<i32>} : memref<80x72xf32, #tpu.memory_space<vmem>>, vector<16xf32>,
        %mul3A_649 = arith.mulf %get3A_648, %gather3A : vector<16xf32>
        %swap3A_650 = arith.index_cast %scan3A_633 : i32 to index
        %swap3A_651 = arith.constant 16 : index
        %swap3A_652 = tpu.vector_load %arg14[%swap3A_650, %swap3A_651] {strides = array<i32>} : memref<80x72xf32, #tpu.memory_space<vmem>>, vector<16xf32>,
        tpu.vector_store %arg14[%swap3A_650, %swap3A_651], %mul3A_649 {strides = array<i32>} : memref<80x72xf32, #tpu.memory_space<vmem>>, vector<16xf32>,
        %get3A_653 = arith.index_cast %scan3A_633 : i32 to index
        %get3A_654 = arith.constant 32 : index
        %get3A_655 = tpu.vector_load %arg14[%get3A_653, %get3A_654] {strides = array<i32>} : memref<80x72xf32, #tpu.memory_space<vmem>>, vector<16xf32>,
        %mul3A_656 = arith.mulf %get3A_655, %gather3A : vector<16xf32>
        %swap3A_657 = arith.index_cast %scan3A_633 : i32 to index
        %swap3A_658 = arith.constant 32 : index
        %swap3A_659 = tpu.vector_load %arg14[%swap3A_657, %swap3A_658] {strides = array<i32>} : memref<80x72xf32, #tpu.memory_space<vmem>>, vector<16xf32>,
        tpu.vector_store %arg14[%swap3A_657, %swap3A_658], %mul3A_656 {strides = array<i32>} : memref<80x72xf32, #tpu.memory_space<vmem>>, vector<16xf32>,
        %get3A_660 = arith.index_cast %scan3A_633 : i32 to index
        %get3A_661 = arith.constant 48 : index
        %get3A_662 = tpu.vector_load %arg14[%get3A_660, %get3A_661] {strides = array<i32>} : memref<80x72xf32, #tpu.memory_space<vmem>>, vector<16xf32>,
        %mul3A_663 = arith.mulf %get3A_662, %gather3A : vector<16xf32>
        %swap3A_664 = arith.index_cast %scan3A_633 : i32 to index
        %swap3A_665 = arith.constant 48 : index
        %swap3A_666 = tpu.vector_load %arg14[%swap3A_664, %swap3A_665] {strides = array<i32>} : memref<80x72xf32, #tpu.memory_space<vmem>>, vector<16xf32>,
        tpu.vector_store %arg14[%swap3A_664, %swap3A_665], %mul3A_663 {strides = array<i32>} : memref<80x72xf32, #tpu.memory_space<vmem>>, vector<16xf32>,
        %lt3A = arith.constant 8 : i32
        %lt3A_667 = vector.broadcast %lt3A : i32 to vector<16xi32>
        %lt3A_668 = arith.cmpi slt, %iota3A, %lt3A_667 : vector<16xi32>
        %jit3A = arith.constant 1.000000e+00 : f32
        %broadcast_in_dim3A_669 = vector.broadcast %jit3A : f32 to vector<16xf32>
        %select_n3A = arith.select %lt3A_668, %broadcast_in_dim3A_669, %gather3A : vector<16xi1>, vector<16xf32>
        %get3A_670 = arith.index_cast %scan3A_633 : i32 to index
        %get3A_671 = arith.constant 56 : index
        %get3A_672 = tpu.vector_load %arg14[%get3A_670, %get3A_671] {strides = array<i32>} : memref<80x72xf32, #tpu.memory_space<vmem>>, vector<16xf32>,
        %mul3A_673 = arith.mulf %get3A_672, %select_n3A : vector<16xf32>
        %swap3A_674 = arith.index_cast %scan3A_633 : i32 to index
        %swap3A_675 = arith.constant 56 : index
        %swap3A_676 = tpu.vector_load %arg14[%swap3A_674, %swap3A_675] {strides = array<i32>} : memref<80x72xf32, #tpu.memory_space<vmem>>, vector<16xf32>,
        tpu.vector_store %arg14[%swap3A_674, %swap3A_675], %mul3A_673 {strides = array<i32>} : memref<80x72xf32, #tpu.memory_space<vmem>>, vector<16xf32>,
      }
      %scan3A_537 = arith.constant 80 : i32
      %mul3A_538 = arith.constant 80 : i32
      %mul3A_539 = arith.muli %mul3A_432, %mul3A_538 : i32
      %add3A_540 = arith.constant 0 : i32
      %add3A_541 = arith.addi %mul3A_539, %add3A_540 : i32
      %get3A_542 = arith.index_cast %add3A_541 : i32 to index
      %get3A_543 = tpu.vector_load %arg12[%get3A_542] {strides = array<i32>} : memref<10000xi32, #tpu.memory_space<vmem>>, vector<16xi32>,
      %swap3A_544 = arith.constant 0 : index
      %swap3A_545 = tpu.vector_load %arg18[%swap3A_544] {strides = array<i32>} : memref<80xi32, #tpu.memory_space<vmem>>, vector<16xi32>,
      tpu.vector_store %arg18[%swap3A_544], %get3A_543 {strides = array<i32>} : memref<80xi32, #tpu.memory_space<vmem>>, vector<16xi32>,
      %mul3A_546 = arith.constant 80 : i32
      %mul3A_547 = arith.muli %mul3A_432, %mul3A_546 : i32
      %add3A_548 = arith.constant 16 : i32
      %add3A_549 = arith.addi %mul3A_547, %add3A_548 : i32
      %get3A_550 = arith.index_cast %add3A_549 : i32 to index
      %get3A_551 = tpu.vector_load %arg12[%get3A_550] {strides = array<i32>} : memref<10000xi32, #tpu.memory_space<vmem>>, vector<16xi32>,
      %swap3A_552 = arith.constant 16 : index
      %swap3A_553 = tpu.vector_load %arg18[%swap3A_552] {strides = array<i32>} : memref<80xi32, #tpu.memory_space<vmem>>, vector<16xi32>,
      tpu.vector_store %arg18[%swap3A_552], %get3A_551 {strides = array<i32>} : memref<80xi32, #tpu.memory_space<vmem>>, vector<16xi32>,
      %mul3A_554 = arith.constant 80 : i32
      %mul3A_555 = arith.muli %mul3A_432, %mul3A_554 : i32
      %add3A_556 = arith.constant 32 : i32
      %add3A_557 = arith.addi %mul3A_555, %add3A_556 : i32
      %get3A_558 = arith.index_cast %add3A_557 : i32 to index
      %get3A_559 = tpu.vector_load %arg12[%get3A_558] {strides = array<i32>} : memref<10000xi32, #tpu.memory_space<vmem>>, vector<16xi32>,
      %swap3A_560 = arith.constant 32 : index
      %swap3A_561 = tpu.vector_load %arg18[%swap3A_560] {strides = array<i32>} : memref<80xi32, #tpu.memory_space<vmem>>, vector<16xi32>,
      tpu.vector_store %arg18[%swap3A_560], %get3A_559 {strides = array<i32>} : memref<80xi32, #tpu.memory_space<vmem>>, vector<16xi32>,
      %mul3A_562 = arith.constant 80 : i32
      %mul3A_563 = arith.muli %mul3A_432, %mul3A_562 : i32
      %add3A_564 = arith.constant 48 : i32
      %add3A_565 = arith.addi %mul3A_563, %add3A_564 : i32
      %get3A_566 = arith.index_cast %add3A_565 : i32 to index
      %get3A_567 = tpu.vector_load %arg12[%get3A_566] {strides = array<i32>} : memref<10000xi32, #tpu.memory_space<vmem>>, vector<16xi32>,
      %swap3A_568 = arith.constant 48 : index
      %swap3A_569 = tpu.vector_load %arg18[%swap3A_568] {strides = array<i32>} : memref<80xi32, #tpu.memory_space<vmem>>, vector<16xi32>,
      tpu.vector_store %arg18[%swap3A_568], %get3A_567 {strides = array<i32>} : memref<80xi32, #tpu.memory_space<vmem>>, vector<16xi32>,
      %mul3A_570 = arith.constant 80 : i32
      %mul3A_571 = arith.muli %mul3A_432, %mul3A_570 : i32
      %add3A_572 = arith.constant 64 : i32
      %add3A_573 = arith.addi %mul3A_571, %add3A_572 : i32
      %get3A_574 = arith.index_cast %add3A_573 : i32 to index
      %get3A_575 = tpu.vector_load %arg12[%get3A_574] {strides = array<i32>} : memref<10000xi32, #tpu.memory_space<vmem>>, vector<16xi32>,
      %swap3A_576 = arith.constant 64 : index
      %swap3A_577 = tpu.vector_load %arg18[%swap3A_576] {strides = array<i32>} : memref<80xi32, #tpu.memory_space<vmem>>, vector<16xi32>,
      tpu.vector_store %arg18[%swap3A_576], %get3A_575 {strides = array<i32>} : memref<80xi32, #tpu.memory_space<vmem>>, vector<16xi32>,
      %dma_start3A_578 = arith.constant 0 : i32
      %dma_start3A_579 = arith.constant 0 : i32
      %dma_start3A_580 = tpu.memref_slice %arg20[%dma_start3A_578, %dma_start3A_579] : memref<10112x72xf32, #tpu.memory_space<vmem_shared>> -> memref<10112x72xf32, #tpu.memory_space<vmem_shared>>
      tpu.enqueue_indirect_dma source(%arg14 : memref<80x72xf32, #tpu.memory_space<vmem>>) target(%dma_start3A_580 : memref<10112x72xf32, #tpu.memory_space<vmem_shared>>) offsets(%arg18 : memref<80xi32, #tpu.memory_space<vmem>>) semaphore(%arg23 : memref<!tpu.dma_semaphore, #tpu.memory_space<semaphore_mem>>) {add = true}
      %dma_wait3A_581 = arith.constant 0 : i32
      %dma_wait3A_582 = arith.constant 0 : i32
      %dma_wait3A_583 = tpu.memref_slice %arg2[%dma_wait3A_581, %dma_wait3A_582] : memref<10000x72xf32, #tpu.memory_space<hbm>> -> memref<10000x72xf32, #tpu.memory_space<hbm>>
      tpu.wait_indirect_dma semaphore(%arg22 : memref<!tpu.dma_semaphore, #tpu.memory_space<semaphore_mem>>) src(%dma_wait3A_583 : memref<10000x72xf32, #tpu.memory_space<hbm>>) dst(%arg15 : memref<80x72xf32, #tpu.memory_space<vmem>>)
      %scan3A_584 = arith.constant 0 : i32
      %scan3A_585 = arith.constant 0 : i32
      %scan3A_586 = arith.constant 80 : i32
      %scan3A_587 = arith.addi %scan3A_585, %scan3A_586 : i32
      %scan3A_588 = arith.constant 1 : i32
      scf.for %scan3A_633 = %scan3A_585 to %scan3A_587 step %scan3A_588  : i32 {
        %mul3A_634 = arith.constant 80 : i32
        %mul3A_635 = arith.muli %add3A_436, %mul3A_634 : i32
        %add3A_636 = arith.addi %mul3A_635, %scan3A_633 : i32
        %add3A_637 = vector.broadcast %add3A_636 : i32 to vector<16xi32>
        %add3A_638 = arith.addi %broadcast_in_dim3A_8, %add3A_637 : vector<16xi32>
        %gather3A = tpu.vector_load_idx %arg13[%add3A_638] : memref<10000xf32, #tpu.memory_space<vmem>>[vector<16xi32>], vector<16xf32>,
        %get3A_639 = arith.index_cast %scan3A_633 : i32 to index
        %get3A_640 = arith.constant 0 : index
        %get3A_641 = tpu.vector_load %arg15[%get3A_639, %get3A_640] {strides = array<i32>} : memref<80x72xf32, #tpu.memory_space<vmem>>, vector<16xf32>,
        %mul3A_642 = arith.mulf %get3A_641, %gather3A : vector<16xf32>
        %swap3A_643 = arith.index_cast %scan3A_633 : i32 to index
        %swap3A_644 = arith.constant 0 : index
        %swap3A_645 = tpu.vector_load %arg15[%swap3A_643, %swap3A_644] {strides = array<i32>} : memref<80x72xf32, #tpu.memory_space<vmem>>, vector<16xf32>,
        tpu.vector_store %arg15[%swap3A_643, %swap3A_644], %mul3A_642 {strides = array<i32>} : memref<80x72xf32, #tpu.memory_space<vmem>>, vector<16xf32>,
        %get3A_646 = arith.index_cast %scan3A_633 : i32 to index
        %get3A_647 = arith.constant 16 : index
        %get3A_648 = tpu.vector_load %arg15[%get3A_646, %get3A_647] {strides = array<i32>} : memref<80x72xf32, #tpu.memory_space<vmem>>, vector<16xf32>,
        %mul3A_649 = arith.mulf %get3A_648, %gather3A : vector<16xf32>
        %swap3A_650 = arith.index_cast %scan3A_633 : i32 to index
        %swap3A_651 = arith.constant 16 : index
        %swap3A_652 = tpu.vector_load %arg15[%swap3A_650, %swap3A_651] {strides = array<i32>} : memref<80x72xf32, #tpu.memory_space<vmem>>, vector<16xf32>,
        tpu.vector_store %arg15[%swap3A_650, %swap3A_651], %mul3A_649 {strides = array<i32>} : memref<80x72xf32, #tpu.memory_space<vmem>>, vector<16xf32>,
        %get3A_653 = arith.index_cast %scan3A_633 : i32 to index
        %get3A_654 = arith.constant 32 : index
        %get3A_655 = tpu.vector_load %arg15[%get3A_653, %get3A_654] {strides = array<i32>} : memref<80x72xf32, #tpu.memory_space<vmem>>, vector<16xf32>,
        %mul3A_656 = arith.mulf %get3A_655, %gather3A : vector<16xf32>
        %swap3A_657 = arith.index_cast %scan3A_633 : i32 to index
        %swap3A_658 = arith.constant 32 : index
        %swap3A_659 = tpu.vector_load %arg15[%swap3A_657, %swap3A_658] {strides = array<i32>} : memref<80x72xf32, #tpu.memory_space<vmem>>, vector<16xf32>,
        tpu.vector_store %arg15[%swap3A_657, %swap3A_658], %mul3A_656 {strides = array<i32>} : memref<80x72xf32, #tpu.memory_space<vmem>>, vector<16xf32>,
        %get3A_660 = arith.index_cast %scan3A_633 : i32 to index
        %get3A_661 = arith.constant 48 : index
        %get3A_662 = tpu.vector_load %arg15[%get3A_660, %get3A_661] {strides = array<i32>} : memref<80x72xf32, #tpu.memory_space<vmem>>, vector<16xf32>,
        %mul3A_663 = arith.mulf %get3A_662, %gather3A : vector<16xf32>
        %swap3A_664 = arith.index_cast %scan3A_633 : i32 to index
        %swap3A_665 = arith.constant 48 : index
        %swap3A_666 = tpu.vector_load %arg15[%swap3A_664, %swap3A_665] {strides = array<i32>} : memref<80x72xf32, #tpu.memory_space<vmem>>, vector<16xf32>,
        tpu.vector_store %arg15[%swap3A_664, %swap3A_665], %mul3A_663 {strides = array<i32>} : memref<80x72xf32, #tpu.memory_space<vmem>>, vector<16xf32>,
        %lt3A = arith.constant 8 : i32
        %lt3A_667 = vector.broadcast %lt3A : i32 to vector<16xi32>
        %lt3A_668 = arith.cmpi slt, %iota3A, %lt3A_667 : vector<16xi32>
        %jit3A = arith.constant 1.000000e+00 : f32
        %broadcast_in_dim3A_669 = vector.broadcast %jit3A : f32 to vector<16xf32>
        %select_n3A = arith.select %lt3A_668, %broadcast_in_dim3A_669, %gather3A : vector<16xi1>, vector<16xf32>
        %get3A_670 = arith.index_cast %scan3A_633 : i32 to index
        %get3A_671 = arith.constant 56 : index
        %get3A_672 = tpu.vector_load %arg15[%get3A_670, %get3A_671] {strides = array<i32>} : memref<80x72xf32, #tpu.memory_space<vmem>>, vector<16xf32>,
        %mul3A_673 = arith.mulf %get3A_672, %select_n3A : vector<16xf32>
        %swap3A_674 = arith.index_cast %scan3A_633 : i32 to index
        %swap3A_675 = arith.constant 56 : index
        %swap3A_676 = tpu.vector_load %arg15[%swap3A_674, %swap3A_675] {strides = array<i32>} : memref<80x72xf32, #tpu.memory_space<vmem>>, vector<16xf32>,
        tpu.vector_store %arg15[%swap3A_674, %swap3A_675], %mul3A_673 {strides = array<i32>} : memref<80x72xf32, #tpu.memory_space<vmem>>, vector<16xf32>,
      }
      %scan3A_589 = arith.constant 80 : i32
      %mul3A_590 = arith.constant 80 : i32
      %mul3A_591 = arith.muli %add3A_436, %mul3A_590 : i32
      %add3A_592 = arith.constant 0 : i32
      %add3A_593 = arith.addi %mul3A_591, %add3A_592 : i32
      %get3A_594 = arith.index_cast %add3A_593 : i32 to index
      %get3A_595 = tpu.vector_load %arg12[%get3A_594] {strides = array<i32>} : memref<10000xi32, #tpu.memory_space<vmem>>, vector<16xi32>,
      %swap3A_596 = arith.constant 0 : index
      %swap3A_597 = tpu.vector_load %arg19[%swap3A_596] {strides = array<i32>} : memref<80xi32, #tpu.memory_space<vmem>>, vector<16xi32>,
      tpu.vector_store %arg19[%swap3A_596], %get3A_595 {strides = array<i32>} : memref<80xi32, #tpu.memory_space<vmem>>, vector<16xi32>,
      %mul3A_598 = arith.constant 80 : i32
      %mul3A_599 = arith.muli %add3A_436, %mul3A_598 : i32
      %add3A_600 = arith.constant 16 : i32
      %add3A_601 = arith.addi %mul3A_599, %add3A_600 : i32
      %get3A_602 = arith.index_cast %add3A_601 : i32 to index
      %get3A_603 = tpu.vector_load %arg12[%get3A_602] {strides = array<i32>} : memref<10000xi32, #tpu.memory_space<vmem>>, vector<16xi32>,
      %swap3A_604 = arith.constant 16 : index
      %swap3A_605 = tpu.vector_load %arg19[%swap3A_604] {strides = array<i32>} : memref<80xi32, #tpu.memory_space<vmem>>, vector<16xi32>,
      tpu.vector_store %arg19[%swap3A_604], %get3A_603 {strides = array<i32>} : memref<80xi32, #tpu.memory_space<vmem>>, vector<16xi32>,
      %mul3A_606 = arith.constant 80 : i32
      %mul3A_607 = arith.muli %add3A_436, %mul3A_606 : i32
      %add3A_608 = arith.constant 32 : i32
      %add3A_609 = arith.addi %mul3A_607, %add3A_608 : i32
      %get3A_610 = arith.index_cast %add3A_609 : i32 to index
      %get3A_611 = tpu.vector_load %arg12[%get3A_610] {strides = array<i32>} : memref<10000xi32, #tpu.memory_space<vmem>>, vector<16xi32>,
      %swap3A_612 = arith.constant 32 : index
      %swap3A_613 = tpu.vector_load %arg19[%swap3A_612] {strides = array<i32>} : memref<80xi32, #tpu.memory_space<vmem>>, vector<16xi32>,
      tpu.vector_store %arg19[%swap3A_612], %get3A_611 {strides = array<i32>} : memref<80xi32, #tpu.memory_space<vmem>>, vector<16xi32>,
      %mul3A_614 = arith.constant 80 : i32
      %mul3A_615 = arith.muli %add3A_436, %mul3A_614 : i32
      %add3A_616 = arith.constant 48 : i32
      %add3A_617 = arith.addi %mul3A_615, %add3A_616 : i32
      %get3A_618 = arith.index_cast %add3A_617 : i32 to index
      %get3A_619 = tpu.vector_load %arg12[%get3A_618] {strides = array<i32>} : memref<10000xi32, #tpu.memory_space<vmem>>, vector<16xi32>,
      %swap3A_620 = arith.constant 48 : index
      %swap3A_621 = tpu.vector_load %arg19[%swap3A_620] {strides = array<i32>} : memref<80xi32, #tpu.memory_space<vmem>>, vector<16xi32>,
      tpu.vector_store %arg19[%swap3A_620], %get3A_619 {strides = array<i32>} : memref<80xi32, #tpu.memory_space<vmem>>, vector<16xi32>,
      %mul3A_622 = arith.constant 80 : i32
      %mul3A_623 = arith.muli %add3A_436, %mul3A_622 : i32
      %add3A_624 = arith.constant 64 : i32
      %add3A_625 = arith.addi %mul3A_623, %add3A_624 : i32
      %get3A_626 = arith.index_cast %add3A_625 : i32 to index
      %get3A_627 = tpu.vector_load %arg12[%get3A_626] {strides = array<i32>} : memref<10000xi32, #tpu.memory_space<vmem>>, vector<16xi32>,
      %swap3A_628 = arith.constant 64 : index
      %swap3A_629 = tpu.vector_load %arg19[%swap3A_628] {strides = array<i32>} : memref<80xi32, #tpu.memory_space<vmem>>, vector<16xi32>,
      tpu.vector_store %arg19[%swap3A_628], %get3A_627 {strides = array<i32>} : memref<80xi32, #tpu.memory_space<vmem>>, vector<16xi32>,
      %dma_start3A_630 = arith.constant 0 : i32
      %dma_start3A_631 = arith.constant 0 : i32
      %dma_start3A_632 = tpu.memref_slice %arg20[%dma_start3A_630, %dma_start3A_631] : memref<10112x72xf32, #tpu.memory_space<vmem_shared>> -> memref<10112x72xf32, #tpu.memory_space<vmem_shared>>
      tpu.enqueue_indirect_dma source(%arg15 : memref<80x72xf32, #tpu.memory_space<vmem>>) target(%dma_start3A_632 : memref<10112x72xf32, #tpu.memory_space<vmem_shared>>) offsets(%arg19 : memref<80xi32, #tpu.memory_space<vmem>>) semaphore(%arg24 : memref<!tpu.dma_semaphore, #tpu.memory_space<semaphore_mem>>) {add = true}
    }
    %scan3A_145 = arith.constant 61 : i32
    %dma_wait3A_146 = arith.constant 0 : i32
    %dma_wait3A_147 = arith.constant 0 : i32
    %dma_wait3A_148 = tpu.memref_slice %arg20[%dma_wait3A_146, %dma_wait3A_147] : memref<10112x72xf32, #tpu.memory_space<vmem_shared>> -> memref<10112x72xf32, #tpu.memory_space<vmem_shared>>
    tpu.wait_indirect_dma semaphore(%arg23 : memref<!tpu.dma_semaphore, #tpu.memory_space<semaphore_mem>>) src(%arg14 : memref<80x72xf32, #tpu.memory_space<vmem>>) dst(%dma_wait3A_148 : memref<10112x72xf32, #tpu.memory_space<vmem_shared>>)
    %get3A_149 = arith.constant 9920 : index
    %get3A_150 = tpu.vector_load %arg11[%get3A_149] {strides = array<i32>} : memref<10000xi32, #tpu.memory_space<vmem>>, vector<16xi32>,
    %swap3A_151 = arith.constant 0 : index
    %swap3A_152 = tpu.vector_load %arg16[%swap3A_151] {strides = array<i32>} : memref<80xi32, #tpu.memory_space<vmem>>, vector<16xi32>,
    tpu.vector_store %arg16[%swap3A_151], %get3A_150 {strides = array<i32>} : memref<80xi32, #tpu.memory_space<vmem>>, vector<16xi32>,
    %get3A_153 = arith.constant 9936 : index
    %get3A_154 = tpu.vector_load %arg11[%get3A_153] {strides = array<i32>} : memref<10000xi32, #tpu.memory_space<vmem>>, vector<16xi32>,
    %swap3A_155 = arith.constant 16 : index
    %swap3A_156 = tpu.vector_load %arg16[%swap3A_155] {strides = array<i32>} : memref<80xi32, #tpu.memory_space<vmem>>, vector<16xi32>,
    tpu.vector_store %arg16[%swap3A_155], %get3A_154 {strides = array<i32>} : memref<80xi32, #tpu.memory_space<vmem>>, vector<16xi32>,
    %get3A_157 = arith.constant 9952 : index
    %get3A_158 = tpu.vector_load %arg11[%get3A_157] {strides = array<i32>} : memref<10000xi32, #tpu.memory_space<vmem>>, vector<16xi32>,
    %swap3A_159 = arith.constant 32 : index
    %swap3A_160 = tpu.vector_load %arg16[%swap3A_159] {strides = array<i32>} : memref<80xi32, #tpu.memory_space<vmem>>, vector<16xi32>,
    tpu.vector_store %arg16[%swap3A_159], %get3A_158 {strides = array<i32>} : memref<80xi32, #tpu.memory_space<vmem>>, vector<16xi32>,
    %get3A_161 = arith.constant 9968 : index
    %get3A_162 = tpu.vector_load %arg11[%get3A_161] {strides = array<i32>} : memref<10000xi32, #tpu.memory_space<vmem>>, vector<16xi32>,
    %swap3A_163 = arith.constant 48 : index
    %swap3A_164 = tpu.vector_load %arg16[%swap3A_163] {strides = array<i32>} : memref<80xi32, #tpu.memory_space<vmem>>, vector<16xi32>,
    tpu.vector_store %arg16[%swap3A_163], %get3A_162 {strides = array<i32>} : memref<80xi32, #tpu.memory_space<vmem>>, vector<16xi32>,
    %get3A_165 = arith.constant 9984 : index
    %get3A_166 = tpu.vector_load %arg11[%get3A_165] {strides = array<i32>} : memref<10000xi32, #tpu.memory_space<vmem>>, vector<16xi32>,
    %swap3A_167 = arith.constant 64 : index
    %swap3A_168 = tpu.vector_load %arg16[%swap3A_167] {strides = array<i32>} : memref<80xi32, #tpu.memory_space<vmem>>, vector<16xi32>,
    tpu.vector_store %arg16[%swap3A_167], %get3A_166 {strides = array<i32>} : memref<80xi32, #tpu.memory_space<vmem>>, vector<16xi32>,
    %dma_start3A_169 = arith.constant 0 : i32
    %dma_start3A_170 = arith.constant 0 : i32
    %dma_start3A_171 = tpu.memref_slice %arg2[%dma_start3A_169, %dma_start3A_170] : memref<10000x72xf32, #tpu.memory_space<hbm>> -> memref<10000x72xf32, #tpu.memory_space<hbm>>
    tpu.enqueue_indirect_dma source(%dma_start3A_171 : memref<10000x72xf32, #tpu.memory_space<hbm>>) target(%arg14 : memref<80x72xf32, #tpu.memory_space<vmem>>) offsets(%arg16 : memref<80xi32, #tpu.memory_space<vmem>>) semaphore(%arg21 : memref<!tpu.dma_semaphore, #tpu.memory_space<semaphore_mem>>)
    %dma_wait3A_172 = arith.constant 0 : i32
    %dma_wait3A_173 = arith.constant 0 : i32
    %dma_wait3A_174 = tpu.memref_slice %arg2[%dma_wait3A_172, %dma_wait3A_173] : memref<10000x72xf32, #tpu.memory_space<hbm>> -> memref<10000x72xf32, #tpu.memory_space<hbm>>
    tpu.wait_indirect_dma semaphore(%arg21 : memref<!tpu.dma_semaphore, #tpu.memory_space<semaphore_mem>>) src(%dma_wait3A_174 : memref<10000x72xf32, #tpu.memory_space<hbm>>) dst(%arg14 : memref<80x72xf32, #tpu.memory_space<vmem>>)
    %scan3A_175 = arith.constant 0 : i32
    %scan3A_176 = arith.constant 0 : i32
    %scan3A_177 = arith.constant 80 : i32
    %scan3A_178 = arith.addi %scan3A_176, %scan3A_177 : i32
    %scan3A_179 = arith.constant 1 : i32
    scf.for %scan3A_430 = %scan3A_176 to %scan3A_178 step %scan3A_179  : i32 {
      %add3A_431 = arith.constant 9920 : i32
      %add3A_432 = arith.addi %add3A_431, %scan3A_430 : i32
      %add3A_433 = vector.broadcast %add3A_432 : i32 to vector<16xi32>
      %add3A_434 = arith.addi %broadcast_in_dim3A_8, %add3A_433 : vector<16xi32>
      %gather3A = tpu.vector_load_idx %arg13[%add3A_434] : memref<10000xf32, #tpu.memory_space<vmem>>[vector<16xi32>], vector<16xf32>,
      %get3A_435 = arith.index_cast %scan3A_430 : i32 to index
      %get3A_436 = arith.constant 0 : index
      %get3A_437 = tpu.vector_load %arg14[%get3A_435, %get3A_436] {strides = array<i32>} : memref<80x72xf32, #tpu.memory_space<vmem>>, vector<16xf32>,
      %mul3A_438 = arith.mulf %get3A_437, %gather3A : vector<16xf32>
      %swap3A_439 = arith.index_cast %scan3A_430 : i32 to index
      %swap3A_440 = arith.constant 0 : index
      %swap3A_441 = tpu.vector_load %arg14[%swap3A_439, %swap3A_440] {strides = array<i32>} : memref<80x72xf32, #tpu.memory_space<vmem>>, vector<16xf32>,
      tpu.vector_store %arg14[%swap3A_439, %swap3A_440], %mul3A_438 {strides = array<i32>} : memref<80x72xf32, #tpu.memory_space<vmem>>, vector<16xf32>,
      %get3A_442 = arith.index_cast %scan3A_430 : i32 to index
      %get3A_443 = arith.constant 16 : index
      %get3A_444 = tpu.vector_load %arg14[%get3A_442, %get3A_443] {strides = array<i32>} : memref<80x72xf32, #tpu.memory_space<vmem>>, vector<16xf32>,
      %mul3A_445 = arith.mulf %get3A_444, %gather3A : vector<16xf32>
      %swap3A_446 = arith.index_cast %scan3A_430 : i32 to index
      %swap3A_447 = arith.constant 16 : index
      %swap3A_448 = tpu.vector_load %arg14[%swap3A_446, %swap3A_447] {strides = array<i32>} : memref<80x72xf32, #tpu.memory_space<vmem>>, vector<16xf32>,
      tpu.vector_store %arg14[%swap3A_446, %swap3A_447], %mul3A_445 {strides = array<i32>} : memref<80x72xf32, #tpu.memory_space<vmem>>, vector<16xf32>,
      %get3A_449 = arith.index_cast %scan3A_430 : i32 to index
      %get3A_450 = arith.constant 32 : index
      %get3A_451 = tpu.vector_load %arg14[%get3A_449, %get3A_450] {strides = array<i32>} : memref<80x72xf32, #tpu.memory_space<vmem>>, vector<16xf32>,
      %mul3A_452 = arith.mulf %get3A_451, %gather3A : vector<16xf32>
      %swap3A_453 = arith.index_cast %scan3A_430 : i32 to index
      %swap3A_454 = arith.constant 32 : index
      %swap3A_455 = tpu.vector_load %arg14[%swap3A_453, %swap3A_454] {strides = array<i32>} : memref<80x72xf32, #tpu.memory_space<vmem>>, vector<16xf32>,
      tpu.vector_store %arg14[%swap3A_453, %swap3A_454], %mul3A_452 {strides = array<i32>} : memref<80x72xf32, #tpu.memory_space<vmem>>, vector<16xf32>,
      %get3A_456 = arith.index_cast %scan3A_430 : i32 to index
      %get3A_457 = arith.constant 48 : index
      %get3A_458 = tpu.vector_load %arg14[%get3A_456, %get3A_457] {strides = array<i32>} : memref<80x72xf32, #tpu.memory_space<vmem>>, vector<16xf32>,
      %mul3A_459 = arith.mulf %get3A_458, %gather3A : vector<16xf32>
      %swap3A_460 = arith.index_cast %scan3A_430 : i32 to index
      %swap3A_461 = arith.constant 48 : index
      %swap3A_462 = tpu.vector_load %arg14[%swap3A_460, %swap3A_461] {strides = array<i32>} : memref<80x72xf32, #tpu.memory_space<vmem>>, vector<16xf32>,
      tpu.vector_store %arg14[%swap3A_460, %swap3A_461], %mul3A_459 {strides = array<i32>} : memref<80x72xf32, #tpu.memory_space<vmem>>, vector<16xf32>,
      %lt3A = arith.constant 8 : i32
      %lt3A_463 = vector.broadcast %lt3A : i32 to vector<16xi32>
      %lt3A_464 = arith.cmpi slt, %iota3A, %lt3A_463 : vector<16xi32>
      %jit3A = arith.constant 1.000000e+00 : f32
      %broadcast_in_dim3A_465 = vector.broadcast %jit3A : f32 to vector<16xf32>
      %select_n3A = arith.select %lt3A_464, %broadcast_in_dim3A_465, %gather3A : vector<16xi1>, vector<16xf32>
      %get3A_466 = arith.index_cast %scan3A_430 : i32 to index
      %get3A_467 = arith.constant 56 : index
      %get3A_468 = tpu.vector_load %arg14[%get3A_466, %get3A_467] {strides = array<i32>} : memref<80x72xf32, #tpu.memory_space<vmem>>, vector<16xf32>,
      %mul3A_469 = arith.mulf %get3A_468, %select_n3A : vector<16xf32>
      %swap3A_470 = arith.index_cast %scan3A_430 : i32 to index
      %swap3A_471 = arith.constant 56 : index
      %swap3A_472 = tpu.vector_load %arg14[%swap3A_470, %swap3A_471] {strides = array<i32>} : memref<80x72xf32, #tpu.memory_space<vmem>>, vector<16xf32>,
      tpu.vector_store %arg14[%swap3A_470, %swap3A_471], %mul3A_469 {strides = array<i32>} : memref<80x72xf32, #tpu.memory_space<vmem>>, vector<16xf32>,
    }
    %scan3A_180 = arith.constant 80 : i32
    %get3A_181 = arith.constant 9920 : index
    %get3A_182 = tpu.vector_load %arg12[%get3A_181] {strides = array<i32>} : memref<10000xi32, #tpu.memory_space<vmem>>, vector<16xi32>,
    %swap3A_183 = arith.constant 0 : index
    %swap3A_184 = tpu.vector_load %arg18[%swap3A_183] {strides = array<i32>} : memref<80xi32, #tpu.memory_space<vmem>>, vector<16xi32>,
    tpu.vector_store %arg18[%swap3A_183], %get3A_182 {strides = array<i32>} : memref<80xi32, #tpu.memory_space<vmem>>, vector<16xi32>,
    %get3A_185 = arith.constant 9936 : index
    %get3A_186 = tpu.vector_load %arg12[%get3A_185] {strides = array<i32>} : memref<10000xi32, #tpu.memory_space<vmem>>, vector<16xi32>,
    %swap3A_187 = arith.constant 16 : index
    %swap3A_188 = tpu.vector_load %arg18[%swap3A_187] {strides = array<i32>} : memref<80xi32, #tpu.memory_space<vmem>>, vector<16xi32>,
    tpu.vector_store %arg18[%swap3A_187], %get3A_186 {strides = array<i32>} : memref<80xi32, #tpu.memory_space<vmem>>, vector<16xi32>,
    %get3A_189 = arith.constant 9952 : index
    %get3A_190 = tpu.vector_load %arg12[%get3A_189] {strides = array<i32>} : memref<10000xi32, #tpu.memory_space<vmem>>, vector<16xi32>,
    %swap3A_191 = arith.constant 32 : index
    %swap3A_192 = tpu.vector_load %arg18[%swap3A_191] {strides = array<i32>} : memref<80xi32, #tpu.memory_space<vmem>>, vector<16xi32>,
    tpu.vector_store %arg18[%swap3A_191], %get3A_190 {strides = array<i32>} : memref<80xi32, #tpu.memory_space<vmem>>, vector<16xi32>,
    %get3A_193 = arith.constant 9968 : index
    %get3A_194 = tpu.vector_load %arg12[%get3A_193] {strides = array<i32>} : memref<10000xi32, #tpu.memory_space<vmem>>, vector<16xi32>,
    %swap3A_195 = arith.constant 48 : index
    %swap3A_196 = tpu.vector_load %arg18[%swap3A_195] {strides = array<i32>} : memref<80xi32, #tpu.memory_space<vmem>>, vector<16xi32>,
    tpu.vector_store %arg18[%swap3A_195], %get3A_194 {strides = array<i32>} : memref<80xi32, #tpu.memory_space<vmem>>, vector<16xi32>,
    %get3A_197 = arith.constant 9984 : index
    %get3A_198 = tpu.vector_load %arg12[%get3A_197] {strides = array<i32>} : memref<10000xi32, #tpu.memory_space<vmem>>, vector<16xi32>,
    %swap3A_199 = arith.constant 64 : index
    %swap3A_200 = tpu.vector_load %arg18[%swap3A_199] {strides = array<i32>} : memref<80xi32, #tpu.memory_space<vmem>>, vector<16xi32>,
    tpu.vector_store %arg18[%swap3A_199], %get3A_198 {strides = array<i32>} : memref<80xi32, #tpu.memory_space<vmem>>, vector<16xi32>,
    %dma_start3A_201 = arith.constant 0 : i32
    %dma_start3A_202 = arith.constant 0 : i32
    %dma_start3A_203 = tpu.memref_slice %arg20[%dma_start3A_201, %dma_start3A_202] : memref<10112x72xf32, #tpu.memory_space<vmem_shared>> -> memref<10112x72xf32, #tpu.memory_space<vmem_shared>>
    tpu.enqueue_indirect_dma source(%arg14 : memref<80x72xf32, #tpu.memory_space<vmem>>) target(%dma_start3A_203 : memref<10112x72xf32, #tpu.memory_space<vmem_shared>>) offsets(%arg18 : memref<80xi32, #tpu.memory_space<vmem>>) semaphore(%arg23 : memref<!tpu.dma_semaphore, #tpu.memory_space<semaphore_mem>>) {add = true}
    %dma_wait3A_204 = arith.constant 0 : i32
    %dma_wait3A_205 = arith.constant 0 : i32
    %dma_wait3A_206 = tpu.memref_slice %arg20[%dma_wait3A_204, %dma_wait3A_205] : memref<10112x72xf32, #tpu.memory_space<vmem_shared>> -> memref<10112x72xf32, #tpu.memory_space<vmem_shared>>
    tpu.wait_indirect_dma semaphore(%arg23 : memref<!tpu.dma_semaphore, #tpu.memory_space<semaphore_mem>>) src(%arg14 : memref<80x72xf32, #tpu.memory_space<vmem>>) dst(%dma_wait3A_206 : memref<10112x72xf32, #tpu.memory_space<vmem_shared>>)
    %dma_wait3A_207 = arith.constant 0 : i32
    %dma_wait3A_208 = arith.constant 0 : i32
    %dma_wait3A_209 = tpu.memref_slice %arg20[%dma_wait3A_207, %dma_wait3A_208] : memref<10112x72xf32, #tpu.memory_space<vmem_shared>> -> memref<10112x72xf32, #tpu.memory_space<vmem_shared>>
    tpu.wait_indirect_dma semaphore(%arg24 : memref<!tpu.dma_semaphore, #tpu.memory_space<semaphore_mem>>) src(%arg15 : memref<80x72xf32, #tpu.memory_space<vmem>>) dst(%dma_wait3A_209 : memref<10112x72xf32, #tpu.memory_space<vmem_shared>>)
    %barrier3A_210 = arith.constant 0 : index
    tpu.barrier barrier_id(%barrier3A_210)
    %mul3A_211 = arith.constant 632 : i32
    %mul3A_212 = arith.muli %arg1, %mul3A_211 : i32
    %mul3A_213 = arith.constant 632 : i32
    %mul3A_214 = arith.muli %arg1, %mul3A_213 : i32
    %run_scoped3A = arith.constant 0 : i32
    "tpu.region"() ({
      %run_scoped3A_430 = tpu.sem_alloc : memref<!tpu.dma_semaphore, #tpu.memory_space<semaphore_mem>>
      %dma_start3A_431 = arith.constant 0 : i32
      %dma_start3A_432 = tpu.memref_slice %arg8[%arg0, %run_scoped3A, %mul3A_214, %dma_start3A_431] : memref<2x2x10112x72xf32, #tpu.memory_space<hbm>> -> memref<1x1x632x72xf32, #tpu.memory_space<hbm>>
      %dma_start3A_433 = tpu.memref_squeeze %dma_start3A_432 : memref<1x1x632x72xf32, #tpu.memory_space<hbm>> -> memref<632x72xf32, #tpu.memory_space<hbm>>
      %dma_start3A_434 = arith.constant 0 : i32
      %dma_start3A_435 = tpu.memref_slice %arg20[%mul3A_212, %dma_start3A_434] : memref<10112x72xf32, #tpu.memory_space<vmem_shared>> -> memref<632x72xf32, #tpu.memory_space<vmem_shared>>
      tpu.enqueue_dma source(%dma_start3A_435 : memref<632x72xf32, #tpu.memory_space<vmem_shared>>) target(%dma_start3A_433 : memref<632x72xf32, #tpu.memory_space<hbm>>) target_semaphore(%run_scoped3A_430 : memref<!tpu.dma_semaphore, #tpu.memory_space<semaphore_mem>>)
      %dma_wait3A_436 = arith.constant 0 : i32
      %dma_wait3A_437 = tpu.memref_slice %arg8[%arg0, %run_scoped3A, %mul3A_214, %dma_wait3A_436] : memref<2x2x10112x72xf32, #tpu.memory_space<hbm>> -> memref<1x1x632x72xf32, #tpu.memory_space<hbm>>
      %dma_wait3A_438 = tpu.memref_squeeze %dma_wait3A_437 : memref<1x1x632x72xf32, #tpu.memory_space<hbm>> -> memref<632x72xf32, #tpu.memory_space<hbm>>
      %dma_wait3A_439 = arith.constant 0 : i32
      %dma_wait3A_440 = tpu.memref_slice %arg20[%mul3A_212, %dma_wait3A_439] : memref<10112x72xf32, #tpu.memory_space<vmem_shared>> -> memref<632x72xf32, #tpu.memory_space<vmem_shared>>
      tpu.wait_dma2 semaphore(%run_scoped3A_430 : memref<!tpu.dma_semaphore, #tpu.memory_space<semaphore_mem>>) src(%dma_wait3A_440 : memref<632x72xf32, #tpu.memory_space<vmem_shared>>) dst(%dma_wait3A_438 : memref<632x72xf32, #tpu.memory_space<hbm>>)
      tpu.yield
    }) : () -> ()
    %barrier3A_215 = arith.constant 0 : index
    tpu.barrier barrier_id(%barrier3A_215)
    %scan3A_216 = arith.constant 0 : i32
    %scan3A_217 = arith.constant 0 : i32
    %scan3A_218 = arith.constant 80 : i32
    %scan3A_219 = arith.addi %scan3A_217, %scan3A_218 : i32
    %scan3A_220 = arith.constant 1 : i32
    scf.for %scan3A_430 = %scan3A_217 to %scan3A_219 step %scan3A_220  : i32 {
      %swap3A_431 = arith.index_cast %scan3A_430 : i32 to index
      %swap3A_432 = arith.constant 0 : index
      %swap3A_433 = tpu.vector_load %arg14[%swap3A_431, %swap3A_432] {strides = array<i32>} : memref<80x72xf32, #tpu.memory_space<vmem>>, vector<16xf32>,
      tpu.vector_store %arg14[%swap3A_431, %swap3A_432], %broadcast_in_dim3A_1 {strides = array<i32>} : memref<80x72xf32, #tpu.memory_space<vmem>>, vector<16xf32>,
      %swap3A_434 = arith.index_cast %scan3A_430 : i32 to index
      %swap3A_435 = arith.constant 16 : index
      %swap3A_436 = tpu.vector_load %arg14[%swap3A_434, %swap3A_435] {strides = array<i32>} : memref<80x72xf32, #tpu.memory_space<vmem>>, vector<16xf32>,
      tpu.vector_store %arg14[%swap3A_434, %swap3A_435], %broadcast_in_dim3A_1 {strides = array<i32>} : memref<80x72xf32, #tpu.memory_space<vmem>>, vector<16xf32>,
      %swap3A_437 = arith.index_cast %scan3A_430 : i32 to index
      %swap3A_438 = arith.constant 32 : index
      %swap3A_439 = tpu.vector_load %arg14[%swap3A_437, %swap3A_438] {strides = array<i32>} : memref<80x72xf32, #tpu.memory_space<vmem>>, vector<16xf32>,
      tpu.vector_store %arg14[%swap3A_437, %swap3A_438], %broadcast_in_dim3A_1 {strides = array<i32>} : memref<80x72xf32, #tpu.memory_space<vmem>>, vector<16xf32>,
      %swap3A_440 = arith.index_cast %scan3A_430 : i32 to index
      %swap3A_441 = arith.constant 48 : index
      %swap3A_442 = tpu.vector_load %arg14[%swap3A_440, %swap3A_441] {strides = array<i32>} : memref<80x72xf32, #tpu.memory_space<vmem>>, vector<16xf32>,
      tpu.vector_store %arg14[%swap3A_440, %swap3A_441], %broadcast_in_dim3A_1 {strides = array<i32>} : memref<80x72xf32, #tpu.memory_space<vmem>>, vector<16xf32>,
      %swap3A_443 = arith.index_cast %scan3A_430 : i32 to index
      %swap3A_444 = arith.constant 56 : index
      %swap3A_445 = tpu.vector_load %arg14[%swap3A_443, %swap3A_444] {strides = array<i32>} : memref<80x72xf32, #tpu.memory_space<vmem>>, vector<16xf32>,
      tpu.vector_store %arg14[%swap3A_443, %swap3A_444], %broadcast_in_dim3A_1 {strides = array<i32>} : memref<80x72xf32, #tpu.memory_space<vmem>>, vector<16xf32>,
    }
    %scan3A_221 = arith.constant 80 : i32
    %mul3A_222 = arith.constant 632 : i32
    %mul3A_223 = arith.muli %arg1, %mul3A_222 : i32
    %add3A_224 = arith.constant 0 : i32
    %add3A_225 = arith.addi %mul3A_223, %add3A_224 : i32
    "tpu.region"() ({
      %run_scoped3A_430 = tpu.sem_alloc : memref<!tpu.dma_semaphore, #tpu.memory_space<semaphore_mem>>
      %dma_start3A_431 = arith.constant 0 : i32
      %dma_start3A_432 = tpu.memref_slice %arg20[%add3A_225, %dma_start3A_431] : memref<10112x72xf32, #tpu.memory_space<vmem_shared>> -> memref<80x72xf32, #tpu.memory_space<vmem_shared>>
      %dma_start3A_433 = arith.constant 0 : i32
      %dma_start3A_434 = tpu.memref_slice %arg20[%add3A_225, %dma_start3A_433] : memref<10112x72xf32, #tpu.memory_space<vmem_shared>> -> memref<80x72xf32, #tpu.memory_space<vmem_shared>>
      tpu.enqueue_dma source(%arg14 : memref<80x72xf32, #tpu.memory_space<vmem>>) target(%dma_start3A_434 : memref<80x72xf32, #tpu.memory_space<vmem_shared>>) target_semaphore(%run_scoped3A_430 : memref<!tpu.dma_semaphore, #tpu.memory_space<semaphore_mem>>)
      %dma_wait3A_435 = arith.constant 0 : i32
      %dma_wait3A_436 = tpu.memref_slice %arg20[%add3A_225, %dma_wait3A_435] : memref<10112x72xf32, #tpu.memory_space<vmem_shared>> -> memref<80x72xf32, #tpu.memory_space<vmem_shared>>
      %dma_wait3A_437 = arith.constant 0 : i32
      %dma_wait3A_438 = tpu.memref_slice %arg20[%add3A_225, %dma_wait3A_437] : memref<10112x72xf32, #tpu.memory_space<vmem_shared>> -> memref<80x72xf32, #tpu.memory_space<vmem_shared>>
      tpu.wait_dma2 semaphore(%run_scoped3A_430 : memref<!tpu.dma_semaphore, #tpu.memory_space<semaphore_mem>>) src(%arg14 : memref<80x72xf32, #tpu.memory_space<vmem>>) dst(%dma_wait3A_438 : memref<80x72xf32, #tpu.memory_space<vmem_shared>>)
      tpu.yield
    }) : () -> ()
    %add3A_226 = arith.constant 80 : i32
    %add3A_227 = arith.addi %mul3A_223, %add3A_226 : i32
    "tpu.region"() ({
      %run_scoped3A_430 = tpu.sem_alloc : memref<!tpu.dma_semaphore, #tpu.memory_space<semaphore_mem>>
      %dma_start3A_431 = arith.constant 0 : i32
      %dma_start3A_432 = tpu.memref_slice %arg20[%add3A_227, %dma_start3A_431] : memref<10112x72xf32, #tpu.memory_space<vmem_shared>> -> memref<80x72xf32, #tpu.memory_space<vmem_shared>>
      %dma_start3A_433 = arith.constant 0 : i32
      %dma_start3A_434 = tpu.memref_slice %arg20[%add3A_227, %dma_start3A_433] : memref<10112x72xf32, #tpu.memory_space<vmem_shared>> -> memref<80x72xf32, #tpu.memory_space<vmem_shared>>
      tpu.enqueue_dma source(%arg14 : memref<80x72xf32, #tpu.memory_space<vmem>>) target(%dma_start3A_434 : memref<80x72xf32, #tpu.memory_space<vmem_shared>>) target_semaphore(%run_scoped3A_430 : memref<!tpu.dma_semaphore, #tpu.memory_space<semaphore_mem>>)
      %dma_wait3A_435 = arith.constant 0 : i32
      %dma_wait3A_436 = tpu.memref_slice %arg20[%add3A_227, %dma_wait3A_435] : memref<10112x72xf32, #tpu.memory_space<vmem_shared>> -> memref<80x72xf32, #tpu.memory_space<vmem_shared>>
      %dma_wait3A_437 = arith.constant 0 : i32
      %dma_wait3A_438 = tpu.memref_slice %arg20[%add3A_227, %dma_wait3A_437] : memref<10112x72xf32, #tpu.memory_space<vmem_shared>> -> memref<80x72xf32, #tpu.memory_space<vmem_shared>>
      tpu.wait_dma2 semaphore(%run_scoped3A_430 : memref<!tpu.dma_semaphore, #tpu.memory_space<semaphore_mem>>) src(%arg14 : memref<80x72xf32, #tpu.memory_space<vmem>>) dst(%dma_wait3A_438 : memref<80x72xf32, #tpu.memory_space<vmem_shared>>)
      tpu.yield
    }) : () -> ()
    %add3A_228 = arith.constant 160 : i32
    %add3A_229 = arith.addi %mul3A_223, %add3A_228 : i32
    "tpu.region"() ({
      %run_scoped3A_430 = tpu.sem_alloc : memref<!tpu.dma_semaphore, #tpu.memory_space<semaphore_mem>>
      %dma_start3A_431 = arith.constant 0 : i32
      %dma_start3A_432 = tpu.memref_slice %arg20[%add3A_229, %dma_start3A_431] : memref<10112x72xf32, #tpu.memory_space<vmem_shared>> -> memref<80x72xf32, #tpu.memory_space<vmem_shared>>
      %dma_start3A_433 = arith.constant 0 : i32
      %dma_start3A_434 = tpu.memref_slice %arg20[%add3A_229, %dma_start3A_433] : memref<10112x72xf32, #tpu.memory_space<vmem_shared>> -> memref<80x72xf32, #tpu.memory_space<vmem_shared>>
      tpu.enqueue_dma source(%arg14 : memref<80x72xf32, #tpu.memory_space<vmem>>) target(%dma_start3A_434 : memref<80x72xf32, #tpu.memory_space<vmem_shared>>) target_semaphore(%run_scoped3A_430 : memref<!tpu.dma_semaphore, #tpu.memory_space<semaphore_mem>>)
      %dma_wait3A_435 = arith.constant 0 : i32
      %dma_wait3A_436 = tpu.memref_slice %arg20[%add3A_229, %dma_wait3A_435] : memref<10112x72xf32, #tpu.memory_space<vmem_shared>> -> memref<80x72xf32, #tpu.memory_space<vmem_shared>>
      %dma_wait3A_437 = arith.constant 0 : i32
      %dma_wait3A_438 = tpu.memref_slice %arg20[%add3A_229, %dma_wait3A_437] : memref<10112x72xf32, #tpu.memory_space<vmem_shared>> -> memref<80x72xf32, #tpu.memory_space<vmem_shared>>
      tpu.wait_dma2 semaphore(%run_scoped3A_430 : memref<!tpu.dma_semaphore, #tpu.memory_space<semaphore_mem>>) src(%arg14 : memref<80x72xf32, #tpu.memory_space<vmem>>) dst(%dma_wait3A_438 : memref<80x72xf32, #tpu.memory_space<vmem_shared>>)
      tpu.yield
    }) : () -> ()
    %add3A_230 = arith.constant 240 : i32
    %add3A_231 = arith.addi %mul3A_223, %add3A_230 : i32
    "tpu.region"() ({
      %run_scoped3A_430 = tpu.sem_alloc : memref<!tpu.dma_semaphore, #tpu.memory_space<semaphore_mem>>
      %dma_start3A_431 = arith.constant 0 : i32
      %dma_start3A_432 = tpu.memref_slice %arg20[%add3A_231, %dma_start3A_431] : memref<10112x72xf32, #tpu.memory_space<vmem_shared>> -> memref<80x72xf32, #tpu.memory_space<vmem_shared>>
      %dma_start3A_433 = arith.constant 0 : i32
      %dma_start3A_434 = tpu.memref_slice %arg20[%add3A_231, %dma_start3A_433] : memref<10112x72xf32, #tpu.memory_space<vmem_shared>> -> memref<80x72xf32, #tpu.memory_space<vmem_shared>>
      tpu.enqueue_dma source(%arg14 : memref<80x72xf32, #tpu.memory_space<vmem>>) target(%dma_start3A_434 : memref<80x72xf32, #tpu.memory_space<vmem_shared>>) target_semaphore(%run_scoped3A_430 : memref<!tpu.dma_semaphore, #tpu.memory_space<semaphore_mem>>)
      %dma_wait3A_435 = arith.constant 0 : i32
      %dma_wait3A_436 = tpu.memref_slice %arg20[%add3A_231, %dma_wait3A_435] : memref<10112x72xf32, #tpu.memory_space<vmem_shared>> -> memref<80x72xf32, #tpu.memory_space<vmem_shared>>
      %dma_wait3A_437 = arith.constant 0 : i32
      %dma_wait3A_438 = tpu.memref_slice %arg20[%add3A_231, %dma_wait3A_437] : memref<10112x72xf32, #tpu.memory_space<vmem_shared>> -> memref<80x72xf32, #tpu.memory_space<vmem_shared>>
      tpu.wait_dma2 semaphore(%run_scoped3A_430 : memref<!tpu.dma_semaphore, #tpu.memory_space<semaphore_mem>>) src(%arg14 : memref<80x72xf32, #tpu.memory_space<vmem>>) dst(%dma_wait3A_438 : memref<80x72xf32, #tpu.memory_space<vmem_shared>>)
      tpu.yield
    }) : () -> ()
    %add3A_232 = arith.constant 320 : i32
    %add3A_233 = arith.addi %mul3A_223, %add3A_232 : i32
    "tpu.region"() ({
      %run_scoped3A_430 = tpu.sem_alloc : memref<!tpu.dma_semaphore, #tpu.memory_space<semaphore_mem>>
      %dma_start3A_431 = arith.constant 0 : i32
      %dma_start3A_432 = tpu.memref_slice %arg20[%add3A_233, %dma_start3A_431] : memref<10112x72xf32, #tpu.memory_space<vmem_shared>> -> memref<80x72xf32, #tpu.memory_space<vmem_shared>>
      %dma_start3A_433 = arith.constant 0 : i32
      %dma_start3A_434 = tpu.memref_slice %arg20[%add3A_233, %dma_start3A_433] : memref<10112x72xf32, #tpu.memory_space<vmem_shared>> -> memref<80x72xf32, #tpu.memory_space<vmem_shared>>
      tpu.enqueue_dma source(%arg14 : memref<80x72xf32, #tpu.memory_space<vmem>>) target(%dma_start3A_434 : memref<80x72xf32, #tpu.memory_space<vmem_shared>>) target_semaphore(%run_scoped3A_430 : memref<!tpu.dma_semaphore, #tpu.memory_space<semaphore_mem>>)
      %dma_wait3A_435 = arith.constant 0 : i32
      %dma_wait3A_436 = tpu.memref_slice %arg20[%add3A_233, %dma_wait3A_435] : memref<10112x72xf32, #tpu.memory_space<vmem_shared>> -> memref<80x72xf32, #tpu.memory_space<vmem_shared>>
      %dma_wait3A_437 = arith.constant 0 : i32
      %dma_wait3A_438 = tpu.memref_slice %arg20[%add3A_233, %dma_wait3A_437] : memref<10112x72xf32, #tpu.memory_space<vmem_shared>> -> memref<80x72xf32, #tpu.memory_space<vmem_shared>>
      tpu.wait_dma2 semaphore(%run_scoped3A_430 : memref<!tpu.dma_semaphore, #tpu.memory_space<semaphore_mem>>) src(%arg14 : memref<80x72xf32, #tpu.memory_space<vmem>>) dst(%dma_wait3A_438 : memref<80x72xf32, #tpu.memory_space<vmem_shared>>)
      tpu.yield
    }) : () -> ()
    %add3A_234 = arith.constant 400 : i32
    %add3A_235 = arith.addi %mul3A_223, %add3A_234 : i32
    "tpu.region"() ({
      %run_scoped3A_430 = tpu.sem_alloc : memref<!tpu.dma_semaphore, #tpu.memory_space<semaphore_mem>>
      %dma_start3A_431 = arith.constant 0 : i32
      %dma_start3A_432 = tpu.memref_slice %arg20[%add3A_235, %dma_start3A_431] : memref<10112x72xf32, #tpu.memory_space<vmem_shared>> -> memref<80x72xf32, #tpu.memory_space<vmem_shared>>
      %dma_start3A_433 = arith.constant 0 : i32
      %dma_start3A_434 = tpu.memref_slice %arg20[%add3A_235, %dma_start3A_433] : memref<10112x72xf32, #tpu.memory_space<vmem_shared>> -> memref<80x72xf32, #tpu.memory_space<vmem_shared>>
      tpu.enqueue_dma source(%arg14 : memref<80x72xf32, #tpu.memory_space<vmem>>) target(%dma_start3A_434 : memref<80x72xf32, #tpu.memory_space<vmem_shared>>) target_semaphore(%run_scoped3A_430 : memref<!tpu.dma_semaphore, #tpu.memory_space<semaphore_mem>>)
      %dma_wait3A_435 = arith.constant 0 : i32
      %dma_wait3A_436 = tpu.memref_slice %arg20[%add3A_235, %dma_wait3A_435] : memref<10112x72xf32, #tpu.memory_space<vmem_shared>> -> memref<80x72xf32, #tpu.memory_space<vmem_shared>>
      %dma_wait3A_437 = arith.constant 0 : i32
      %dma_wait3A_438 = tpu.memref_slice %arg20[%add3A_235, %dma_wait3A_437] : memref<10112x72xf32, #tpu.memory_space<vmem_shared>> -> memref<80x72xf32, #tpu.memory_space<vmem_shared>>
      tpu.wait_dma2 semaphore(%run_scoped3A_430 : memref<!tpu.dma_semaphore, #tpu.memory_space<semaphore_mem>>) src(%arg14 : memref<80x72xf32, #tpu.memory_space<vmem>>) dst(%dma_wait3A_438 : memref<80x72xf32, #tpu.memory_space<vmem_shared>>)
      tpu.yield
    }) : () -> ()
    %add3A_236 = arith.constant 480 : i32
    %add3A_237 = arith.addi %mul3A_223, %add3A_236 : i32
    "tpu.region"() ({
      %run_scoped3A_430 = tpu.sem_alloc : memref<!tpu.dma_semaphore, #tpu.memory_space<semaphore_mem>>
      %dma_start3A_431 = arith.constant 0 : i32
      %dma_start3A_432 = tpu.memref_slice %arg20[%add3A_237, %dma_start3A_431] : memref<10112x72xf32, #tpu.memory_space<vmem_shared>> -> memref<80x72xf32, #tpu.memory_space<vmem_shared>>
      %dma_start3A_433 = arith.constant 0 : i32
      %dma_start3A_434 = tpu.memref_slice %arg20[%add3A_237, %dma_start3A_433] : memref<10112x72xf32, #tpu.memory_space<vmem_shared>> -> memref<80x72xf32, #tpu.memory_space<vmem_shared>>
      tpu.enqueue_dma source(%arg14 : memref<80x72xf32, #tpu.memory_space<vmem>>) target(%dma_start3A_434 : memref<80x72xf32, #tpu.memory_space<vmem_shared>>) target_semaphore(%run_scoped3A_430 : memref<!tpu.dma_semaphore, #tpu.memory_space<semaphore_mem>>)
      %dma_wait3A_435 = arith.constant 0 : i32
      %dma_wait3A_436 = tpu.memref_slice %arg20[%add3A_237, %dma_wait3A_435] : memref<10112x72xf32, #tpu.memory_space<vmem_shared>> -> memref<80x72xf32, #tpu.memory_space<vmem_shared>>
      %dma_wait3A_437 = arith.constant 0 : i32
      %dma_wait3A_438 = tpu.memref_slice %arg20[%add3A_237, %dma_wait3A_437] : memref<10112x72xf32, #tpu.memory_space<vmem_shared>> -> memref<80x72xf32, #tpu.memory_space<vmem_shared>>
      tpu.wait_dma2 semaphore(%run_scoped3A_430 : memref<!tpu.dma_semaphore, #tpu.memory_space<semaphore_mem>>) src(%arg14 : memref<80x72xf32, #tpu.memory_space<vmem>>) dst(%dma_wait3A_438 : memref<80x72xf32, #tpu.memory_space<vmem_shared>>)
      tpu.yield
    }) : () -> ()
    %add3A_238 = arith.constant 632 : i32
    %add3A_239 = arith.addi %mul3A_223, %add3A_238 : i32
    %sub3A_240 = arith.constant 72 : i32
    %sub3A_241 = arith.subi %add3A_239, %sub3A_240 : i32
    "tpu.region"() ({
      %run_scoped3A_430 = tpu.sem_alloc : memref<!tpu.dma_semaphore, #tpu.memory_space<semaphore_mem>>
      %dma_start3A_431 = arith.constant 0 : i32
      %dma_start3A_432 = arith.constant 0 : i32
      %dma_start3A_433 = tpu.memref_slice %arg14[%dma_start3A_431, %dma_start3A_432] : memref<80x72xf32, #tpu.memory_space<vmem>> -> memref<72x72xf32, #tpu.memory_space<vmem>>
      %dma_start3A_434 = arith.constant 0 : i32
      %dma_start3A_435 = tpu.memref_slice %arg20[%sub3A_241, %dma_start3A_434] : memref<10112x72xf32, #tpu.memory_space<vmem_shared>> -> memref<72x72xf32, #tpu.memory_space<vmem_shared>>
      %dma_start3A_436 = arith.constant 0 : i32
      %dma_start3A_437 = tpu.memref_slice %arg20[%sub3A_241, %dma_start3A_436] : memref<10112x72xf32, #tpu.memory_space<vmem_shared>> -> memref<72x72xf32, #tpu.memory_space<vmem_shared>>
      %dma_start3A_438 = arith.constant 0 : i32
      %dma_start3A_439 = arith.constant 0 : i32
      %dma_start3A_440 = tpu.memref_slice %arg14[%dma_start3A_438, %dma_start3A_439] : memref<80x72xf32, #tpu.memory_space<vmem>> -> memref<72x72xf32, #tpu.memory_space<vmem>>
      tpu.enqueue_dma source(%dma_start3A_440 : memref<72x72xf32, #tpu.memory_space<vmem>>) target(%dma_start3A_437 : memref<72x72xf32, #tpu.memory_space<vmem_shared>>) target_semaphore(%run_scoped3A_430 : memref<!tpu.dma_semaphore, #tpu.memory_space<semaphore_mem>>)
      %dma_wait3A_441 = arith.constant 0 : i32
      %dma_wait3A_442 = arith.constant 0 : i32
      %dma_wait3A_443 = tpu.memref_slice %arg14[%dma_wait3A_441, %dma_wait3A_442] : memref<80x72xf32, #tpu.memory_space<vmem>> -> memref<72x72xf32, #tpu.memory_space<vmem>>
      %dma_wait3A_444 = arith.constant 0 : i32
      %dma_wait3A_445 = tpu.memref_slice %arg20[%sub3A_241, %dma_wait3A_444] : memref<10112x72xf32, #tpu.memory_space<vmem_shared>> -> memref<72x72xf32, #tpu.memory_space<vmem_shared>>
      %dma_wait3A_446 = arith.constant 0 : i32
      %dma_wait3A_447 = tpu.memref_slice %arg20[%sub3A_241, %dma_wait3A_446] : memref<10112x72xf32, #tpu.memory_space<vmem_shared>> -> memref<72x72xf32, #tpu.memory_space<vmem_shared>>
      %dma_wait3A_448 = arith.constant 0 : i32
      %dma_wait3A_449 = arith.constant 0 : i32
      %dma_wait3A_450 = tpu.memref_slice %arg14[%dma_wait3A_448, %dma_wait3A_449] : memref<80x72xf32, #tpu.memory_space<vmem>> -> memref<72x72xf32, #tpu.memory_space<vmem>>
      tpu.wait_dma2 semaphore(%run_scoped3A_430 : memref<!tpu.dma_semaphore, #tpu.memory_space<semaphore_mem>>) src(%dma_wait3A_450 : memref<72x72xf32, #tpu.memory_space<vmem>>) dst(%dma_wait3A_447 : memref<72x72xf32, #tpu.memory_space<vmem_shared>>)
      tpu.yield
    }) : () -> ()
    %barrier3A_242 = arith.constant 0 : index
    tpu.barrier barrier_id(%barrier3A_242)
    %get3A_243 = arith.constant 0 : index
    %get3A_244 = tpu.vector_load %arg11[%get3A_243] {strides = array<i32>} : memref<10000xi32, #tpu.memory_space<vmem>>, vector<16xi32>,
    %swap3A_245 = arith.constant 0 : index
    %swap3A_246 = tpu.vector_load %arg16[%swap3A_245] {strides = array<i32>} : memref<80xi32, #tpu.memory_space<vmem>>, vector<16xi32>,
    tpu.vector_store %arg16[%swap3A_245], %get3A_244 {strides = array<i32>} : memref<80xi32, #tpu.memory_space<vmem>>, vector<16xi32>,
    %get3A_247 = arith.constant 16 : index
    %get3A_248 = tpu.vector_load %arg11[%get3A_247] {strides = array<i32>} : memref<10000xi32, #tpu.memory_space<vmem>>, vector<16xi32>,
    %swap3A_249 = arith.constant 16 : index
    %swap3A_250 = tpu.vector_load %arg16[%swap3A_249] {strides = array<i32>} : memref<80xi32, #tpu.memory_space<vmem>>, vector<16xi32>,
    tpu.vector_store %arg16[%swap3A_249], %get3A_248 {strides = array<i32>} : memref<80xi32, #tpu.memory_space<vmem>>, vector<16xi32>,
    %get3A_251 = arith.constant 32 : index
    %get3A_252 = tpu.vector_load %arg11[%get3A_251] {strides = array<i32>} : memref<10000xi32, #tpu.memory_space<vmem>>, vector<16xi32>,
    %swap3A_253 = arith.constant 32 : index
    %swap3A_254 = tpu.vector_load %arg16[%swap3A_253] {strides = array<i32>} : memref<80xi32, #tpu.memory_space<vmem>>, vector<16xi32>,
    tpu.vector_store %arg16[%swap3A_253], %get3A_252 {strides = array<i32>} : memref<80xi32, #tpu.memory_space<vmem>>, vector<16xi32>,
    %get3A_255 = arith.constant 48 : index
    %get3A_256 = tpu.vector_load %arg11[%get3A_255] {strides = array<i32>} : memref<10000xi32, #tpu.memory_space<vmem>>, vector<16xi32>,
    %swap3A_257 = arith.constant 48 : index
    %swap3A_258 = tpu.vector_load %arg16[%swap3A_257] {strides = array<i32>} : memref<80xi32, #tpu.memory_space<vmem>>, vector<16xi32>,
    tpu.vector_store %arg16[%swap3A_257], %get3A_256 {strides = array<i32>} : memref<80xi32, #tpu.memory_space<vmem>>, vector<16xi32>,
    %get3A_259 = arith.constant 64 : index
    %get3A_260 = tpu.vector_load %arg11[%get3A_259] {strides = array<i32>} : memref<10000xi32, #tpu.memory_space<vmem>>, vector<16xi32>,
    %swap3A_261 = arith.constant 64 : index
    %swap3A_262 = tpu.vector_load %arg16[%swap3A_261] {strides = array<i32>} : memref<80xi32, #tpu.memory_space<vmem>>, vector<16xi32>,
    tpu.vector_store %arg16[%swap3A_261], %get3A_260 {strides = array<i32>} : memref<80xi32, #tpu.memory_space<vmem>>, vector<16xi32>,
    %dma_start3A_263 = arith.constant 0 : i32
    %dma_start3A_264 = arith.constant 0 : i32
    %dma_start3A_265 = tpu.memref_slice %arg3[%dma_start3A_263, %dma_start3A_264] : memref<10000x72xf32, #tpu.memory_space<hbm>> -> memref<10000x72xf32, #tpu.memory_space<hbm>>
    tpu.enqueue_indirect_dma source(%dma_start3A_265 : memref<10000x72xf32, #tpu.memory_space<hbm>>) target(%arg14 : memref<80x72xf32, #tpu.memory_space<vmem>>) offsets(%arg16 : memref<80xi32, #tpu.memory_space<vmem>>) semaphore(%arg21 : memref<!tpu.dma_semaphore, #tpu.memory_space<semaphore_mem>>)
    %get3A_266 = arith.constant 80 : index
    %get3A_267 = tpu.vector_load %arg11[%get3A_266] {strides = array<i32>} : memref<10000xi32, #tpu.memory_space<vmem>>, vector<16xi32>,
    %swap3A_268 = arith.constant 0 : index
    %swap3A_269 = tpu.vector_load %arg17[%swap3A_268] {strides = array<i32>} : memref<80xi32, #tpu.memory_space<vmem>>, vector<16xi32>,
    tpu.vector_store %arg17[%swap3A_268], %get3A_267 {strides = array<i32>} : memref<80xi32, #tpu.memory_space<vmem>>, vector<16xi32>,
    %get3A_270 = arith.constant 96 : index
    %get3A_271 = tpu.vector_load %arg11[%get3A_270] {strides = array<i32>} : memref<10000xi32, #tpu.memory_space<vmem>>, vector<16xi32>,
    %swap3A_272 = arith.constant 16 : index
    %swap3A_273 = tpu.vector_load %arg17[%swap3A_272] {strides = array<i32>} : memref<80xi32, #tpu.memory_space<vmem>>, vector<16xi32>,
    tpu.vector_store %arg17[%swap3A_272], %get3A_271 {strides = array<i32>} : memref<80xi32, #tpu.memory_space<vmem>>, vector<16xi32>,
    %get3A_274 = arith.constant 112 : index
    %get3A_275 = tpu.vector_load %arg11[%get3A_274] {strides = array<i32>} : memref<10000xi32, #tpu.memory_space<vmem>>, vector<16xi32>,
    %swap3A_276 = arith.constant 32 : index
    %swap3A_277 = tpu.vector_load %arg17[%swap3A_276] {strides = array<i32>} : memref<80xi32, #tpu.memory_space<vmem>>, vector<16xi32>,
    tpu.vector_store %arg17[%swap3A_276], %get3A_275 {strides = array<i32>} : memref<80xi32, #tpu.memory_space<vmem>>, vector<16xi32>,
    %get3A_278 = arith.constant 128 : index
    %get3A_279 = tpu.vector_load %arg11[%get3A_278] {strides = array<i32>} : memref<10000xi32, #tpu.memory_space<vmem>>, vector<16xi32>,
    %swap3A_280 = arith.constant 48 : index
    %swap3A_281 = tpu.vector_load %arg17[%swap3A_280] {strides = array<i32>} : memref<80xi32, #tpu.memory_space<vmem>>, vector<16xi32>,
    tpu.vector_store %arg17[%swap3A_280], %get3A_279 {strides = array<i32>} : memref<80xi32, #tpu.memory_space<vmem>>, vector<16xi32>,
    %get3A_282 = arith.constant 144 : index
    %get3A_283 = tpu.vector_load %arg11[%get3A_282] {strides = array<i32>} : memref<10000xi32, #tpu.memory_space<vmem>>, vector<16xi32>,
    %swap3A_284 = arith.constant 64 : index
    %swap3A_285 = tpu.vector_load %arg17[%swap3A_284] {strides = array<i32>} : memref<80xi32, #tpu.memory_space<vmem>>, vector<16xi32>,
    tpu.vector_store %arg17[%swap3A_284], %get3A_283 {strides = array<i32>} : memref<80xi32, #tpu.memory_space<vmem>>, vector<16xi32>,
    %dma_start3A_286 = arith.constant 0 : i32
    %dma_start3A_287 = arith.constant 0 : i32
    %dma_start3A_288 = tpu.memref_slice %arg3[%dma_start3A_286, %dma_start3A_287] : memref<10000x72xf32, #tpu.memory_space<hbm>> -> memref<10000x72xf32, #tpu.memory_space<hbm>>
    tpu.enqueue_indirect_dma source(%dma_start3A_288 : memref<10000x72xf32, #tpu.memory_space<hbm>>) target(%arg15 : memref<80x72xf32, #tpu.memory_space<vmem>>) offsets(%arg17 : memref<80xi32, #tpu.memory_space<vmem>>) semaphore(%arg22 : memref<!tpu.dma_semaphore, #tpu.memory_space<semaphore_mem>>)
    %dma_wait3A_289 = arith.constant 0 : i32
    %dma_wait3A_290 = arith.constant 0 : i32
    %dma_wait3A_291 = tpu.memref_slice %arg3[%dma_wait3A_289, %dma_wait3A_290] : memref<10000x72xf32, #tpu.memory_space<hbm>> -> memref<10000x72xf32, #tpu.memory_space<hbm>>
    tpu.wait_indirect_dma semaphore(%arg21 : memref<!tpu.dma_semaphore, #tpu.memory_space<semaphore_mem>>) src(%dma_wait3A_291 : memref<10000x72xf32, #tpu.memory_space<hbm>>) dst(%arg14 : memref<80x72xf32, #tpu.memory_space<vmem>>)
    %scan3A_292 = arith.constant 0 : i32
    %scan3A_293 = arith.constant 0 : i32
    %scan3A_294 = arith.constant 80 : i32
    %scan3A_295 = arith.addi %scan3A_293, %scan3A_294 : i32
    %scan3A_296 = arith.constant 1 : i32
    scf.for %scan3A_430 = %scan3A_293 to %scan3A_295 step %scan3A_296  : i32 {
      %add3A_431 = arith.constant 0 : i32
      %add3A_432 = arith.addi %add3A_431, %scan3A_430 : i32
      %add3A_433 = vector.broadcast %add3A_432 : i32 to vector<16xi32>
      %add3A_434 = arith.addi %broadcast_in_dim3A_8, %add3A_433 : vector<16xi32>
      %gather3A = tpu.vector_load_idx %arg13[%add3A_434] : memref<10000xf32, #tpu.memory_space<vmem>>[vector<16xi32>], vector<16xf32>,
      %get3A_435 = arith.index_cast %scan3A_430 : i32 to index
      %get3A_436 = arith.constant 0 : index
      %get3A_437 = tpu.vector_load %arg14[%get3A_435, %get3A_436] {strides = array<i32>} : memref<80x72xf32, #tpu.memory_space<vmem>>, vector<16xf32>,
      %mul3A_438 = arith.mulf %get3A_437, %gather3A : vector<16xf32>
      %swap3A_439 = arith.index_cast %scan3A_430 : i32 to index
      %swap3A_440 = arith.constant 0 : index
      %swap3A_441 = tpu.vector_load %arg14[%swap3A_439, %swap3A_440] {strides = array<i32>} : memref<80x72xf32, #tpu.memory_space<vmem>>, vector<16xf32>,
      tpu.vector_store %arg14[%swap3A_439, %swap3A_440], %mul3A_438 {strides = array<i32>} : memref<80x72xf32, #tpu.memory_space<vmem>>, vector<16xf32>,
      %get3A_442 = arith.index_cast %scan3A_430 : i32 to index
      %get3A_443 = arith.constant 16 : index
      %get3A_444 = tpu.vector_load %arg14[%get3A_442, %get3A_443] {strides = array<i32>} : memref<80x72xf32, #tpu.memory_space<vmem>>, vector<16xf32>,
      %mul3A_445 = arith.mulf %get3A_444, %gather3A : vector<16xf32>
      %swap3A_446 = arith.index_cast %scan3A_430 : i32 to index
      %swap3A_447 = arith.constant 16 : index
      %swap3A_448 = tpu.vector_load %arg14[%swap3A_446, %swap3A_447] {strides = array<i32>} : memref<80x72xf32, #tpu.memory_space<vmem>>, vector<16xf32>,
      tpu.vector_store %arg14[%swap3A_446, %swap3A_447], %mul3A_445 {strides = array<i32>} : memref<80x72xf32, #tpu.memory_space<vmem>>, vector<16xf32>,
      %get3A_449 = arith.index_cast %scan3A_430 : i32 to index
      %get3A_450 = arith.constant 32 : index
      %get3A_451 = tpu.vector_load %arg14[%get3A_449, %get3A_450] {strides = array<i32>} : memref<80x72xf32, #tpu.memory_space<vmem>>, vector<16xf32>,
      %mul3A_452 = arith.mulf %get3A_451, %gather3A : vector<16xf32>
      %swap3A_453 = arith.index_cast %scan3A_430 : i32 to index
      %swap3A_454 = arith.constant 32 : index
      %swap3A_455 = tpu.vector_load %arg14[%swap3A_453, %swap3A_454] {strides = array<i32>} : memref<80x72xf32, #tpu.memory_space<vmem>>, vector<16xf32>,
      tpu.vector_store %arg14[%swap3A_453, %swap3A_454], %mul3A_452 {strides = array<i32>} : memref<80x72xf32, #tpu.memory_space<vmem>>, vector<16xf32>,
      %get3A_456 = arith.index_cast %scan3A_430 : i32 to index
      %get3A_457 = arith.constant 48 : index
      %get3A_458 = tpu.vector_load %arg14[%get3A_456, %get3A_457] {strides = array<i32>} : memref<80x72xf32, #tpu.memory_space<vmem>>, vector<16xf32>,
      %mul3A_459 = arith.mulf %get3A_458, %gather3A : vector<16xf32>
      %swap3A_460 = arith.index_cast %scan3A_430 : i32 to index
      %swap3A_461 = arith.constant 48 : index
      %swap3A_462 = tpu.vector_load %arg14[%swap3A_460, %swap3A_461] {strides = array<i32>} : memref<80x72xf32, #tpu.memory_space<vmem>>, vector<16xf32>,
      tpu.vector_store %arg14[%swap3A_460, %swap3A_461], %mul3A_459 {strides = array<i32>} : memref<80x72xf32, #tpu.memory_space<vmem>>, vector<16xf32>,
      %lt3A = arith.constant 8 : i32
      %lt3A_463 = vector.broadcast %lt3A : i32 to vector<16xi32>
      %lt3A_464 = arith.cmpi slt, %iota3A, %lt3A_463 : vector<16xi32>
      %jit3A = arith.constant 1.000000e+00 : f32
      %broadcast_in_dim3A_465 = vector.broadcast %jit3A : f32 to vector<16xf32>
      %select_n3A = arith.select %lt3A_464, %broadcast_in_dim3A_465, %gather3A : vector<16xi1>, vector<16xf32>
      %get3A_466 = arith.index_cast %scan3A_430 : i32 to index
      %get3A_467 = arith.constant 56 : index
      %get3A_468 = tpu.vector_load %arg14[%get3A_466, %get3A_467] {strides = array<i32>} : memref<80x72xf32, #tpu.memory_space<vmem>>, vector<16xf32>,
      %mul3A_469 = arith.mulf %get3A_468, %select_n3A : vector<16xf32>
      %swap3A_470 = arith.index_cast %scan3A_430 : i32 to index
      %swap3A_471 = arith.constant 56 : index
      %swap3A_472 = tpu.vector_load %arg14[%swap3A_470, %swap3A_471] {strides = array<i32>} : memref<80x72xf32, #tpu.memory_space<vmem>>, vector<16xf32>,
      tpu.vector_store %arg14[%swap3A_470, %swap3A_471], %mul3A_469 {strides = array<i32>} : memref<80x72xf32, #tpu.memory_space<vmem>>, vector<16xf32>,
    }
    %scan3A_297 = arith.constant 80 : i32
    %get3A_298 = arith.constant 0 : index
    %get3A_299 = tpu.vector_load %arg12[%get3A_298] {strides = array<i32>} : memref<10000xi32, #tpu.memory_space<vmem>>, vector<16xi32>,
    %swap3A_300 = arith.constant 0 : index
    %swap3A_301 = tpu.vector_load %arg18[%swap3A_300] {strides = array<i32>} : memref<80xi32, #tpu.memory_space<vmem>>, vector<16xi32>,
    tpu.vector_store %arg18[%swap3A_300], %get3A_299 {strides = array<i32>} : memref<80xi32, #tpu.memory_space<vmem>>, vector<16xi32>,
    %get3A_302 = arith.constant 16 : index
    %get3A_303 = tpu.vector_load %arg12[%get3A_302] {strides = array<i32>} : memref<10000xi32, #tpu.memory_space<vmem>>, vector<16xi32>,
    %swap3A_304 = arith.constant 16 : index
    %swap3A_305 = tpu.vector_load %arg18[%swap3A_304] {strides = array<i32>} : memref<80xi32, #tpu.memory_space<vmem>>, vector<16xi32>,
    tpu.vector_store %arg18[%swap3A_304], %get3A_303 {strides = array<i32>} : memref<80xi32, #tpu.memory_space<vmem>>, vector<16xi32>,
    %get3A_306 = arith.constant 32 : index
    %get3A_307 = tpu.vector_load %arg12[%get3A_306] {strides = array<i32>} : memref<10000xi32, #tpu.memory_space<vmem>>, vector<16xi32>,
    %swap3A_308 = arith.constant 32 : index
    %swap3A_309 = tpu.vector_load %arg18[%swap3A_308] {strides = array<i32>} : memref<80xi32, #tpu.memory_space<vmem>>, vector<16xi32>,
    tpu.vector_store %arg18[%swap3A_308], %get3A_307 {strides = array<i32>} : memref<80xi32, #tpu.memory_space<vmem>>, vector<16xi32>,
    %get3A_310 = arith.constant 48 : index
    %get3A_311 = tpu.vector_load %arg12[%get3A_310] {strides = array<i32>} : memref<10000xi32, #tpu.memory_space<vmem>>, vector<16xi32>,
    %swap3A_312 = arith.constant 48 : index
    %swap3A_313 = tpu.vector_load %arg18[%swap3A_312] {strides = array<i32>} : memref<80xi32, #tpu.memory_space<vmem>>, vector<16xi32>,
    tpu.vector_store %arg18[%swap3A_312], %get3A_311 {strides = array<i32>} : memref<80xi32, #tpu.memory_space<vmem>>, vector<16xi32>,
    %get3A_314 = arith.constant 64 : index
    %get3A_315 = tpu.vector_load %arg12[%get3A_314] {strides = array<i32>} : memref<10000xi32, #tpu.memory_space<vmem>>, vector<16xi32>,
    %swap3A_316 = arith.constant 64 : index
    %swap3A_317 = tpu.vector_load %arg18[%swap3A_316] {strides = array<i32>} : memref<80xi32, #tpu.memory_space<vmem>>, vector<16xi32>,
    tpu.vector_store %arg18[%swap3A_316], %get3A_315 {strides = array<i32>} : memref<80xi32, #tpu.memory_space<vmem>>, vector<16xi32>,
    %dma_start3A_318 = arith.constant 0 : i32
    %dma_start3A_319 = arith.constant 0 : i32
    %dma_start3A_320 = tpu.memref_slice %arg20[%dma_start3A_318, %dma_start3A_319] : memref<10112x72xf32, #tpu.memory_space<vmem_shared>> -> memref<10112x72xf32, #tpu.memory_space<vmem_shared>>
    tpu.enqueue_indirect_dma source(%arg14 : memref<80x72xf32, #tpu.memory_space<vmem>>) target(%dma_start3A_320 : memref<10112x72xf32, #tpu.memory_space<vmem_shared>>) offsets(%arg18 : memref<80xi32, #tpu.memory_space<vmem>>) semaphore(%arg23 : memref<!tpu.dma_semaphore, #tpu.memory_space<semaphore_mem>>) {add = true}
    %dma_wait3A_321 = arith.constant 0 : i32
    %dma_wait3A_322 = arith.constant 0 : i32
    %dma_wait3A_323 = tpu.memref_slice %arg3[%dma_wait3A_321, %dma_wait3A_322] : memref<10000x72xf32, #tpu.memory_space<hbm>> -> memref<10000x72xf32, #tpu.memory_space<hbm>>
    tpu.wait_indirect_dma semaphore(%arg22 : memref<!tpu.dma_semaphore, #tpu.memory_space<semaphore_mem>>) src(%dma_wait3A_323 : memref<10000x72xf32, #tpu.memory_space<hbm>>) dst(%arg15 : memref<80x72xf32, #tpu.memory_space<vmem>>)
    %scan3A_324 = arith.constant 0 : i32
    %scan3A_325 = arith.constant 0 : i32
    %scan3A_326 = arith.constant 80 : i32
    %scan3A_327 = arith.addi %scan3A_325, %scan3A_326 : i32
    %scan3A_328 = arith.constant 1 : i32
    scf.for %scan3A_430 = %scan3A_325 to %scan3A_327 step %scan3A_328  : i32 {
      %add3A_431 = arith.constant 80 : i32
      %add3A_432 = arith.addi %add3A_431, %scan3A_430 : i32
      %add3A_433 = vector.broadcast %add3A_432 : i32 to vector<16xi32>
      %add3A_434 = arith.addi %broadcast_in_dim3A_8, %add3A_433 : vector<16xi32>
      %gather3A = tpu.vector_load_idx %arg13[%add3A_434] : memref<10000xf32, #tpu.memory_space<vmem>>[vector<16xi32>], vector<16xf32>,
      %get3A_435 = arith.index_cast %scan3A_430 : i32 to index
      %get3A_436 = arith.constant 0 : index
      %get3A_437 = tpu.vector_load %arg15[%get3A_435, %get3A_436] {strides = array<i32>} : memref<80x72xf32, #tpu.memory_space<vmem>>, vector<16xf32>,
      %mul3A_438 = arith.mulf %get3A_437, %gather3A : vector<16xf32>
      %swap3A_439 = arith.index_cast %scan3A_430 : i32 to index
      %swap3A_440 = arith.constant 0 : index
      %swap3A_441 = tpu.vector_load %arg15[%swap3A_439, %swap3A_440] {strides = array<i32>} : memref<80x72xf32, #tpu.memory_space<vmem>>, vector<16xf32>,
      tpu.vector_store %arg15[%swap3A_439, %swap3A_440], %mul3A_438 {strides = array<i32>} : memref<80x72xf32, #tpu.memory_space<vmem>>, vector<16xf32>,
      %get3A_442 = arith.index_cast %scan3A_430 : i32 to index
      %get3A_443 = arith.constant 16 : index
      %get3A_444 = tpu.vector_load %arg15[%get3A_442, %get3A_443] {strides = array<i32>} : memref<80x72xf32, #tpu.memory_space<vmem>>, vector<16xf32>,
      %mul3A_445 = arith.mulf %get3A_444, %gather3A : vector<16xf32>
      %swap3A_446 = arith.index_cast %scan3A_430 : i32 to index
      %swap3A_447 = arith.constant 16 : index
      %swap3A_448 = tpu.vector_load %arg15[%swap3A_446, %swap3A_447] {strides = array<i32>} : memref<80x72xf32, #tpu.memory_space<vmem>>, vector<16xf32>,
      tpu.vector_store %arg15[%swap3A_446, %swap3A_447], %mul3A_445 {strides = array<i32>} : memref<80x72xf32, #tpu.memory_space<vmem>>, vector<16xf32>,
      %get3A_449 = arith.index_cast %scan3A_430 : i32 to index
      %get3A_450 = arith.constant 32 : index
      %get3A_451 = tpu.vector_load %arg15[%get3A_449, %get3A_450] {strides = array<i32>} : memref<80x72xf32, #tpu.memory_space<vmem>>, vector<16xf32>,
      %mul3A_452 = arith.mulf %get3A_451, %gather3A : vector<16xf32>
      %swap3A_453 = arith.index_cast %scan3A_430 : i32 to index
      %swap3A_454 = arith.constant 32 : index
      %swap3A_455 = tpu.vector_load %arg15[%swap3A_453, %swap3A_454] {strides = array<i32>} : memref<80x72xf32, #tpu.memory_space<vmem>>, vector<16xf32>,
      tpu.vector_store %arg15[%swap3A_453, %swap3A_454], %mul3A_452 {strides = array<i32>} : memref<80x72xf32, #tpu.memory_space<vmem>>, vector<16xf32>,
      %get3A_456 = arith.index_cast %scan3A_430 : i32 to index
      %get3A_457 = arith.constant 48 : index
      %get3A_458 = tpu.vector_load %arg15[%get3A_456, %get3A_457] {strides = array<i32>} : memref<80x72xf32, #tpu.memory_space<vmem>>, vector<16xf32>,
      %mul3A_459 = arith.mulf %get3A_458, %gather3A : vector<16xf32>
      %swap3A_460 = arith.index_cast %scan3A_430 : i32 to index
      %swap3A_461 = arith.constant 48 : index
      %swap3A_462 = tpu.vector_load %arg15[%swap3A_460, %swap3A_461] {strides = array<i32>} : memref<80x72xf32, #tpu.memory_space<vmem>>, vector<16xf32>,
      tpu.vector_store %arg15[%swap3A_460, %swap3A_461], %mul3A_459 {strides = array<i32>} : memref<80x72xf32, #tpu.memory_space<vmem>>, vector<16xf32>,
      %lt3A = arith.constant 8 : i32
      %lt3A_463 = vector.broadcast %lt3A : i32 to vector<16xi32>
      %lt3A_464 = arith.cmpi slt, %iota3A, %lt3A_463 : vector<16xi32>
      %jit3A = arith.constant 1.000000e+00 : f32
      %broadcast_in_dim3A_465 = vector.broadcast %jit3A : f32 to vector<16xf32>
      %select_n3A = arith.select %lt3A_464, %broadcast_in_dim3A_465, %gather3A : vector<16xi1>, vector<16xf32>
      %get3A_466 = arith.index_cast %scan3A_430 : i32 to index
      %get3A_467 = arith.constant 56 : index
      %get3A_468 = tpu.vector_load %arg15[%get3A_466, %get3A_467] {strides = array<i32>} : memref<80x72xf32, #tpu.memory_space<vmem>>, vector<16xf32>,
      %mul3A_469 = arith.mulf %get3A_468, %select_n3A : vector<16xf32>
      %swap3A_470 = arith.index_cast %scan3A_430 : i32 to index
      %swap3A_471 = arith.constant 56 : index
      %swap3A_472 = tpu.vector_load %arg15[%swap3A_470, %swap3A_471] {strides = array<i32>} : memref<80x72xf32, #tpu.memory_space<vmem>>, vector<16xf32>,
      tpu.vector_store %arg15[%swap3A_470, %swap3A_471], %mul3A_469 {strides = array<i32>} : memref<80x72xf32, #tpu.memory_space<vmem>>, vector<16xf32>,
    }
    %scan3A_329 = arith.constant 80 : i32
    %get3A_330 = arith.constant 80 : index
    %get3A_331 = tpu.vector_load %arg12[%get3A_330] {strides = array<i32>} : memref<10000xi32, #tpu.memory_space<vmem>>, vector<16xi32>,
    %swap3A_332 = arith.constant 0 : index
    %swap3A_333 = tpu.vector_load %arg19[%swap3A_332] {strides = array<i32>} : memref<80xi32, #tpu.memory_space<vmem>>, vector<16xi32>,
    tpu.vector_store %arg19[%swap3A_332], %get3A_331 {strides = array<i32>} : memref<80xi32, #tpu.memory_space<vmem>>, vector<16xi32>,
    %get3A_334 = arith.constant 96 : index
    %get3A_335 = tpu.vector_load %arg12[%get3A_334] {strides = array<i32>} : memref<10000xi32, #tpu.memory_space<vmem>>, vector<16xi32>,
    %swap3A_336 = arith.constant 16 : index
    %swap3A_337 = tpu.vector_load %arg19[%swap3A_336] {strides = array<i32>} : memref<80xi32, #tpu.memory_space<vmem>>, vector<16xi32>,
    tpu.vector_store %arg19[%swap3A_336], %get3A_335 {strides = array<i32>} : memref<80xi32, #tpu.memory_space<vmem>>, vector<16xi32>,
    %get3A_338 = arith.constant 112 : index
    %get3A_339 = tpu.vector_load %arg12[%get3A_338] {strides = array<i32>} : memref<10000xi32, #tpu.memory_space<vmem>>, vector<16xi32>,
    %swap3A_340 = arith.constant 32 : index
    %swap3A_341 = tpu.vector_load %arg19[%swap3A_340] {strides = array<i32>} : memref<80xi32, #tpu.memory_space<vmem>>, vector<16xi32>,
    tpu.vector_store %arg19[%swap3A_340], %get3A_339 {strides = array<i32>} : memref<80xi32, #tpu.memory_space<vmem>>, vector<16xi32>,
    %get3A_342 = arith.constant 128 : index
    %get3A_343 = tpu.vector_load %arg12[%get3A_342] {strides = array<i32>} : memref<10000xi32, #tpu.memory_space<vmem>>, vector<16xi32>,
    %swap3A_344 = arith.constant 48 : index
    %swap3A_345 = tpu.vector_load %arg19[%swap3A_344] {strides = array<i32>} : memref<80xi32, #tpu.memory_space<vmem>>, vector<16xi32>,
    tpu.vector_store %arg19[%swap3A_344], %get3A_343 {strides = array<i32>} : memref<80xi32, #tpu.memory_space<vmem>>, vector<16xi32>,
    %get3A_346 = arith.constant 144 : index
    %get3A_347 = tpu.vector_load %arg12[%get3A_346] {strides = array<i32>} : memref<10000xi32, #tpu.memory_space<vmem>>, vector<16xi32>,
    %swap3A_348 = arith.constant 64 : index
    %swap3A_349 = tpu.vector_load %arg19[%swap3A_348] {strides = array<i32>} : memref<80xi32, #tpu.memory_space<vmem>>, vector<16xi32>,
    tpu.vector_store %arg19[%swap3A_348], %get3A_347 {strides = array<i32>} : memref<80xi32, #tpu.memory_space<vmem>>, vector<16xi32>,
    %dma_start3A_350 = arith.constant 0 : i32
    %dma_start3A_351 = arith.constant 0 : i32
    %dma_start3A_352 = tpu.memref_slice %arg20[%dma_start3A_350, %dma_start3A_351] : memref<10112x72xf32, #tpu.memory_space<vmem_shared>> -> memref<10112x72xf32, #tpu.memory_space<vmem_shared>>
    tpu.enqueue_indirect_dma source(%arg15 : memref<80x72xf32, #tpu.memory_space<vmem>>) target(%dma_start3A_352 : memref<10112x72xf32, #tpu.memory_space<vmem_shared>>) offsets(%arg19 : memref<80xi32, #tpu.memory_space<vmem>>) semaphore(%arg24 : memref<!tpu.dma_semaphore, #tpu.memory_space<semaphore_mem>>) {add = true}
    %scan3A_353 = arith.constant 0 : i32
    %scan3A_354 = arith.constant 1 : i32
    %scan3A_355 = arith.constant 61 : i32
    %scan3A_356 = arith.addi %scan3A_354, %scan3A_355 : i32
    %scan3A_357 = arith.constant 1 : i32
    scf.for %scan3A_430 = %scan3A_354 to %scan3A_356 step %scan3A_357  : i32 {
      %mul3A_431 = arith.constant 2 : i32
      %mul3A_432 = arith.muli %mul3A_431, %scan3A_430 : i32
      %mul3A_433 = arith.constant 2 : i32
      %mul3A_434 = arith.muli %mul3A_433, %scan3A_430 : i32
      %add3A_435 = arith.constant 1 : i32
      %add3A_436 = arith.addi %mul3A_434, %add3A_435 : i32
      %dma_wait3A_437 = arith.constant 0 : i32
      %dma_wait3A_438 = arith.constant 0 : i32
      %dma_wait3A_439 = tpu.memref_slice %arg20[%dma_wait3A_437, %dma_wait3A_438] : memref<10112x72xf32, #tpu.memory_space<vmem_shared>> -> memref<10112x72xf32, #tpu.memory_space<vmem_shared>>
      tpu.wait_indirect_dma semaphore(%arg23 : memref<!tpu.dma_semaphore, #tpu.memory_space<semaphore_mem>>) src(%arg14 : memref<80x72xf32, #tpu.memory_space<vmem>>) dst(%dma_wait3A_439 : memref<10112x72xf32, #tpu.memory_space<vmem_shared>>)
      %mul3A_440 = arith.constant 80 : i32
      %mul3A_441 = arith.muli %mul3A_432, %mul3A_440 : i32
      %add3A_442 = arith.constant 0 : i32
      %add3A_443 = arith.addi %mul3A_441, %add3A_442 : i32
      %get3A_444 = arith.index_cast %add3A_443 : i32 to index
      %get3A_445 = tpu.vector_load %arg11[%get3A_444] {strides = array<i32>} : memref<10000xi32, #tpu.memory_space<vmem>>, vector<16xi32>,
      %swap3A_446 = arith.constant 0 : index
      %swap3A_447 = tpu.vector_load %arg16[%swap3A_446] {strides = array<i32>} : memref<80xi32, #tpu.memory_space<vmem>>, vector<16xi32>,
      tpu.vector_store %arg16[%swap3A_446], %get3A_445 {strides = array<i32>} : memref<80xi32, #tpu.memory_space<vmem>>, vector<16xi32>,
      %mul3A_448 = arith.constant 80 : i32
      %mul3A_449 = arith.muli %mul3A_432, %mul3A_448 : i32
      %add3A_450 = arith.constant 16 : i32
      %add3A_451 = arith.addi %mul3A_449, %add3A_450 : i32
      %get3A_452 = arith.index_cast %add3A_451 : i32 to index
      %get3A_453 = tpu.vector_load %arg11[%get3A_452] {strides = array<i32>} : memref<10000xi32, #tpu.memory_space<vmem>>, vector<16xi32>,
      %swap3A_454 = arith.constant 16 : index
      %swap3A_455 = tpu.vector_load %arg16[%swap3A_454] {strides = array<i32>} : memref<80xi32, #tpu.memory_space<vmem>>, vector<16xi32>,
      tpu.vector_store %arg16[%swap3A_454], %get3A_453 {strides = array<i32>} : memref<80xi32, #tpu.memory_space<vmem>>, vector<16xi32>,
      %mul3A_456 = arith.constant 80 : i32
      %mul3A_457 = arith.muli %mul3A_432, %mul3A_456 : i32
      %add3A_458 = arith.constant 32 : i32
      %add3A_459 = arith.addi %mul3A_457, %add3A_458 : i32
      %get3A_460 = arith.index_cast %add3A_459 : i32 to index
      %get3A_461 = tpu.vector_load %arg11[%get3A_460] {strides = array<i32>} : memref<10000xi32, #tpu.memory_space<vmem>>, vector<16xi32>,
      %swap3A_462 = arith.constant 32 : index
      %swap3A_463 = tpu.vector_load %arg16[%swap3A_462] {strides = array<i32>} : memref<80xi32, #tpu.memory_space<vmem>>, vector<16xi32>,
      tpu.vector_store %arg16[%swap3A_462], %get3A_461 {strides = array<i32>} : memref<80xi32, #tpu.memory_space<vmem>>, vector<16xi32>,
      %mul3A_464 = arith.constant 80 : i32
      %mul3A_465 = arith.muli %mul3A_432, %mul3A_464 : i32
      %add3A_466 = arith.constant 48 : i32
      %add3A_467 = arith.addi %mul3A_465, %add3A_466 : i32
      %get3A_468 = arith.index_cast %add3A_467 : i32 to index
      %get3A_469 = tpu.vector_load %arg11[%get3A_468] {strides = array<i32>} : memref<10000xi32, #tpu.memory_space<vmem>>, vector<16xi32>,
      %swap3A_470 = arith.constant 48 : index
      %swap3A_471 = tpu.vector_load %arg16[%swap3A_470] {strides = array<i32>} : memref<80xi32, #tpu.memory_space<vmem>>, vector<16xi32>,
      tpu.vector_store %arg16[%swap3A_470], %get3A_469 {strides = array<i32>} : memref<80xi32, #tpu.memory_space<vmem>>, vector<16xi32>,
      %mul3A_472 = arith.constant 80 : i32
      %mul3A_473 = arith.muli %mul3A_432, %mul3A_472 : i32
      %add3A_474 = arith.constant 64 : i32
      %add3A_475 = arith.addi %mul3A_473, %add3A_474 : i32
      %get3A_476 = arith.index_cast %add3A_475 : i32 to index
      %get3A_477 = tpu.vector_load %arg11[%get3A_476] {strides = array<i32>} : memref<10000xi32, #tpu.memory_space<vmem>>, vector<16xi32>,
      %swap3A_478 = arith.constant 64 : index
      %swap3A_479 = tpu.vector_load %arg16[%swap3A_478] {strides = array<i32>} : memref<80xi32, #tpu.memory_space<vmem>>, vector<16xi32>,
      tpu.vector_store %arg16[%swap3A_478], %get3A_477 {strides = array<i32>} : memref<80xi32, #tpu.memory_space<vmem>>, vector<16xi32>,
      %dma_start3A_480 = arith.constant 0 : i32
      %dma_start3A_481 = arith.constant 0 : i32
      %dma_start3A_482 = tpu.memref_slice %arg3[%dma_start3A_480, %dma_start3A_481] : memref<10000x72xf32, #tpu.memory_space<hbm>> -> memref<10000x72xf32, #tpu.memory_space<hbm>>
      tpu.enqueue_indirect_dma source(%dma_start3A_482 : memref<10000x72xf32, #tpu.memory_space<hbm>>) target(%arg14 : memref<80x72xf32, #tpu.memory_space<vmem>>) offsets(%arg16 : memref<80xi32, #tpu.memory_space<vmem>>) semaphore(%arg21 : memref<!tpu.dma_semaphore, #tpu.memory_space<semaphore_mem>>)
      %dma_wait3A_483 = arith.constant 0 : i32
      %dma_wait3A_484 = arith.constant 0 : i32
      %dma_wait3A_485 = tpu.memref_slice %arg20[%dma_wait3A_483, %dma_wait3A_484] : memref<10112x72xf32, #tpu.memory_space<vmem_shared>> -> memref<10112x72xf32, #tpu.memory_space<vmem_shared>>
      tpu.wait_indirect_dma semaphore(%arg24 : memref<!tpu.dma_semaphore, #tpu.memory_space<semaphore_mem>>) src(%arg15 : memref<80x72xf32, #tpu.memory_space<vmem>>) dst(%dma_wait3A_485 : memref<10112x72xf32, #tpu.memory_space<vmem_shared>>)
      %mul3A_486 = arith.constant 80 : i32
      %mul3A_487 = arith.muli %add3A_436, %mul3A_486 : i32
      %add3A_488 = arith.constant 0 : i32
      %add3A_489 = arith.addi %mul3A_487, %add3A_488 : i32
      %get3A_490 = arith.index_cast %add3A_489 : i32 to index
      %get3A_491 = tpu.vector_load %arg11[%get3A_490] {strides = array<i32>} : memref<10000xi32, #tpu.memory_space<vmem>>, vector<16xi32>,
      %swap3A_492 = arith.constant 0 : index
      %swap3A_493 = tpu.vector_load %arg17[%swap3A_492] {strides = array<i32>} : memref<80xi32, #tpu.memory_space<vmem>>, vector<16xi32>,
      tpu.vector_store %arg17[%swap3A_492], %get3A_491 {strides = array<i32>} : memref<80xi32, #tpu.memory_space<vmem>>, vector<16xi32>,
      %mul3A_494 = arith.constant 80 : i32
      %mul3A_495 = arith.muli %add3A_436, %mul3A_494 : i32
      %add3A_496 = arith.constant 16 : i32
      %add3A_497 = arith.addi %mul3A_495, %add3A_496 : i32
      %get3A_498 = arith.index_cast %add3A_497 : i32 to index
      %get3A_499 = tpu.vector_load %arg11[%get3A_498] {strides = array<i32>} : memref<10000xi32, #tpu.memory_space<vmem>>, vector<16xi32>,
      %swap3A_500 = arith.constant 16 : index
      %swap3A_501 = tpu.vector_load %arg17[%swap3A_500] {strides = array<i32>} : memref<80xi32, #tpu.memory_space<vmem>>, vector<16xi32>,
      tpu.vector_store %arg17[%swap3A_500], %get3A_499 {strides = array<i32>} : memref<80xi32, #tpu.memory_space<vmem>>, vector<16xi32>,
      %mul3A_502 = arith.constant 80 : i32
      %mul3A_503 = arith.muli %add3A_436, %mul3A_502 : i32
      %add3A_504 = arith.constant 32 : i32
      %add3A_505 = arith.addi %mul3A_503, %add3A_504 : i32
      %get3A_506 = arith.index_cast %add3A_505 : i32 to index
      %get3A_507 = tpu.vector_load %arg11[%get3A_506] {strides = array<i32>} : memref<10000xi32, #tpu.memory_space<vmem>>, vector<16xi32>,
      %swap3A_508 = arith.constant 32 : index
      %swap3A_509 = tpu.vector_load %arg17[%swap3A_508] {strides = array<i32>} : memref<80xi32, #tpu.memory_space<vmem>>, vector<16xi32>,
      tpu.vector_store %arg17[%swap3A_508], %get3A_507 {strides = array<i32>} : memref<80xi32, #tpu.memory_space<vmem>>, vector<16xi32>,
      %mul3A_510 = arith.constant 80 : i32
      %mul3A_511 = arith.muli %add3A_436, %mul3A_510 : i32
      %add3A_512 = arith.constant 48 : i32
      %add3A_513 = arith.addi %mul3A_511, %add3A_512 : i32
      %get3A_514 = arith.index_cast %add3A_513 : i32 to index
      %get3A_515 = tpu.vector_load %arg11[%get3A_514] {strides = array<i32>} : memref<10000xi32, #tpu.memory_space<vmem>>, vector<16xi32>,
      %swap3A_516 = arith.constant 48 : index
      %swap3A_517 = tpu.vector_load %arg17[%swap3A_516] {strides = array<i32>} : memref<80xi32, #tpu.memory_space<vmem>>, vector<16xi32>,
      tpu.vector_store %arg17[%swap3A_516], %get3A_515 {strides = array<i32>} : memref<80xi32, #tpu.memory_space<vmem>>, vector<16xi32>,
      %mul3A_518 = arith.constant 80 : i32
      %mul3A_519 = arith.muli %add3A_436, %mul3A_518 : i32
      %add3A_520 = arith.constant 64 : i32
      %add3A_521 = arith.addi %mul3A_519, %add3A_520 : i32
      %get3A_522 = arith.index_cast %add3A_521 : i32 to index
      %get3A_523 = tpu.vector_load %arg11[%get3A_522] {strides = array<i32>} : memref<10000xi32, #tpu.memory_space<vmem>>, vector<16xi32>,
      %swap3A_524 = arith.constant 64 : index
      %swap3A_525 = tpu.vector_load %arg17[%swap3A_524] {strides = array<i32>} : memref<80xi32, #tpu.memory_space<vmem>>, vector<16xi32>,
      tpu.vector_store %arg17[%swap3A_524], %get3A_523 {strides = array<i32>} : memref<80xi32, #tpu.memory_space<vmem>>, vector<16xi32>,
      %dma_start3A_526 = arith.constant 0 : i32
      %dma_start3A_527 = arith.constant 0 : i32
      %dma_start3A_528 = tpu.memref_slice %arg3[%dma_start3A_526, %dma_start3A_527] : memref<10000x72xf32, #tpu.memory_space<hbm>> -> memref<10000x72xf32, #tpu.memory_space<hbm>>
      tpu.enqueue_indirect_dma source(%dma_start3A_528 : memref<10000x72xf32, #tpu.memory_space<hbm>>) target(%arg15 : memref<80x72xf32, #tpu.memory_space<vmem>>) offsets(%arg17 : memref<80xi32, #tpu.memory_space<vmem>>) semaphore(%arg22 : memref<!tpu.dma_semaphore, #tpu.memory_space<semaphore_mem>>)
      %dma_wait3A_529 = arith.constant 0 : i32
      %dma_wait3A_530 = arith.constant 0 : i32
      %dma_wait3A_531 = tpu.memref_slice %arg3[%dma_wait3A_529, %dma_wait3A_530] : memref<10000x72xf32, #tpu.memory_space<hbm>> -> memref<10000x72xf32, #tpu.memory_space<hbm>>
      tpu.wait_indirect_dma semaphore(%arg21 : memref<!tpu.dma_semaphore, #tpu.memory_space<semaphore_mem>>) src(%dma_wait3A_531 : memref<10000x72xf32, #tpu.memory_space<hbm>>) dst(%arg14 : memref<80x72xf32, #tpu.memory_space<vmem>>)
      %scan3A_532 = arith.constant 0 : i32
      %scan3A_533 = arith.constant 0 : i32
      %scan3A_534 = arith.constant 80 : i32
      %scan3A_535 = arith.addi %scan3A_533, %scan3A_534 : i32
      %scan3A_536 = arith.constant 1 : i32
      scf.for %scan3A_633 = %scan3A_533 to %scan3A_535 step %scan3A_536  : i32 {
        %mul3A_634 = arith.constant 80 : i32
        %mul3A_635 = arith.muli %mul3A_432, %mul3A_634 : i32
        %add3A_636 = arith.addi %mul3A_635, %scan3A_633 : i32
        %add3A_637 = vector.broadcast %add3A_636 : i32 to vector<16xi32>
        %add3A_638 = arith.addi %broadcast_in_dim3A_8, %add3A_637 : vector<16xi32>
        %gather3A = tpu.vector_load_idx %arg13[%add3A_638] : memref<10000xf32, #tpu.memory_space<vmem>>[vector<16xi32>], vector<16xf32>,
        %get3A_639 = arith.index_cast %scan3A_633 : i32 to index
        %get3A_640 = arith.constant 0 : index
        %get3A_641 = tpu.vector_load %arg14[%get3A_639, %get3A_640] {strides = array<i32>} : memref<80x72xf32, #tpu.memory_space<vmem>>, vector<16xf32>,
        %mul3A_642 = arith.mulf %get3A_641, %gather3A : vector<16xf32>
        %swap3A_643 = arith.index_cast %scan3A_633 : i32 to index
        %swap3A_644 = arith.constant 0 : index
        %swap3A_645 = tpu.vector_load %arg14[%swap3A_643, %swap3A_644] {strides = array<i32>} : memref<80x72xf32, #tpu.memory_space<vmem>>, vector<16xf32>,
        tpu.vector_store %arg14[%swap3A_643, %swap3A_644], %mul3A_642 {strides = array<i32>} : memref<80x72xf32, #tpu.memory_space<vmem>>, vector<16xf32>,
        %get3A_646 = arith.index_cast %scan3A_633 : i32 to index
        %get3A_647 = arith.constant 16 : index
        %get3A_648 = tpu.vector_load %arg14[%get3A_646, %get3A_647] {strides = array<i32>} : memref<80x72xf32, #tpu.memory_space<vmem>>, vector<16xf32>,
        %mul3A_649 = arith.mulf %get3A_648, %gather3A : vector<16xf32>
        %swap3A_650 = arith.index_cast %scan3A_633 : i32 to index
        %swap3A_651 = arith.constant 16 : index
        %swap3A_652 = tpu.vector_load %arg14[%swap3A_650, %swap3A_651] {strides = array<i32>} : memref<80x72xf32, #tpu.memory_space<vmem>>, vector<16xf32>,
        tpu.vector_store %arg14[%swap3A_650, %swap3A_651], %mul3A_649 {strides = array<i32>} : memref<80x72xf32, #tpu.memory_space<vmem>>, vector<16xf32>,
        %get3A_653 = arith.index_cast %scan3A_633 : i32 to index
        %get3A_654 = arith.constant 32 : index
        %get3A_655 = tpu.vector_load %arg14[%get3A_653, %get3A_654] {strides = array<i32>} : memref<80x72xf32, #tpu.memory_space<vmem>>, vector<16xf32>,
        %mul3A_656 = arith.mulf %get3A_655, %gather3A : vector<16xf32>
        %swap3A_657 = arith.index_cast %scan3A_633 : i32 to index
        %swap3A_658 = arith.constant 32 : index
        %swap3A_659 = tpu.vector_load %arg14[%swap3A_657, %swap3A_658] {strides = array<i32>} : memref<80x72xf32, #tpu.memory_space<vmem>>, vector<16xf32>,
        tpu.vector_store %arg14[%swap3A_657, %swap3A_658], %mul3A_656 {strides = array<i32>} : memref<80x72xf32, #tpu.memory_space<vmem>>, vector<16xf32>,
        %get3A_660 = arith.index_cast %scan3A_633 : i32 to index
        %get3A_661 = arith.constant 48 : index
        %get3A_662 = tpu.vector_load %arg14[%get3A_660, %get3A_661] {strides = array<i32>} : memref<80x72xf32, #tpu.memory_space<vmem>>, vector<16xf32>,
        %mul3A_663 = arith.mulf %get3A_662, %gather3A : vector<16xf32>
        %swap3A_664 = arith.index_cast %scan3A_633 : i32 to index
        %swap3A_665 = arith.constant 48 : index
        %swap3A_666 = tpu.vector_load %arg14[%swap3A_664, %swap3A_665] {strides = array<i32>} : memref<80x72xf32, #tpu.memory_space<vmem>>, vector<16xf32>,
        tpu.vector_store %arg14[%swap3A_664, %swap3A_665], %mul3A_663 {strides = array<i32>} : memref<80x72xf32, #tpu.memory_space<vmem>>, vector<16xf32>,
        %lt3A = arith.constant 8 : i32
        %lt3A_667 = vector.broadcast %lt3A : i32 to vector<16xi32>
        %lt3A_668 = arith.cmpi slt, %iota3A, %lt3A_667 : vector<16xi32>
        %jit3A = arith.constant 1.000000e+00 : f32
        %broadcast_in_dim3A_669 = vector.broadcast %jit3A : f32 to vector<16xf32>
        %select_n3A = arith.select %lt3A_668, %broadcast_in_dim3A_669, %gather3A : vector<16xi1>, vector<16xf32>
        %get3A_670 = arith.index_cast %scan3A_633 : i32 to index
        %get3A_671 = arith.constant 56 : index
        %get3A_672 = tpu.vector_load %arg14[%get3A_670, %get3A_671] {strides = array<i32>} : memref<80x72xf32, #tpu.memory_space<vmem>>, vector<16xf32>,
        %mul3A_673 = arith.mulf %get3A_672, %select_n3A : vector<16xf32>
        %swap3A_674 = arith.index_cast %scan3A_633 : i32 to index
        %swap3A_675 = arith.constant 56 : index
        %swap3A_676 = tpu.vector_load %arg14[%swap3A_674, %swap3A_675] {strides = array<i32>} : memref<80x72xf32, #tpu.memory_space<vmem>>, vector<16xf32>,
        tpu.vector_store %arg14[%swap3A_674, %swap3A_675], %mul3A_673 {strides = array<i32>} : memref<80x72xf32, #tpu.memory_space<vmem>>, vector<16xf32>,
      }
      %scan3A_537 = arith.constant 80 : i32
      %mul3A_538 = arith.constant 80 : i32
      %mul3A_539 = arith.muli %mul3A_432, %mul3A_538 : i32
      %add3A_540 = arith.constant 0 : i32
      %add3A_541 = arith.addi %mul3A_539, %add3A_540 : i32
      %get3A_542 = arith.index_cast %add3A_541 : i32 to index
      %get3A_543 = tpu.vector_load %arg12[%get3A_542] {strides = array<i32>} : memref<10000xi32, #tpu.memory_space<vmem>>, vector<16xi32>,
      %swap3A_544 = arith.constant 0 : index
      %swap3A_545 = tpu.vector_load %arg18[%swap3A_544] {strides = array<i32>} : memref<80xi32, #tpu.memory_space<vmem>>, vector<16xi32>,
      tpu.vector_store %arg18[%swap3A_544], %get3A_543 {strides = array<i32>} : memref<80xi32, #tpu.memory_space<vmem>>, vector<16xi32>,
      %mul3A_546 = arith.constant 80 : i32
      %mul3A_547 = arith.muli %mul3A_432, %mul3A_546 : i32
      %add3A_548 = arith.constant 16 : i32
      %add3A_549 = arith.addi %mul3A_547, %add3A_548 : i32
      %get3A_550 = arith.index_cast %add3A_549 : i32 to index
      %get3A_551 = tpu.vector_load %arg12[%get3A_550] {strides = array<i32>} : memref<10000xi32, #tpu.memory_space<vmem>>, vector<16xi32>,
      %swap3A_552 = arith.constant 16 : index
      %swap3A_553 = tpu.vector_load %arg18[%swap3A_552] {strides = array<i32>} : memref<80xi32, #tpu.memory_space<vmem>>, vector<16xi32>,
      tpu.vector_store %arg18[%swap3A_552], %get3A_551 {strides = array<i32>} : memref<80xi32, #tpu.memory_space<vmem>>, vector<16xi32>,
      %mul3A_554 = arith.constant 80 : i32
      %mul3A_555 = arith.muli %mul3A_432, %mul3A_554 : i32
      %add3A_556 = arith.constant 32 : i32
      %add3A_557 = arith.addi %mul3A_555, %add3A_556 : i32
      %get3A_558 = arith.index_cast %add3A_557 : i32 to index
      %get3A_559 = tpu.vector_load %arg12[%get3A_558] {strides = array<i32>} : memref<10000xi32, #tpu.memory_space<vmem>>, vector<16xi32>,
      %swap3A_560 = arith.constant 32 : index
      %swap3A_561 = tpu.vector_load %arg18[%swap3A_560] {strides = array<i32>} : memref<80xi32, #tpu.memory_space<vmem>>, vector<16xi32>,
      tpu.vector_store %arg18[%swap3A_560], %get3A_559 {strides = array<i32>} : memref<80xi32, #tpu.memory_space<vmem>>, vector<16xi32>,
      %mul3A_562 = arith.constant 80 : i32
      %mul3A_563 = arith.muli %mul3A_432, %mul3A_562 : i32
      %add3A_564 = arith.constant 48 : i32
      %add3A_565 = arith.addi %mul3A_563, %add3A_564 : i32
      %get3A_566 = arith.index_cast %add3A_565 : i32 to index
      %get3A_567 = tpu.vector_load %arg12[%get3A_566] {strides = array<i32>} : memref<10000xi32, #tpu.memory_space<vmem>>, vector<16xi32>,
      %swap3A_568 = arith.constant 48 : index
      %swap3A_569 = tpu.vector_load %arg18[%swap3A_568] {strides = array<i32>} : memref<80xi32, #tpu.memory_space<vmem>>, vector<16xi32>,
      tpu.vector_store %arg18[%swap3A_568], %get3A_567 {strides = array<i32>} : memref<80xi32, #tpu.memory_space<vmem>>, vector<16xi32>,
      %mul3A_570 = arith.constant 80 : i32
      %mul3A_571 = arith.muli %mul3A_432, %mul3A_570 : i32
      %add3A_572 = arith.constant 64 : i32
      %add3A_573 = arith.addi %mul3A_571, %add3A_572 : i32
      %get3A_574 = arith.index_cast %add3A_573 : i32 to index
      %get3A_575 = tpu.vector_load %arg12[%get3A_574] {strides = array<i32>} : memref<10000xi32, #tpu.memory_space<vmem>>, vector<16xi32>,
      %swap3A_576 = arith.constant 64 : index
      %swap3A_577 = tpu.vector_load %arg18[%swap3A_576] {strides = array<i32>} : memref<80xi32, #tpu.memory_space<vmem>>, vector<16xi32>,
      tpu.vector_store %arg18[%swap3A_576], %get3A_575 {strides = array<i32>} : memref<80xi32, #tpu.memory_space<vmem>>, vector<16xi32>,
      %dma_start3A_578 = arith.constant 0 : i32
      %dma_start3A_579 = arith.constant 0 : i32
      %dma_start3A_580 = tpu.memref_slice %arg20[%dma_start3A_578, %dma_start3A_579] : memref<10112x72xf32, #tpu.memory_space<vmem_shared>> -> memref<10112x72xf32, #tpu.memory_space<vmem_shared>>
      tpu.enqueue_indirect_dma source(%arg14 : memref<80x72xf32, #tpu.memory_space<vmem>>) target(%dma_start3A_580 : memref<10112x72xf32, #tpu.memory_space<vmem_shared>>) offsets(%arg18 : memref<80xi32, #tpu.memory_space<vmem>>) semaphore(%arg23 : memref<!tpu.dma_semaphore, #tpu.memory_space<semaphore_mem>>) {add = true}
      %dma_wait3A_581 = arith.constant 0 : i32
      %dma_wait3A_582 = arith.constant 0 : i32
      %dma_wait3A_583 = tpu.memref_slice %arg3[%dma_wait3A_581, %dma_wait3A_582] : memref<10000x72xf32, #tpu.memory_space<hbm>> -> memref<10000x72xf32, #tpu.memory_space<hbm>>
      tpu.wait_indirect_dma semaphore(%arg22 : memref<!tpu.dma_semaphore, #tpu.memory_space<semaphore_mem>>) src(%dma_wait3A_583 : memref<10000x72xf32, #tpu.memory_space<hbm>>) dst(%arg15 : memref<80x72xf32, #tpu.memory_space<vmem>>)
      %scan3A_584 = arith.constant 0 : i32
      %scan3A_585 = arith.constant 0 : i32
      %scan3A_586 = arith.constant 80 : i32
      %scan3A_587 = arith.addi %scan3A_585, %scan3A_586 : i32
      %scan3A_588 = arith.constant 1 : i32
      scf.for %scan3A_633 = %scan3A_585 to %scan3A_587 step %scan3A_588  : i32 {
        %mul3A_634 = arith.constant 80 : i32
        %mul3A_635 = arith.muli %add3A_436, %mul3A_634 : i32
        %add3A_636 = arith.addi %mul3A_635, %scan3A_633 : i32
        %add3A_637 = vector.broadcast %add3A_636 : i32 to vector<16xi32>
        %add3A_638 = arith.addi %broadcast_in_dim3A_8, %add3A_637 : vector<16xi32>
        %gather3A = tpu.vector_load_idx %arg13[%add3A_638] : memref<10000xf32, #tpu.memory_space<vmem>>[vector<16xi32>], vector<16xf32>,
        %get3A_639 = arith.index_cast %scan3A_633 : i32 to index
        %get3A_640 = arith.constant 0 : index
        %get3A_641 = tpu.vector_load %arg15[%get3A_639, %get3A_640] {strides = array<i32>} : memref<80x72xf32, #tpu.memory_space<vmem>>, vector<16xf32>,
        %mul3A_642 = arith.mulf %get3A_641, %gather3A : vector<16xf32>
        %swap3A_643 = arith.index_cast %scan3A_633 : i32 to index
        %swap3A_644 = arith.constant 0 : index
        %swap3A_645 = tpu.vector_load %arg15[%swap3A_643, %swap3A_644] {strides = array<i32>} : memref<80x72xf32, #tpu.memory_space<vmem>>, vector<16xf32>,
        tpu.vector_store %arg15[%swap3A_643, %swap3A_644], %mul3A_642 {strides = array<i32>} : memref<80x72xf32, #tpu.memory_space<vmem>>, vector<16xf32>,
        %get3A_646 = arith.index_cast %scan3A_633 : i32 to index
        %get3A_647 = arith.constant 16 : index
        %get3A_648 = tpu.vector_load %arg15[%get3A_646, %get3A_647] {strides = array<i32>} : memref<80x72xf32, #tpu.memory_space<vmem>>, vector<16xf32>,
        %mul3A_649 = arith.mulf %get3A_648, %gather3A : vector<16xf32>
        %swap3A_650 = arith.index_cast %scan3A_633 : i32 to index
        %swap3A_651 = arith.constant 16 : index
        %swap3A_652 = tpu.vector_load %arg15[%swap3A_650, %swap3A_651] {strides = array<i32>} : memref<80x72xf32, #tpu.memory_space<vmem>>, vector<16xf32>,
        tpu.vector_store %arg15[%swap3A_650, %swap3A_651], %mul3A_649 {strides = array<i32>} : memref<80x72xf32, #tpu.memory_space<vmem>>, vector<16xf32>,
        %get3A_653 = arith.index_cast %scan3A_633 : i32 to index
        %get3A_654 = arith.constant 32 : index
        %get3A_655 = tpu.vector_load %arg15[%get3A_653, %get3A_654] {strides = array<i32>} : memref<80x72xf32, #tpu.memory_space<vmem>>, vector<16xf32>,
        %mul3A_656 = arith.mulf %get3A_655, %gather3A : vector<16xf32>
        %swap3A_657 = arith.index_cast %scan3A_633 : i32 to index
        %swap3A_658 = arith.constant 32 : index
        %swap3A_659 = tpu.vector_load %arg15[%swap3A_657, %swap3A_658] {strides = array<i32>} : memref<80x72xf32, #tpu.memory_space<vmem>>, vector<16xf32>,
        tpu.vector_store %arg15[%swap3A_657, %swap3A_658], %mul3A_656 {strides = array<i32>} : memref<80x72xf32, #tpu.memory_space<vmem>>, vector<16xf32>,
        %get3A_660 = arith.index_cast %scan3A_633 : i32 to index
        %get3A_661 = arith.constant 48 : index
        %get3A_662 = tpu.vector_load %arg15[%get3A_660, %get3A_661] {strides = array<i32>} : memref<80x72xf32, #tpu.memory_space<vmem>>, vector<16xf32>,
        %mul3A_663 = arith.mulf %get3A_662, %gather3A : vector<16xf32>
        %swap3A_664 = arith.index_cast %scan3A_633 : i32 to index
        %swap3A_665 = arith.constant 48 : index
        %swap3A_666 = tpu.vector_load %arg15[%swap3A_664, %swap3A_665] {strides = array<i32>} : memref<80x72xf32, #tpu.memory_space<vmem>>, vector<16xf32>,
        tpu.vector_store %arg15[%swap3A_664, %swap3A_665], %mul3A_663 {strides = array<i32>} : memref<80x72xf32, #tpu.memory_space<vmem>>, vector<16xf32>,
        %lt3A = arith.constant 8 : i32
        %lt3A_667 = vector.broadcast %lt3A : i32 to vector<16xi32>
        %lt3A_668 = arith.cmpi slt, %iota3A, %lt3A_667 : vector<16xi32>
        %jit3A = arith.constant 1.000000e+00 : f32
        %broadcast_in_dim3A_669 = vector.broadcast %jit3A : f32 to vector<16xf32>
        %select_n3A = arith.select %lt3A_668, %broadcast_in_dim3A_669, %gather3A : vector<16xi1>, vector<16xf32>
        %get3A_670 = arith.index_cast %scan3A_633 : i32 to index
        %get3A_671 = arith.constant 56 : index
        %get3A_672 = tpu.vector_load %arg15[%get3A_670, %get3A_671] {strides = array<i32>} : memref<80x72xf32, #tpu.memory_space<vmem>>, vector<16xf32>,
        %mul3A_673 = arith.mulf %get3A_672, %select_n3A : vector<16xf32>
        %swap3A_674 = arith.index_cast %scan3A_633 : i32 to index
        %swap3A_675 = arith.constant 56 : index
        %swap3A_676 = tpu.vector_load %arg15[%swap3A_674, %swap3A_675] {strides = array<i32>} : memref<80x72xf32, #tpu.memory_space<vmem>>, vector<16xf32>,
        tpu.vector_store %arg15[%swap3A_674, %swap3A_675], %mul3A_673 {strides = array<i32>} : memref<80x72xf32, #tpu.memory_space<vmem>>, vector<16xf32>,
      }
      %scan3A_589 = arith.constant 80 : i32
      %mul3A_590 = arith.constant 80 : i32
      %mul3A_591 = arith.muli %add3A_436, %mul3A_590 : i32
      %add3A_592 = arith.constant 0 : i32
      %add3A_593 = arith.addi %mul3A_591, %add3A_592 : i32
      %get3A_594 = arith.index_cast %add3A_593 : i32 to index
      %get3A_595 = tpu.vector_load %arg12[%get3A_594] {strides = array<i32>} : memref<10000xi32, #tpu.memory_space<vmem>>, vector<16xi32>,
      %swap3A_596 = arith.constant 0 : index
      %swap3A_597 = tpu.vector_load %arg19[%swap3A_596] {strides = array<i32>} : memref<80xi32, #tpu.memory_space<vmem>>, vector<16xi32>,
      tpu.vector_store %arg19[%swap3A_596], %get3A_595 {strides = array<i32>} : memref<80xi32, #tpu.memory_space<vmem>>, vector<16xi32>,
      %mul3A_598 = arith.constant 80 : i32
      %mul3A_599 = arith.muli %add3A_436, %mul3A_598 : i32
      %add3A_600 = arith.constant 16 : i32
      %add3A_601 = arith.addi %mul3A_599, %add3A_600 : i32
      %get3A_602 = arith.index_cast %add3A_601 : i32 to index
      %get3A_603 = tpu.vector_load %arg12[%get3A_602] {strides = array<i32>} : memref<10000xi32, #tpu.memory_space<vmem>>, vector<16xi32>,
      %swap3A_604 = arith.constant 16 : index
      %swap3A_605 = tpu.vector_load %arg19[%swap3A_604] {strides = array<i32>} : memref<80xi32, #tpu.memory_space<vmem>>, vector<16xi32>,
      tpu.vector_store %arg19[%swap3A_604], %get3A_603 {strides = array<i32>} : memref<80xi32, #tpu.memory_space<vmem>>, vector<16xi32>,
      %mul3A_606 = arith.constant 80 : i32
      %mul3A_607 = arith.muli %add3A_436, %mul3A_606 : i32
      %add3A_608 = arith.constant 32 : i32
      %add3A_609 = arith.addi %mul3A_607, %add3A_608 : i32
      %get3A_610 = arith.index_cast %add3A_609 : i32 to index
      %get3A_611 = tpu.vector_load %arg12[%get3A_610] {strides = array<i32>} : memref<10000xi32, #tpu.memory_space<vmem>>, vector<16xi32>,
      %swap3A_612 = arith.constant 32 : index
      %swap3A_613 = tpu.vector_load %arg19[%swap3A_612] {strides = array<i32>} : memref<80xi32, #tpu.memory_space<vmem>>, vector<16xi32>,
      tpu.vector_store %arg19[%swap3A_612], %get3A_611 {strides = array<i32>} : memref<80xi32, #tpu.memory_space<vmem>>, vector<16xi32>,
      %mul3A_614 = arith.constant 80 : i32
      %mul3A_615 = arith.muli %add3A_436, %mul3A_614 : i32
      %add3A_616 = arith.constant 48 : i32
      %add3A_617 = arith.addi %mul3A_615, %add3A_616 : i32
      %get3A_618 = arith.index_cast %add3A_617 : i32 to index
      %get3A_619 = tpu.vector_load %arg12[%get3A_618] {strides = array<i32>} : memref<10000xi32, #tpu.memory_space<vmem>>, vector<16xi32>,
      %swap3A_620 = arith.constant 48 : index
      %swap3A_621 = tpu.vector_load %arg19[%swap3A_620] {strides = array<i32>} : memref<80xi32, #tpu.memory_space<vmem>>, vector<16xi32>,
      tpu.vector_store %arg19[%swap3A_620], %get3A_619 {strides = array<i32>} : memref<80xi32, #tpu.memory_space<vmem>>, vector<16xi32>,
      %mul3A_622 = arith.constant 80 : i32
      %mul3A_623 = arith.muli %add3A_436, %mul3A_622 : i32
      %add3A_624 = arith.constant 64 : i32
      %add3A_625 = arith.addi %mul3A_623, %add3A_624 : i32
      %get3A_626 = arith.index_cast %add3A_625 : i32 to index
      %get3A_627 = tpu.vector_load %arg12[%get3A_626] {strides = array<i32>} : memref<10000xi32, #tpu.memory_space<vmem>>, vector<16xi32>,
      %swap3A_628 = arith.constant 64 : index
      %swap3A_629 = tpu.vector_load %arg19[%swap3A_628] {strides = array<i32>} : memref<80xi32, #tpu.memory_space<vmem>>, vector<16xi32>,
      tpu.vector_store %arg19[%swap3A_628], %get3A_627 {strides = array<i32>} : memref<80xi32, #tpu.memory_space<vmem>>, vector<16xi32>,
      %dma_start3A_630 = arith.constant 0 : i32
      %dma_start3A_631 = arith.constant 0 : i32
      %dma_start3A_632 = tpu.memref_slice %arg20[%dma_start3A_630, %dma_start3A_631] : memref<10112x72xf32, #tpu.memory_space<vmem_shared>> -> memref<10112x72xf32, #tpu.memory_space<vmem_shared>>
      tpu.enqueue_indirect_dma source(%arg15 : memref<80x72xf32, #tpu.memory_space<vmem>>) target(%dma_start3A_632 : memref<10112x72xf32, #tpu.memory_space<vmem_shared>>) offsets(%arg19 : memref<80xi32, #tpu.memory_space<vmem>>) semaphore(%arg24 : memref<!tpu.dma_semaphore, #tpu.memory_space<semaphore_mem>>) {add = true}
    }
    %scan3A_358 = arith.constant 61 : i32
    %dma_wait3A_359 = arith.constant 0 : i32
    %dma_wait3A_360 = arith.constant 0 : i32
    %dma_wait3A_361 = tpu.memref_slice %arg20[%dma_wait3A_359, %dma_wait3A_360] : memref<10112x72xf32, #tpu.memory_space<vmem_shared>> -> memref<10112x72xf32, #tpu.memory_space<vmem_shared>>
    tpu.wait_indirect_dma semaphore(%arg23 : memref<!tpu.dma_semaphore, #tpu.memory_space<semaphore_mem>>) src(%arg14 : memref<80x72xf32, #tpu.memory_space<vmem>>) dst(%dma_wait3A_361 : memref<10112x72xf32, #tpu.memory_space<vmem_shared>>)
    %get3A_362 = arith.constant 9920 : index
    %get3A_363 = tpu.vector_load %arg11[%get3A_362] {strides = array<i32>} : memref<10000xi32, #tpu.memory_space<vmem>>, vector<16xi32>,
    %swap3A_364 = arith.constant 0 : index
    %swap3A_365 = tpu.vector_load %arg16[%swap3A_364] {strides = array<i32>} : memref<80xi32, #tpu.memory_space<vmem>>, vector<16xi32>,
    tpu.vector_store %arg16[%swap3A_364], %get3A_363 {strides = array<i32>} : memref<80xi32, #tpu.memory_space<vmem>>, vector<16xi32>,
    %get3A_366 = arith.constant 9936 : index
    %get3A_367 = tpu.vector_load %arg11[%get3A_366] {strides = array<i32>} : memref<10000xi32, #tpu.memory_space<vmem>>, vector<16xi32>,
    %swap3A_368 = arith.constant 16 : index
    %swap3A_369 = tpu.vector_load %arg16[%swap3A_368] {strides = array<i32>} : memref<80xi32, #tpu.memory_space<vmem>>, vector<16xi32>,
    tpu.vector_store %arg16[%swap3A_368], %get3A_367 {strides = array<i32>} : memref<80xi32, #tpu.memory_space<vmem>>, vector<16xi32>,
    %get3A_370 = arith.constant 9952 : index
    %get3A_371 = tpu.vector_load %arg11[%get3A_370] {strides = array<i32>} : memref<10000xi32, #tpu.memory_space<vmem>>, vector<16xi32>,
    %swap3A_372 = arith.constant 32 : index
    %swap3A_373 = tpu.vector_load %arg16[%swap3A_372] {strides = array<i32>} : memref<80xi32, #tpu.memory_space<vmem>>, vector<16xi32>,
    tpu.vector_store %arg16[%swap3A_372], %get3A_371 {strides = array<i32>} : memref<80xi32, #tpu.memory_space<vmem>>, vector<16xi32>,
    %get3A_374 = arith.constant 9968 : index
    %get3A_375 = tpu.vector_load %arg11[%get3A_374] {strides = array<i32>} : memref<10000xi32, #tpu.memory_space<vmem>>, vector<16xi32>,
    %swap3A_376 = arith.constant 48 : index
    %swap3A_377 = tpu.vector_load %arg16[%swap3A_376] {strides = array<i32>} : memref<80xi32, #tpu.memory_space<vmem>>, vector<16xi32>,
    tpu.vector_store %arg16[%swap3A_376], %get3A_375 {strides = array<i32>} : memref<80xi32, #tpu.memory_space<vmem>>, vector<16xi32>,
    %get3A_378 = arith.constant 9984 : index
    %get3A_379 = tpu.vector_load %arg11[%get3A_378] {strides = array<i32>} : memref<10000xi32, #tpu.memory_space<vmem>>, vector<16xi32>,
    %swap3A_380 = arith.constant 64 : index
    %swap3A_381 = tpu.vector_load %arg16[%swap3A_380] {strides = array<i32>} : memref<80xi32, #tpu.memory_space<vmem>>, vector<16xi32>,
    tpu.vector_store %arg16[%swap3A_380], %get3A_379 {strides = array<i32>} : memref<80xi32, #tpu.memory_space<vmem>>, vector<16xi32>,
    %dma_start3A_382 = arith.constant 0 : i32
    %dma_start3A_383 = arith.constant 0 : i32
    %dma_start3A_384 = tpu.memref_slice %arg3[%dma_start3A_382, %dma_start3A_383] : memref<10000x72xf32, #tpu.memory_space<hbm>> -> memref<10000x72xf32, #tpu.memory_space<hbm>>
    tpu.enqueue_indirect_dma source(%dma_start3A_384 : memref<10000x72xf32, #tpu.memory_space<hbm>>) target(%arg14 : memref<80x72xf32, #tpu.memory_space<vmem>>) offsets(%arg16 : memref<80xi32, #tpu.memory_space<vmem>>) semaphore(%arg21 : memref<!tpu.dma_semaphore, #tpu.memory_space<semaphore_mem>>)
    %dma_wait3A_385 = arith.constant 0 : i32
    %dma_wait3A_386 = arith.constant 0 : i32
    %dma_wait3A_387 = tpu.memref_slice %arg3[%dma_wait3A_385, %dma_wait3A_386] : memref<10000x72xf32, #tpu.memory_space<hbm>> -> memref<10000x72xf32, #tpu.memory_space<hbm>>
    tpu.wait_indirect_dma semaphore(%arg21 : memref<!tpu.dma_semaphore, #tpu.memory_space<semaphore_mem>>) src(%dma_wait3A_387 : memref<10000x72xf32, #tpu.memory_space<hbm>>) dst(%arg14 : memref<80x72xf32, #tpu.memory_space<vmem>>)
    %scan3A_388 = arith.constant 0 : i32
    %scan3A_389 = arith.constant 0 : i32
    %scan3A_390 = arith.constant 80 : i32
    %scan3A_391 = arith.addi %scan3A_389, %scan3A_390 : i32
    %scan3A_392 = arith.constant 1 : i32
    scf.for %scan3A_430 = %scan3A_389 to %scan3A_391 step %scan3A_392  : i32 {
      %add3A_431 = arith.constant 9920 : i32
      %add3A_432 = arith.addi %add3A_431, %scan3A_430 : i32
      %add3A_433 = vector.broadcast %add3A_432 : i32 to vector<16xi32>
      %add3A_434 = arith.addi %broadcast_in_dim3A_8, %add3A_433 : vector<16xi32>
      %gather3A = tpu.vector_load_idx %arg13[%add3A_434] : memref<10000xf32, #tpu.memory_space<vmem>>[vector<16xi32>], vector<16xf32>,
      %get3A_435 = arith.index_cast %scan3A_430 : i32 to index
      %get3A_436 = arith.constant 0 : index
      %get3A_437 = tpu.vector_load %arg14[%get3A_435, %get3A_436] {strides = array<i32>} : memref<80x72xf32, #tpu.memory_space<vmem>>, vector<16xf32>,
      %mul3A_438 = arith.mulf %get3A_437, %gather3A : vector<16xf32>
      %swap3A_439 = arith.index_cast %scan3A_430 : i32 to index
      %swap3A_440 = arith.constant 0 : index
      %swap3A_441 = tpu.vector_load %arg14[%swap3A_439, %swap3A_440] {strides = array<i32>} : memref<80x72xf32, #tpu.memory_space<vmem>>, vector<16xf32>,
      tpu.vector_store %arg14[%swap3A_439, %swap3A_440], %mul3A_438 {strides = array<i32>} : memref<80x72xf32, #tpu.memory_space<vmem>>, vector<16xf32>,
      %get3A_442 = arith.index_cast %scan3A_430 : i32 to index
      %get3A_443 = arith.constant 16 : index
      %get3A_444 = tpu.vector_load %arg14[%get3A_442, %get3A_443] {strides = array<i32>} : memref<80x72xf32, #tpu.memory_space<vmem>>, vector<16xf32>,
      %mul3A_445 = arith.mulf %get3A_444, %gather3A : vector<16xf32>
      %swap3A_446 = arith.index_cast %scan3A_430 : i32 to index
      %swap3A_447 = arith.constant 16 : index
      %swap3A_448 = tpu.vector_load %arg14[%swap3A_446, %swap3A_447] {strides = array<i32>} : memref<80x72xf32, #tpu.memory_space<vmem>>, vector<16xf32>,
      tpu.vector_store %arg14[%swap3A_446, %swap3A_447], %mul3A_445 {strides = array<i32>} : memref<80x72xf32, #tpu.memory_space<vmem>>, vector<16xf32>,
      %get3A_449 = arith.index_cast %scan3A_430 : i32 to index
      %get3A_450 = arith.constant 32 : index
      %get3A_451 = tpu.vector_load %arg14[%get3A_449, %get3A_450] {strides = array<i32>} : memref<80x72xf32, #tpu.memory_space<vmem>>, vector<16xf32>,
      %mul3A_452 = arith.mulf %get3A_451, %gather3A : vector<16xf32>
      %swap3A_453 = arith.index_cast %scan3A_430 : i32 to index
      %swap3A_454 = arith.constant 32 : index
      %swap3A_455 = tpu.vector_load %arg14[%swap3A_453, %swap3A_454] {strides = array<i32>} : memref<80x72xf32, #tpu.memory_space<vmem>>, vector<16xf32>,
      tpu.vector_store %arg14[%swap3A_453, %swap3A_454], %mul3A_452 {strides = array<i32>} : memref<80x72xf32, #tpu.memory_space<vmem>>, vector<16xf32>,
      %get3A_456 = arith.index_cast %scan3A_430 : i32 to index
      %get3A_457 = arith.constant 48 : index
      %get3A_458 = tpu.vector_load %arg14[%get3A_456, %get3A_457] {strides = array<i32>} : memref<80x72xf32, #tpu.memory_space<vmem>>, vector<16xf32>,
      %mul3A_459 = arith.mulf %get3A_458, %gather3A : vector<16xf32>
      %swap3A_460 = arith.index_cast %scan3A_430 : i32 to index
      %swap3A_461 = arith.constant 48 : index
      %swap3A_462 = tpu.vector_load %arg14[%swap3A_460, %swap3A_461] {strides = array<i32>} : memref<80x72xf32, #tpu.memory_space<vmem>>, vector<16xf32>,
      tpu.vector_store %arg14[%swap3A_460, %swap3A_461], %mul3A_459 {strides = array<i32>} : memref<80x72xf32, #tpu.memory_space<vmem>>, vector<16xf32>,
      %lt3A = arith.constant 8 : i32
      %lt3A_463 = vector.broadcast %lt3A : i32 to vector<16xi32>
      %lt3A_464 = arith.cmpi slt, %iota3A, %lt3A_463 : vector<16xi32>
      %jit3A = arith.constant 1.000000e+00 : f32
      %broadcast_in_dim3A_465 = vector.broadcast %jit3A : f32 to vector<16xf32>
      %select_n3A = arith.select %lt3A_464, %broadcast_in_dim3A_465, %gather3A : vector<16xi1>, vector<16xf32>
      %get3A_466 = arith.index_cast %scan3A_430 : i32 to index
      %get3A_467 = arith.constant 56 : index
      %get3A_468 = tpu.vector_load %arg14[%get3A_466, %get3A_467] {strides = array<i32>} : memref<80x72xf32, #tpu.memory_space<vmem>>, vector<16xf32>,
      %mul3A_469 = arith.mulf %get3A_468, %select_n3A : vector<16xf32>
      %swap3A_470 = arith.index_cast %scan3A_430 : i32 to index
      %swap3A_471 = arith.constant 56 : index
      %swap3A_472 = tpu.vector_load %arg14[%swap3A_470, %swap3A_471] {strides = array<i32>} : memref<80x72xf32, #tpu.memory_space<vmem>>, vector<16xf32>,
      tpu.vector_store %arg14[%swap3A_470, %swap3A_471], %mul3A_469 {strides = array<i32>} : memref<80x72xf32, #tpu.memory_space<vmem>>, vector<16xf32>,
    }
    %scan3A_393 = arith.constant 80 : i32
    %get3A_394 = arith.constant 9920 : index
    %get3A_395 = tpu.vector_load %arg12[%get3A_394] {strides = array<i32>} : memref<10000xi32, #tpu.memory_space<vmem>>, vector<16xi32>,
    %swap3A_396 = arith.constant 0 : index
    %swap3A_397 = tpu.vector_load %arg18[%swap3A_396] {strides = array<i32>} : memref<80xi32, #tpu.memory_space<vmem>>, vector<16xi32>,
    tpu.vector_store %arg18[%swap3A_396], %get3A_395 {strides = array<i32>} : memref<80xi32, #tpu.memory_space<vmem>>, vector<16xi32>,
    %get3A_398 = arith.constant 9936 : index
    %get3A_399 = tpu.vector_load %arg12[%get3A_398] {strides = array<i32>} : memref<10000xi32, #tpu.memory_space<vmem>>, vector<16xi32>,
    %swap3A_400 = arith.constant 16 : index
    %swap3A_401 = tpu.vector_load %arg18[%swap3A_400] {strides = array<i32>} : memref<80xi32, #tpu.memory_space<vmem>>, vector<16xi32>,
    tpu.vector_store %arg18[%swap3A_400], %get3A_399 {strides = array<i32>} : memref<80xi32, #tpu.memory_space<vmem>>, vector<16xi32>,
    %get3A_402 = arith.constant 9952 : index
    %get3A_403 = tpu.vector_load %arg12[%get3A_402] {strides = array<i32>} : memref<10000xi32, #tpu.memory_space<vmem>>, vector<16xi32>,
    %swap3A_404 = arith.constant 32 : index
    %swap3A_405 = tpu.vector_load %arg18[%swap3A_404] {strides = array<i32>} : memref<80xi32, #tpu.memory_space<vmem>>, vector<16xi32>,
    tpu.vector_store %arg18[%swap3A_404], %get3A_403 {strides = array<i32>} : memref<80xi32, #tpu.memory_space<vmem>>, vector<16xi32>,
    %get3A_406 = arith.constant 9968 : index
    %get3A_407 = tpu.vector_load %arg12[%get3A_406] {strides = array<i32>} : memref<10000xi32, #tpu.memory_space<vmem>>, vector<16xi32>,
    %swap3A_408 = arith.constant 48 : index
    %swap3A_409 = tpu.vector_load %arg18[%swap3A_408] {strides = array<i32>} : memref<80xi32, #tpu.memory_space<vmem>>, vector<16xi32>,
    tpu.vector_store %arg18[%swap3A_408], %get3A_407 {strides = array<i32>} : memref<80xi32, #tpu.memory_space<vmem>>, vector<16xi32>,
    %get3A_410 = arith.constant 9984 : index
    %get3A_411 = tpu.vector_load %arg12[%get3A_410] {strides = array<i32>} : memref<10000xi32, #tpu.memory_space<vmem>>, vector<16xi32>,
    %swap3A_412 = arith.constant 64 : index
    %swap3A_413 = tpu.vector_load %arg18[%swap3A_412] {strides = array<i32>} : memref<80xi32, #tpu.memory_space<vmem>>, vector<16xi32>,
    tpu.vector_store %arg18[%swap3A_412], %get3A_411 {strides = array<i32>} : memref<80xi32, #tpu.memory_space<vmem>>, vector<16xi32>,
    %dma_start3A_414 = arith.constant 0 : i32
    %dma_start3A_415 = arith.constant 0 : i32
    %dma_start3A_416 = tpu.memref_slice %arg20[%dma_start3A_414, %dma_start3A_415] : memref<10112x72xf32, #tpu.memory_space<vmem_shared>> -> memref<10112x72xf32, #tpu.memory_space<vmem_shared>>
    tpu.enqueue_indirect_dma source(%arg14 : memref<80x72xf32, #tpu.memory_space<vmem>>) target(%dma_start3A_416 : memref<10112x72xf32, #tpu.memory_space<vmem_shared>>) offsets(%arg18 : memref<80xi32, #tpu.memory_space<vmem>>) semaphore(%arg23 : memref<!tpu.dma_semaphore, #tpu.memory_space<semaphore_mem>>) {add = true}
    %dma_wait3A_417 = arith.constant 0 : i32
    %dma_wait3A_418 = arith.constant 0 : i32
    %dma_wait3A_419 = tpu.memref_slice %arg20[%dma_wait3A_417, %dma_wait3A_418] : memref<10112x72xf32, #tpu.memory_space<vmem_shared>> -> memref<10112x72xf32, #tpu.memory_space<vmem_shared>>
    tpu.wait_indirect_dma semaphore(%arg23 : memref<!tpu.dma_semaphore, #tpu.memory_space<semaphore_mem>>) src(%arg14 : memref<80x72xf32, #tpu.memory_space<vmem>>) dst(%dma_wait3A_419 : memref<10112x72xf32, #tpu.memory_space<vmem_shared>>)
    %dma_wait3A_420 = arith.constant 0 : i32
    %dma_wait3A_421 = arith.constant 0 : i32
    %dma_wait3A_422 = tpu.memref_slice %arg20[%dma_wait3A_420, %dma_wait3A_421] : memref<10112x72xf32, #tpu.memory_space<vmem_shared>> -> memref<10112x72xf32, #tpu.memory_space<vmem_shared>>
    tpu.wait_indirect_dma semaphore(%arg24 : memref<!tpu.dma_semaphore, #tpu.memory_space<semaphore_mem>>) src(%arg15 : memref<80x72xf32, #tpu.memory_space<vmem>>) dst(%dma_wait3A_422 : memref<10112x72xf32, #tpu.memory_space<vmem_shared>>)
    %barrier3A_423 = arith.constant 0 : index
    tpu.barrier barrier_id(%barrier3A_423)
    %mul3A_424 = arith.constant 632 : i32
    %mul3A_425 = arith.muli %arg1, %mul3A_424 : i32
    %mul3A_426 = arith.constant 632 : i32
    %mul3A_427 = arith.muli %arg1, %mul3A_426 : i32
    %run_scoped3A_428 = arith.constant 1 : i32
    "tpu.region"() ({
      %run_scoped3A_430 = tpu.sem_alloc : memref<!tpu.dma_semaphore, #tpu.memory_space<semaphore_mem>>
      %dma_start3A_431 = arith.constant 0 : i32
      %dma_start3A_432 = tpu.memref_slice %arg8[%arg0, %run_scoped3A_428, %mul3A_427, %dma_start3A_431] : memref<2x2x10112x72xf32, #tpu.memory_space<hbm>> -> memref<1x1x632x72xf32, #tpu.memory_space<hbm>>
      %dma_start3A_433 = tpu.memref_squeeze %dma_start3A_432 : memref<1x1x632x72xf32, #tpu.memory_space<hbm>> -> memref<632x72xf32, #tpu.memory_space<hbm>>
      %dma_start3A_434 = arith.constant 0 : i32
      %dma_start3A_435 = tpu.memref_slice %arg20[%mul3A_425, %dma_start3A_434] : memref<10112x72xf32, #tpu.memory_space<vmem_shared>> -> memref<632x72xf32, #tpu.memory_space<vmem_shared>>
      tpu.enqueue_dma source(%dma_start3A_435 : memref<632x72xf32, #tpu.memory_space<vmem_shared>>) target(%dma_start3A_433 : memref<632x72xf32, #tpu.memory_space<hbm>>) target_semaphore(%run_scoped3A_430 : memref<!tpu.dma_semaphore, #tpu.memory_space<semaphore_mem>>)
      %dma_wait3A_436 = arith.constant 0 : i32
      %dma_wait3A_437 = tpu.memref_slice %arg8[%arg0, %run_scoped3A_428, %mul3A_427, %dma_wait3A_436] : memref<2x2x10112x72xf32, #tpu.memory_space<hbm>> -> memref<1x1x632x72xf32, #tpu.memory_space<hbm>>
      %dma_wait3A_438 = tpu.memref_squeeze %dma_wait3A_437 : memref<1x1x632x72xf32, #tpu.memory_space<hbm>> -> memref<632x72xf32, #tpu.memory_space<hbm>>
      %dma_wait3A_439 = arith.constant 0 : i32
      %dma_wait3A_440 = tpu.memref_slice %arg20[%mul3A_425, %dma_wait3A_439] : memref<10112x72xf32, #tpu.memory_space<vmem_shared>> -> memref<632x72xf32, #tpu.memory_space<vmem_shared>>
      tpu.wait_dma2 semaphore(%run_scoped3A_430 : memref<!tpu.dma_semaphore, #tpu.memory_space<semaphore_mem>>) src(%dma_wait3A_440 : memref<632x72xf32, #tpu.memory_space<vmem_shared>>) dst(%dma_wait3A_438 : memref<632x72xf32, #tpu.memory_space<hbm>>)
      tpu.yield
    }) : () -> ()
    %barrier3A_429 = arith.constant 0 : index
    tpu.barrier barrier_id(%barrier3A_429)
    return
  }
}

module attributes {stable_mosaic.version = 14 : i64} {
  func.func @_proj_body(%arg0: i32, %arg1: memref<1000x128xf32, #tpu.memory_space<vmem>>, %arg2: memref<1000x128xf32, #tpu.memory_space<vmem>>, %arg3: memref<128x128xf32, #tpu.memory_space<vmem>>, %arg4: memref<1x128xf32, #tpu.memory_space<vmem>>, %arg5: memref<128x128xf32, #tpu.memory_space<vmem>>, %arg6: memref<1x128xf32, #tpu.memory_space<vmem>>, %arg7: memref<1x128xf32, #tpu.memory_space<vmem>>, %arg8: memref<1x128xf32, #tpu.memory_space<vmem>>, %arg9: memref<1000x72xf32, #tpu.memory_space<vmem>>, %arg10: memref<1000x72xf32, #tpu.memory_space<vmem>>, %arg11: memref<1000x1xf32, #tpu.memory_space<vmem>>, %arg12: memref<1000x1xf32, #tpu.memory_space<vmem>>) attributes {dimension_semantics = [#tpu.dimension_semantics<arbitrary>], iteration_bounds = array<i64: 10>, scalar_prefetch = 0 : i64, scratch_operands = 0 : i64, tpu.core_type = #tpu.core_type<tc>, window_params = [{transform_indices = @transform_0, window_bounds = array<i64: 1000, 128>}, {transform_indices = @transform_1, window_bounds = array<i64: 1000, 128>}, {pipeline_mode = #tpu.pipeline_mode<synchronous>, transform_indices = @transform_2, window_bounds = array<i64: 128, 128>}, {pipeline_mode = #tpu.pipeline_mode<synchronous>, transform_indices = @transform_3, window_bounds = array<i64: 1, 128>}, {pipeline_mode = #tpu.pipeline_mode<synchronous>, transform_indices = @transform_4, window_bounds = array<i64: 128, 128>}, {pipeline_mode = #tpu.pipeline_mode<synchronous>, transform_indices = @transform_5, window_bounds = array<i64: 1, 128>}, {pipeline_mode = #tpu.pipeline_mode<synchronous>, transform_indices = @transform_6, window_bounds = array<i64: 1, 128>}, {pipeline_mode = #tpu.pipeline_mode<synchronous>, transform_indices = @transform_7, window_bounds = array<i64: 1, 128>}, {transform_indices = @transform_8, window_bounds = array<i64: 1000, 72>}, {transform_indices = @transform_9, window_bounds = array<i64: 1000, 72>}, {transform_indices = @transform_10, window_bounds = array<i64: 1000, 1>}, {transform_indices = @transform_11, window_bounds = array<i64: 1000, 1>}]} {
    %get3A = arith.constant 0 : index
    %get3A_0 = arith.constant 0 : index
    %get3A_1 = vector.load %arg1[%get3A, %get3A_0] : memref<1000x128xf32, #tpu.memory_space<vmem>>, vector<1000x128xf32>
    %get3A_2 = arith.constant 0 : index
    %get3A_3 = arith.constant 0 : index
    %get3A_4 = vector.load %arg3[%get3A_2, %get3A_3] : memref<128x128xf32, #tpu.memory_space<vmem>>, vector<128x128xf32>
    %dot_general3A = arith.constant dense<0.000000e+00> : vector<1000x128xf32>
    %dot_general3A_5 = tpu.matmul %get3A_1, %get3A_4, %dot_general3A {dimension_numbers = #tpu.dot_dimension_numbers<[1], [1], [0], [0], [0, 0, 1, 0], [], []>, transpose_lhs_hint = false} : vector<1000x128xf32>, vector<128x128xf32>, vector<1000x128xf32> -> vector<1000x128xf32>
    %get3A_6 = arith.constant 0 : index
    %get3A_7 = arith.constant 0 : index
    %get3A_8 = vector.load %arg4[%get3A_6, %get3A_7] : memref<1x128xf32, #tpu.memory_space<vmem>>, vector<1x128xf32>
    %add3A = vector.broadcast %get3A_8 : vector<1x128xf32> to vector<1000x128xf32>
    %add3A_9 = arith.addf %dot_general3A_5, %add3A : vector<1000x128xf32>
    %get3A_10 = arith.constant 0 : index
    %get3A_11 = arith.constant 0 : index
    %get3A_12 = vector.load %arg2[%get3A_10, %get3A_11] : memref<1000x128xf32, #tpu.memory_space<vmem>>, vector<1000x128xf32>
    %get3A_13 = arith.constant 0 : index
    %get3A_14 = arith.constant 0 : index
    %get3A_15 = vector.load %arg5[%get3A_13, %get3A_14] : memref<128x128xf32, #tpu.memory_space<vmem>>, vector<128x128xf32>
    %dot_general3A_16 = arith.constant dense<0.000000e+00> : vector<1000x128xf32>
    %dot_general3A_17 = tpu.matmul %get3A_12, %get3A_15, %dot_general3A_16 {dimension_numbers = #tpu.dot_dimension_numbers<[1], [1], [0], [0], [0, 0, 1, 0], [], []>, transpose_lhs_hint = false} : vector<1000x128xf32>, vector<128x128xf32>, vector<1000x128xf32> -> vector<1000x128xf32>
    %get3A_18 = arith.constant 0 : index
    %get3A_19 = arith.constant 0 : index
    %get3A_20 = vector.load %arg6[%get3A_18, %get3A_19] : memref<1x128xf32, #tpu.memory_space<vmem>>, vector<1x128xf32>
    %add3A_21 = vector.broadcast %get3A_20 : vector<1x128xf32> to vector<1000x128xf32>
    %add3A_22 = arith.addf %dot_general3A_17, %add3A_21 : vector<1000x128xf32>
    %get3A_23 = arith.constant 0 : index
    %get3A_24 = arith.constant 0 : index
    %get3A_25 = vector.load %arg7[%get3A_23, %get3A_24] : memref<1x128xf32, #tpu.memory_space<vmem>>, vector<1x128xf32>
    %dot_general3A_26 = arith.constant dense<0.000000e+00> : vector<1000x1xf32>
    %dot_general3A_27 = tpu.matmul %add3A_9, %get3A_25, %dot_general3A_26 {dimension_numbers = #tpu.dot_dimension_numbers<[1], [1], [0], [0], [0, 0, 1, 0], [], []>, transpose_lhs_hint = false} : vector<1000x128xf32>, vector<1x128xf32>, vector<1000x1xf32> -> vector<1000x1xf32>
    %swap3A = arith.constant 0 : index
    %swap3A_28 = arith.constant 0 : index
    %swap3A_29 = vector.load %arg11[%swap3A, %swap3A_28] : memref<1000x1xf32, #tpu.memory_space<vmem>>, vector<1000x1xf32>
    tpu.vector_store %arg11[%swap3A, %swap3A_28], %dot_general3A_27 {strides = array<i32>} : memref<1000x1xf32, #tpu.memory_space<vmem>>, vector<1000x1xf32>,
    %get3A_30 = arith.constant 0 : index
    %get3A_31 = arith.constant 0 : index
    %get3A_32 = vector.load %arg8[%get3A_30, %get3A_31] : memref<1x128xf32, #tpu.memory_space<vmem>>, vector<1x128xf32>
    %dot_general3A_33 = arith.constant dense<0.000000e+00> : vector<1000x1xf32>
    %dot_general3A_34 = tpu.matmul %add3A_22, %get3A_32, %dot_general3A_33 {dimension_numbers = #tpu.dot_dimension_numbers<[1], [1], [0], [0], [0, 0, 1, 0], [], []>, transpose_lhs_hint = false} : vector<1000x128xf32>, vector<1x128xf32>, vector<1000x1xf32> -> vector<1000x1xf32>
    %swap3A_35 = arith.constant 0 : index
    %swap3A_36 = arith.constant 0 : index
    %swap3A_37 = vector.load %arg12[%swap3A_35, %swap3A_36] : memref<1000x1xf32, #tpu.memory_space<vmem>>, vector<1000x1xf32>
    tpu.vector_store %arg12[%swap3A_35, %swap3A_36], %dot_general3A_34 {strides = array<i32>} : memref<1000x1xf32, #tpu.memory_space<vmem>>, vector<1000x1xf32>,
    %slice3A = vector.extract_strided_slice %add3A_9 {offsets = [0, 0], sizes = [1000, 72], strides = [1, 1]} : vector<1000x128xf32> to vector<1000x72xf32>
    %swap3A_38 = arith.constant 0 : index
    %swap3A_39 = arith.constant 0 : index
    %swap3A_40 = vector.load %arg9[%swap3A_38, %swap3A_39] : memref<1000x72xf32, #tpu.memory_space<vmem>>, vector<1000x72xf32>
    tpu.vector_store %arg9[%swap3A_38, %swap3A_39], %slice3A {strides = array<i32>} : memref<1000x72xf32, #tpu.memory_space<vmem>>, vector<1000x72xf32>,
    %iota3A = tpu.iota {dimensions = array<i32: 1>} : vector<1000x16xi32>
    %eq3A = arith.constant 0 : i32
    %eq3A_41 = vector.broadcast %eq3A : i32 to vector<1000x16xi32>
    %eq3A_42 = arith.cmpi eq, %iota3A, %eq3A_41 : vector<1000x16xi32>
    %jit3A = arith.constant 1.000000e+00 : f32
    %jit3A_43 = arith.constant 0.000000e+00 : f32
    %broadcast_in_dim3A = vector.broadcast %jit3A : f32 to vector<1000x16xf32>
    %broadcast_in_dim3A_44 = vector.broadcast %jit3A_43 : f32 to vector<1000x16xf32>
    %select_n3A = arith.select %eq3A_42, %broadcast_in_dim3A, %broadcast_in_dim3A_44 : vector<1000x16xi1>, vector<1000x16xf32>
    %slice3A_45 = vector.extract_strided_slice %add3A_9 {offsets = [0, 72], sizes = [1000, 56], strides = [1, 1]} : vector<1000x128xf32> to vector<1000x56xf32>
    %concatenate3A = tpu.concatenate %slice3A_45, %select_n3A in 1 : vector<1000x56xf32>, vector<1000x16xf32> -> vector<1000x72xf32>
    %swap3A_46 = arith.constant 0 : index
    %swap3A_47 = arith.constant 0 : index
    %swap3A_48 = vector.load %arg10[%swap3A_46, %swap3A_47] : memref<1000x72xf32, #tpu.memory_space<vmem>>, vector<1000x72xf32>
    tpu.vector_store %arg10[%swap3A_46, %swap3A_47], %concatenate3A {strides = array<i32>} : memref<1000x72xf32, #tpu.memory_space<vmem>>, vector<1000x72xf32>,
    return
  }
  func.func @transform_0(%arg0: i32) -> (i32, i32) {
    %c0_i32 = arith.constant 0 : i32
    %c0_i32_0 = arith.constant 0 : i32
    return %arg0, %c0_i32 : i32, i32
  }
  func.func @transform_1(%arg0: i32) -> (i32, i32) {
    %c0_i32 = arith.constant 0 : i32
    %c0_i32_0 = arith.constant 0 : i32
    return %arg0, %c0_i32 : i32, i32
  }
  func.func @transform_2(%arg0: i32) -> (i32, i32) {
    %c0_i32 = arith.constant 0 : i32
    %c0_i32_0 = arith.constant 0 : i32
    %c0_i32_1 = arith.constant 0 : i32
    return %c0_i32, %c0_i32_0 : i32, i32
  }
  func.func @transform_3(%arg0: i32) -> (i32, i32) {
    %c0_i32 = arith.constant 0 : i32
    %c0_i32_0 = arith.constant 0 : i32
    %c0_i32_1 = arith.constant 0 : i32
    return %c0_i32, %c0_i32_0 : i32, i32
  }
  func.func @transform_4(%arg0: i32) -> (i32, i32) {
    %c0_i32 = arith.constant 0 : i32
    %c0_i32_0 = arith.constant 0 : i32
    %c0_i32_1 = arith.constant 0 : i32
    return %c0_i32, %c0_i32_0 : i32, i32
  }
  func.func @transform_5(%arg0: i32) -> (i32, i32) {
    %c0_i32 = arith.constant 0 : i32
    %c0_i32_0 = arith.constant 0 : i32
    %c0_i32_1 = arith.constant 0 : i32
    return %c0_i32, %c0_i32_0 : i32, i32
  }
  func.func @transform_6(%arg0: i32) -> (i32, i32) {
    %c0_i32 = arith.constant 0 : i32
    %c0_i32_0 = arith.constant 0 : i32
    %c0_i32_1 = arith.constant 0 : i32
    return %c0_i32, %c0_i32_0 : i32, i32
  }
  func.func @transform_7(%arg0: i32) -> (i32, i32) {
    %c0_i32 = arith.constant 0 : i32
    %c0_i32_0 = arith.constant 0 : i32
    %c0_i32_1 = arith.constant 0 : i32
    return %c0_i32, %c0_i32_0 : i32, i32
  }
  func.func @transform_8(%arg0: i32) -> (i32, i32) {
    %c0_i32 = arith.constant 0 : i32
    %c0_i32_0 = arith.constant 0 : i32
    return %arg0, %c0_i32 : i32, i32
  }
  func.func @transform_9(%arg0: i32) -> (i32, i32) {
    %c0_i32 = arith.constant 0 : i32
    %c0_i32_0 = arith.constant 0 : i32
    return %arg0, %c0_i32 : i32, i32
  }
  func.func @transform_10(%arg0: i32) -> (i32, i32) {
    %c0_i32 = arith.constant 0 : i32
    %c0_i32_0 = arith.constant 0 : i32
    return %arg0, %c0_i32 : i32, i32
  }
  func.func @transform_11(%arg0: i32) -> (i32, i32) {
    %c0_i32 = arith.constant 0 : i32
    %c0_i32_0 = arith.constant 0 : i32
    return %arg0, %c0_i32 : i32, i32
  }
}

module attributes {stable_mosaic.version = 14 : i64} {
  func.func @_finish_body(%arg0: i32, %arg1: memref<2x2x632x72xf32, #tpu.memory_space<vmem>>, %arg2: memref<632x128xf32, #tpu.memory_space<vmem>>) attributes {dimension_semantics = [#tpu.dimension_semantics<arbitrary>], iteration_bounds = array<i64: 16>, scalar_prefetch = 0 : i64, scratch_operands = 0 : i64, tpu.core_type = #tpu.core_type<tc>, window_params = [{transform_indices = @transform_0, window_bounds = array<i64: 2, 2, 632, 72>}, {transform_indices = @transform_1, window_bounds = array<i64: 632, 128>}]} {
    %get3A = arith.constant 0 : index
    %get3A_0 = arith.constant 0 : index
    %get3A_1 = arith.constant 0 : index
    %get3A_2 = arith.constant 0 : index
    %get3A_3 = vector.load %arg1[%get3A, %get3A_0, %get3A_1, %get3A_2] : memref<2x2x632x72xf32, #tpu.memory_space<vmem>>, vector<1x1x632x72xf32>
    %get3A_4 = vector.shape_cast %get3A_3 : vector<1x1x632x72xf32> to vector<632x72xf32>
    %get3A_5 = arith.constant 1 : index
    %get3A_6 = arith.constant 0 : index
    %get3A_7 = arith.constant 0 : index
    %get3A_8 = arith.constant 0 : index
    %get3A_9 = vector.load %arg1[%get3A_5, %get3A_6, %get3A_7, %get3A_8] : memref<2x2x632x72xf32, #tpu.memory_space<vmem>>, vector<1x1x632x72xf32>
    %get3A_10 = vector.shape_cast %get3A_9 : vector<1x1x632x72xf32> to vector<632x72xf32>
    %add3A = arith.addf %get3A_4, %get3A_10 : vector<632x72xf32>
    %get3A_11 = arith.constant 0 : index
    %get3A_12 = arith.constant 1 : index
    %get3A_13 = arith.constant 0 : index
    %get3A_14 = arith.constant 0 : index
    %get3A_15 = vector.load %arg1[%get3A_11, %get3A_12, %get3A_13, %get3A_14] : memref<2x2x632x72xf32, #tpu.memory_space<vmem>>, vector<1x1x632x72xf32>
    %get3A_16 = vector.shape_cast %get3A_15 : vector<1x1x632x72xf32> to vector<632x72xf32>
    %get3A_17 = arith.constant 1 : index
    %get3A_18 = arith.constant 1 : index
    %get3A_19 = arith.constant 0 : index
    %get3A_20 = arith.constant 0 : index
    %get3A_21 = vector.load %arg1[%get3A_17, %get3A_18, %get3A_19, %get3A_20] : memref<2x2x632x72xf32, #tpu.memory_space<vmem>>, vector<1x1x632x72xf32>
    %get3A_22 = vector.shape_cast %get3A_21 : vector<1x1x632x72xf32> to vector<632x72xf32>
    %add3A_23 = arith.addf %get3A_16, %get3A_22 : vector<632x72xf32>
    %slice3A = vector.extract_strided_slice %add3A_23 {offsets = [0, 0], sizes = [632, 56], strides = [1, 1]} : vector<632x72xf32> to vector<632x56xf32>
    %concatenate3A = tpu.concatenate %add3A, %slice3A in 1 : vector<632x72xf32>, vector<632x56xf32> -> vector<632x128xf32>
    %slice3A_24 = vector.extract_strided_slice %add3A_23 {offsets = [0, 56], sizes = [632, 1], strides = [1, 1]} : vector<632x72xf32> to vector<632x1xf32>
    %add3A_25 = arith.constant 1.000000e-16 : f32
    %add3A_26 = vector.broadcast %add3A_25 : f32 to vector<632x1xf32>
    %add3A_27 = arith.addf %slice3A_24, %add3A_26 : vector<632x1xf32>
    %div3A = vector.broadcast %add3A_27 : vector<632x1xf32> to vector<632x128xf32>
    %div3A_28 = arith.divf %concatenate3A, %div3A : vector<632x128xf32>
    %max3A = arith.constant 0.000000e+00 : f32
    %max3A_29 = vector.broadcast %max3A : f32 to vector<632x128xf32>
    %max3A_30 = arith.maximumf %div3A_28, %max3A_29 : vector<632x128xf32>
    %mul3A = arith.constant 5.000000e-01 : f32
    %mul3A_31 = vector.broadcast %mul3A : f32 to vector<632x128xf32>
    %mul3A_32 = arith.mulf %mul3A_31, %max3A_30 : vector<632x128xf32>
    %mul3A_33 = arith.constant 0.707106769 : f32
    %mul3A_34 = vector.broadcast %mul3A_33 : f32 to vector<632x128xf32>
    %mul3A_35 = arith.mulf %max3A_30, %mul3A_34 : vector<632x128xf32>
    %erf3A = math.erf %mul3A_35 : vector<632x128xf32>
    %add3A_36 = arith.constant 1.000000e+00 : f32
    %add3A_37 = vector.broadcast %add3A_36 : f32 to vector<632x128xf32>
    %add3A_38 = arith.addf %add3A_37, %erf3A : vector<632x128xf32>
    %mul3A_39 = arith.mulf %mul3A_32, %add3A_38 : vector<632x128xf32>
    %swap3A = arith.constant 0 : index
    %swap3A_40 = arith.constant 0 : index
    %swap3A_41 = vector.load %arg2[%swap3A, %swap3A_40] : memref<632x128xf32, #tpu.memory_space<vmem>>, vector<632x128xf32>
    tpu.vector_store %arg2[%swap3A, %swap3A_40], %mul3A_39 {strides = array<i32>} : memref<632x128xf32, #tpu.memory_space<vmem>>, vector<632x128xf32>,
    return
  }
  func.func @transform_0(%arg0: i32) -> (i32, i32, i32, i32) {
    %c0_i32 = arith.constant 0 : i32
    %c0_i32_0 = arith.constant 0 : i32
    %c0_i32_1 = arith.constant 0 : i32
    %c0_i32_2 = arith.constant 0 : i32
    return %c0_i32, %c0_i32_0, %arg0, %c0_i32_1 : i32, i32, i32, i32
  }
  func.func @transform_1(%arg0: i32) -> (i32, i32) {
    %c0_i32 = arith.constant 0 : i32
    %c0_i32_0 = arith.constant 0 : i32
    return %arg0, %c0_i32 : i32, i32
  }
}

</mosaic_0001>

<sc_bundles>
// kernel: kernel.5.cloned.1.call-start
scs
__scs_entry_jumppad:
0x0: {  	(pc) =	sbr.rel $0x88, $3  }
0x1: {  	(tag) =	ssettag $0x0;
	lr =	simm.s32 $0x1  }
0x2: {  	[smem:$0x3F98] =	sst lr;
	_ =	strace $0xD0000000  }
0x3: {  	_ = 	snop  }
0x4: {  	_ = 	snop  }
0x5: {  	_ = 	snop  }
0x6: {  	_ = 	snop  }
0x7: {  	_ = 	snop  }
__scs_overlays_trampoline_lowered:
0x8: {  	[smem:$0x3FA7] =	sst s0  }
0x9: {  	[smem:$0x3FA8] =	sst s1  }
0xa: {  	[smem:$0x3FA9] =	sst s2  }
0xb: {  	[smem:$0x3FAA] =	sst s3  }
0xc: {  	[smem:$0x3FAB] =	sst s4  }
0xd: {  	[smem:$0x3FAC] =	sst s5  }
0xe: {  	[smem:$0x3FAD] =	sst s6  }
0xf: {  	[smem:$0x3FAE] =	sst s7  }
0x10: {  	[smem:$0x3FAF] =	sst s8  }
0x11: {  	[smem:$0x3FB0] =	sst s9;
	s0 =	simm.s32 @!p0 $0x0  }
0x12: {  	s1 =	sld [smem:$0x3F96];
	s0 =	simm.s32 @p0 $0x1  }
0x13: {  	[smem:$0x3FB1] =	sst s0;
	s0 =	simm.s32 @!p1 $0x0  }
0x14: {  	s2 =	sld [smem:$0x3F95];
	s0 =	simm.s32 @p1 $0x1  }
0x15: {  	[smem:$0x3FB2] =	sst s0;
	s0 =	simm.s32 @!p2 $0x0  }
0x16: {  	s3 =	sld [smem:$0x3FDB];
	s0 =	simm.s32 @p2 $0x1  }
0x17: {  	s4 =	simm.s32 $0x1BF5;
	[smem:$0x3FB4] =	sst s0  }
0x18: {  	s0 =	sld [smem:$0x3F97];
	_ =	swait.ge [sflag:s4], $0x0  }
0x19: {  	s7 =	sld [smem:$0x3F98]  }
0x1a: {  	s8 =	sadd.s32 $0xFFFFE003, lr  }
0x1b: {  	s9 =	sadd.s32 $0xFFFFFEF7, lr;
	s5 =	simm.s32 $0xFFFFFFFF;
	p2 =	slt.u32 s8, $0xFFFFF086  }
0x1c: {  	p1 =	slt.u32 s9, $0xF7A;
	s5 =	simm.s32 @!p2 $0x0  }
0x1d: {  	s5 =	simm.s32 @p1 $0x1;
	p0 =	seq.s32 s7, s2  }
0x1e: {  	s7 =	smul.u32 @!p0 $0xF7A, s2;
	p2 =	seq.s32 @!p0 s5, $0x0  }
0x1f: {  	s9 =	smul.u32 $0xF7A, s1;
	s8 =	simm.s32 @!p0 $0x1BF5;
	p2 =	por !p2, p0  }
0x20: {  	[sflag:s8] =	ssyncset.s32 @!p0 $0xFFFFF086;
	s6 =	sadd.s32 @!p0 s3, s7;
	s7 =	simm.s32 @!p0 $0x108  }
0x21: {  	s3 =	sadd.s32 s3, s9;
	s6 =	sadd.s32 @!p0 $0x88, s6;
	s7 =	simm.s32 @p2 $0x1082  }
0x22: {  	[simem:s7], [sflag:s8] =	dma.local @!p0 [hbm:s6], $0xF7A  }
0x23: {  	s9 =	sor.u32 $0xD0000000, s2;
	s6 =	simm.s32 $0x108;
	_ =	swait.ge @!p0 [sflag:s8], $0x0  }
0x24: {  	s3 =	sadd.s32 $0x88, s3;
	s6 =	simm.s32 @!p1 $0x1082;
	[sflag:s4] =	ssyncset.s32 $0xFFFFF086  }
0x25: {  	[simem:s6], [sflag:s4] =	dma.local [hbm:s3], $0xF7A  }
0x26: {  	[smem:$0x3F98] =	sst s1;
	(tag) =	ssettag s2;
	_ =	strace s9  }
0x27: {  	s1 =	sld [smem:$0x3FA8]  }
0x28: {  	s2 =	sld [smem:$0x3FA9]  }
0x29: {  	s4 =	sld [smem:$0x3FAB]  }
0x2a: {  	p0 =	seq.s32 s5, $0x0;
	s5 =	sld [smem:$0x3FAC]  }
0x2b: {  	s6 =	sld [smem:$0x3FAD]  }
0x2c: {  	s7 =	sld [smem:$0x3FAE]  }
0x2d: {  	s3 =	simm.s32 $0x108;
	s8 =	sld [smem:$0x3FAF]  }
0x2e: {  	s3 =	simm.s32 @!p0 $0x1082;
	s9 =	sld [smem:$0x3FB0]  }
0x2f: {  	lr =	sadd.s32 s0, s3;
	s0 =	sld [smem:$0x3FA7]  }
0x30: {  	s3 =	sld [smem:$0x3FAA]  }
0x31: {  	[smem:$0x3FB3] =	sst s10  }
0x32: {  	s10 =	sld [smem:$0x3FB1];
	_ =	sdelay $0x3  }
0x33: {  	p0 =	seq.s32 s10, $0x1;
	s10 =	sld [smem:$0x3FB3];
	_ =	sdelay $0x3  }
0x34: {  	[smem:$0x3FB3] =	sst s10  }
0x35: {  	s10 =	sld [smem:$0x3FB2];
	_ =	sdelay $0x3  }
0x36: {  	p1 =	seq.s32 s10, $0x1;
	s10 =	sld [smem:$0x3FB3];
	_ =	sdelay $0x3  }
0x37: {  	[smem:$0x3FB3] =	sst s10  }
0x38: {  	s10 =	sld [smem:$0x3FB4]  }
0x39: {  	_ = 	snop;
	(pc) =	sbr.ind lr, $3  }
0x3a: {  	_ = 	snop  }
0x3b: {  	_ = 	snop  }
0x3c: {  	p2 =	seq.s32 s10, $0x1;
	s10 =	sld [smem:$0x3FB3]  }
0x3d: {  	_ =	shalt  }
0x3e: {  	_ =	shalt  }
0x3f: {  	_ =	shalt  }
0x40: {  	_ =	shalt  }
0x41: {  	_ =	shalt  }
0x42: {  	_ =	shalt  }
0x43: {  	_ =	shalt  }
0x44: {  	_ =	shalt  }
0x45: {  	_ =	shalt  }
0x46: {  	_ =	shalt  }
0x47: {  	_ =	shalt  }
0x48: {  	_ =	shalt  }
0x49: {  	_ =	shalt  }
0x4a: {  	_ =	shalt  }
0x4b: {  	_ =	shalt  }
0x4c: {  	_ =	shalt  }
0x4d: {  	_ =	shalt  }
0x4e: {  	_ =	shalt  }
0x4f: {  	_ =	shalt  }
0x50: {  	_ =	shalt  }
0x51: {  	_ =	shalt  }
0x52: {  	_ =	shalt  }
0x53: {  	_ =	shalt  }
0x54: {  	_ =	shalt  }
0x55: {  	_ =	shalt  }
0x56: {  	_ =	shalt  }
0x57: {  	_ =	shalt  }
0x58: {  	_ =	shalt  }
0x59: {  	_ =	shalt  }
0x5a: {  	_ =	shalt  }
0x5b: {  	_ =	shalt  }
0x5c: {  	_ =	shalt  }
0x5d: {  	_ =	shalt  }
0x5e: {  	_ =	shalt  }
0x5f: {  	_ =	shalt  }
0x60: {  	_ =	shalt  }
0x61: {  	_ =	shalt  }
0x62: {  	_ =	shalt  }
0x63: {  	_ =	shalt  }
0x64: {  	_ =	shalt  }
0x65: {  	_ =	shalt  }
0x66: {  	_ =	shalt  }
0x67: {  	_ =	shalt  }
0x68: {  	_ =	shalt  }
0x69: {  	_ =	shalt  }
0x6a: {  	_ =	shalt  }
0x6b: {  	_ =	shalt  }
0x6c: {  	_ =	shalt  }
0x6d: {  	_ =	shalt  }
0x6e: {  	_ =	shalt  }
0x6f: {  	_ =	shalt  }
0x70: {  	_ =	shalt  }
0x71: {  	_ =	shalt  }
0x72: {  	_ =	shalt  }
0x73: {  	_ =	shalt  }
0x74: {  	_ =	shalt  }
0x75: {  	_ =	shalt  }
0x76: {  	_ =	shalt  }
0x77: {  	_ =	shalt  }
0x78: {  	_ =	shalt  }
0x79: {  	_ =	shalt  }
0x7a: {  	_ =	shalt  }
0x7b: {  	_ =	shalt  }
0x7c: {  	_ =	shalt  }
0x7d: {  	_ =	shalt  }
0x7e: {  	_ =	shalt  }
0x7f: {  	_ =	shalt  }
0x80: {  	_ =	shalt  }
0x81: {  	_ =	shalt  }
0x82: {  	_ =	shalt  }
0x83: {  	_ =	shalt  }
0x84: {  	_ =	shalt  }
0x85: {  	_ =	shalt  }
0x86: {  	_ =	shalt  }
0x87: {  	_ =	shalt  }
.Lfunc_end0:
.L_simem_size_0:
called_computation_lowered:
.L_overlay_start_0:
0x88: {  	s2 =	sld [smem:$0x3FD9]  }
0x89: {  	s3 =	sld [smem:$0x3FFE];
	_ =	sdelay $0x1  }
0x8a: {  	s1 =	srdreg.scid  }
0x8b: {  	s0 =	sand.u32 $0x1, s1  }
0x8c: {  	s17 =	sshll.u32 s0, $0xA;
	s2 =	sadd.s32 s3, s2  }
0x8d: {  	s2 =	sadd.s32 s2, s17  }
0x8e: {  	[smem:$0x3FBF] =	sst s2  }
0x8f: {  	_ = 	snop  }
0x90: {  	s2 =	sld [smem:$0x3FD0];
	(tm) =	ssettm $0x1  }
0x91: {  	s18 =	sld [smem:$0x3FFB];
	_ =	sdelay $0x3  }
0x92: {  	_ =	strace s18  }
0x93: {  	s3 =	sld [smem:$0x3FFC];
	_ =	sdelay $0x3  }
0x94: {  	_ =	strace s3  }
0x95: {  	s3 =	sld [smem:$0x3FFD];
	_ =	sdelay $0x3  }
0x96: {  	_ =	strace s3  }
0x97: {  	_ =	strace $0x8FFFFFFF  }
0x98: {  	s19 =	sld [smem:$0x3FDB];
	_ =	sdelay $0x1  }
0x99: {  	s4 =	simm.s32 $_scs_section_size  }
0x9a: {  	s5 =	simm.s32 $_size__tile_overlayer_lowered;
	s6 =	simm.s32 $_tile_overlayer_lowered  }
0x9b: {  	s22 =	simm.s32 $0x1BFF;
	s21 =	sshll.u32 s6, $0x1;
	s3 =	sadd.s32 s4, s19  }
0x9c: {  	s7 =	simm.s32 $0x0;
	s20 =	sshll.u32 s5, $0x1;
	s5 =	sadd.s32 s21, s3  }
0x9d: {  	[timem:s7], [sflag:s22] =	dma.local [hbm:s5], s20  }
0x9e: {  	_ =	swait.ge [sflag:s22], s20  }
0x9f: {  	s4 =	ssub.s32 $0x0, s20;
	[sflag:s22] =	ssyncset.done $0x0  }
0xa0: {  	[sflag:s22] =	ssyncadd.s32 s4;
	_ =	sdelay $0x1  }
0xa1: {  	s23 =	simm.s32 $0x1B8B  }
0xa2: {  	_ =	swait.ge [sflag:s23], $0x1  }
0xa3: {  	[sflag:s23] =	ssyncset.done $0x0  }
0xa4: {  	s25 =	simm.s32 $0x1B8E;
	s24 =	sld [smem:$0x3FFE];
	[sflag:s23] =	ssyncadd.s32 $0xFFFFFFFF  }
0xa5: {  	s26 =	simm.s32 $execute0_lowered;
	[smem:$0x3FD2] =	sst s25  }
0xa6: {  	s5 =	sshll.u32 s26, $0x1;
	_ =	strace $0x80000046;
	[dreg:$0x1] =	wrdreg $0xFFFFFFFF  }
0xa7: {  	s28 =	simm.s32 $_size_execute0_lowered;
	s3 =	sadd.s32 s3, s5;
	[dreg:$0x0] =	wrdreg $0x0  }
0xa8: {  	s5 =	sshll.u32 s28, $0x1;
	[dreg:$0x2] =	wrdreg s3  }
0xa9: {  	[dreg:$0x3] =	wrdreg s5  }
0xaa: {  	[dreg:$0x4] =	wrdreg $0xC0  }
0xab: {  	_ =	task [dreg:s7], $0x5FFFF  }
0xac: {  	[dreg:$0x1] =	wrdreg $0xFFFFFFFF  }
0xad: {  	[dreg:$0x0] =	wrdreg $0x60  }
0xae: {  	[dreg:$0x2] =	wrdreg s2  }
0xaf: {  	[dreg:$0x3] =	wrdreg s24  }
0xb0: {  	[dreg:$0x4] =	wrdreg $0xF1900  }
0xb1: {  	[dreg:$0x5] =	wrdreg $0x9  }
0xb2: {  	_ =	task.clear_ibuf [dreg:s7], $0x6FFFF;
	_ =	strace $0x90000046  }
0xb3: {  	s29 =	simm.s32 $0x9;
	_ =	strace $0x80000048  }
0xb4: {  	_ =	swait.ge [sflag:s29], $0x1  }
0xb5: {  	[sflag:s29] =	ssyncadd.s32 $0xFFFFFFFF  }
0xb6: {  	_ =	strace $0x90000048  }
0xb7: {  	_ =	sfence  }
0xb8: {  	s30 =	sld [smem:$0x0];
	_ =	sdelay $0x2  }
0xb9: {  	s31 =	sshll.u32 s1, $0xD;
	s1 =	sshrl.u32 s1, $0x2  }
0xba: {  	s3 =	sand.u32 $0x4000, s31;
	s1 =	sadd.s32 s1, s30  }
0xbb: {  	s0 =	sor.u32 s3, s0;
	s1 =	sshll.u32 s1, $0x11  }
0xbc: {  	s0 =	sor.u32 s1, s0  }
0xbd: {  	s0 =	sadd.s32 $0x8F2B, s0  }
0xbe: {  	[sflag:s0] =	ssyncadd.remote.s32 $0x1  }
0xbf: {  	_ =	sfence.sel $0xFFFF  }
0xc0: {  	[dreg:$0x0] =	wrdreg $0xFFFFFFFF;
	(pc) =	sbr.abs _section_cstart, $3  }
0xc1: {  	[dreg:$0x1] =	wrdreg $0xFFFFFFFF  }
0xc2: {  	_ =	task.clear_ibuf [dreg:s7], $0x2FFFF;
	_ =	strace $0x9FFFFFFF  }
0xc3: {  	(tm) =	ssettm $0x7FFFFFFF  }
tec
execute0_lowered:
.L_overlay_start_1:
0x0: {  	(tag) =	ssettag $0x1  }
0x1: {  	s0 =	rddreg [dreg:$0x1]  }
0x2: {  	s3 =	rddreg [dreg:$0x2]  }
0x3: {  	s1 =	srdreg.scid;
	s7 =	stileid.u32  }
0x4: {  	s4 =	simm.s32 $0x0;
	s1 =	sand.u32 $0x1, s1;
	s2 =	smul.u32 $0xB1C0, s7  }
0x5: {  	[smem:$0x7FF] =	sst s4;
	s5 =	sadd.s32 $0x14800, s0;
	s8 =	sadd.s32 $0x13C00, s0  }
0x6: {  	s16 =	sadd.s32 $0x14200, s0;
	s15 =	smul.u32 $0x163800, s1;
	s6 =	sshll.u32 s1, $0x4  }
0x7: {  	_ =	strace $0x80000047;
	[dreg:$0x4] =	wrdreg s8;
	s1 =	ssub.s32 $0x2, s1  }
0x8: {  	[dreg:$0x5] =	wrdreg s16;
	s6 =	sor.u32 s7, s6;
	s7 =	smul.u32 $0x2C700, s7  }
0x9: {  	s17 =	sshrl.u32 s1, $0x1;
	s4 =	sadd.s32 s2, s15;
	s6 =	smul.u32 $0x4E2, s6  }
0xa: {  	s1 =	ssub.s32 s1, s17;
	s2 =	sadd.s32 s2, s3;
	s4 =	sshrl.u32 s4, $0x3  }
0xb: {  	s18 =	sshrl.u32 s7, $0x2;
	[dreg:$0x8] =	wrdreg s2;
	s29 =	smax.u32 s1, $0x1  }
0xc: {  	s4 =	sadd.s32 s4, s0;
	s6 =	sadd.s32 s0, s6;
	[dreg:$0x12] =	wrdreg s29  }
0xd: {  	s0 =	sadd.s32 s18, s3;
	[dreg:$0x6] =	wrdreg s6;
	s6 =	sadd.s32 $0x9E00, s6  }
0xe: {  	s19 =	sadd.s32 $0x1680, s0;
	[dreg:$0x7] =	wrdreg s6  }
0xf: {  	s20 =	sadd.s32 $0x2D00, s0;
	[dreg:$0x9] =	wrdreg s19  }
0x10: {  	s21 =	sadd.s32 $0x4380, s0;
	[dreg:$0xa] =	wrdreg s20  }
0x11: {  	s10 =	simm.s32 $0x5;
	s22 =	sadd.s32 $0x5A00, s0;
	[dreg:$0xb] =	wrdreg s21  }
0x12: {  	s28 =	simm.s32 $0xF050;
	s23 =	sadd.s32 $0x7080, s0;
	[dreg:$0xc] =	wrdreg s22  }
0x13: {  	s30 =	simm.s32 $0xD9D0;
	s24 =	sadd.s32 $0x8700, s0;
	[dreg:$0xd] =	wrdreg s23  }
0x14: {  	s31 =	simm.s32 $0x1;
	s0 =	sadd.s32 $0x9D80, s0;
	[dreg:$0xe] =	wrdreg s24  }
0x15: {  	s2 =	simm.s32 $0xF140;
	s25 =	sadd.s32 $0x2A800, s4;
	[dreg:$0xf] =	wrdreg s0  }
0x16: {  	s7 =	simm.s32 $0x4;
	s26 =	sadd.s32 $0x40B80, s4;
	[dreg:$0x10] =	wrdreg s25  }
0x17: {  	s4 =	simm.s32 $0x0;
	[dreg:$0x11] =	wrdreg s26;
	s24 =	simm.s32 $0x2710  }
0x18: {  	s25 =	simm.s32 $0xC350;
	s26 =	simm.s32 $0x50;
	s0 =	simm.s32 $0x9C40  }
0x19: {  	v0 =	vimm.f32 $0.0e+00;
	vm0 =	vmmov $0xff;
	s21 =	simm.s32 $0xF0F0;
	s23 =	simm.s32 $0x2;
	s6 =	simm.s32 $0x3  }
.LBB2_1:
0x1a: {  	[dreg:$0x13] =	wrdreg s4  }
0x1b: {  	s18 =	simm.s32 $0x0;
	s1 =	rddreg [dreg:$0x7];
	s8 =	simm.s32 $0x4E20  }
0x1c: {  	[tilespmem:s8], [sflag:$0x5] =	stream.linear.gather [hbm4b:s1+s18], $0x2710, $0x38;
	[tilespmem:$0x1A350] =	vst v63  }
0x1d: {  	_ =	swait.ge [sflag:s10], $0x2710  }
0x1e: {  	[sflag:s10] =	ssyncset.done $0x0  }
0x1f: {  	s20 =	simm.s32 $0x7530;
	s19 =	rddreg [dreg:$0x6];
	[sflag:s10] =	ssyncadd.s32 $0xFFFFD8F0  }
0x20: {  	[tilespmem:s20], [sflag:$0x5] =	stream.linear.gather [hbm4b:s19+s18], $0x2710, $0x38;
	[tilespmem:$0x1A350] =	vst v63  }
0x21: {  	_ =	swait.ge [sflag:s10], $0x2710  }
0x22: {  	[sflag:s10] =	ssyncset.done $0x0  }
0x23: {  	s22 =	rddreg [dreg:$0x4];
	[sflag:s10] =	ssyncadd.s32 $0xFFFFD8F0  }
0x24: {  	[tilespmem:s18], [sflag:$0x5] =	stream.linear.gather [hbm4b:s22+s18], $0x2710, $0x38;
	[tilespmem:$0x1A350] =	vst v63  }
0x25: {  	_ =	swait.ge [sflag:s10], $0x2710  }
0x26: {  	[sflag:s10] =	ssyncset.done $0x0  }
0x27: {  	s29 =	rddreg [dreg:$0x5];
	[sflag:s10] =	ssyncadd.s32 $0xFFFFD8F0  }
0x28: {  	[tilespmem:s24], [sflag:$0x5] =	stream.linear.gather [hbm4b:s29+s18], $0x2710, $0x38;
	[tilespmem:$0x1A350] =	vst v63  }
0x29: {  	_ =	swait.ge [sflag:s10], $0x2710  }
0x2a: {  	[sflag:s10] =	ssyncset.done $0x0  }
0x2b: {  	s1 =	simm.s32 $0x0;
	[sflag:s10] =	ssyncadd.s32 $0xFFFFD8F0  }
0x2c: {  	v1 =	vld [tilespmem:s1+$0x7530]  }
0x2d: {  	v2 =	vld [tilespmem:s1+$0x4E20];
	_ =	sdelay $0x6  }
0x2e: {  	v1 =	vld.idx.msk [tilespmem:v1+s24+$0x0], $0xffff  }
0x2f: {  	v2 =	vld.idx.msk [tilespmem:v2+s18+$0x0], $0xffff;
	_ =	sdelay $0x4  }
0x30: {  	v1 =	vadd.f32 v1, v2;
	_ =	sdelay $0x1  }
0x31: {  	v2 =	vmul.f32 $2.000000030e-01, v1  }
0x32: {  	vm1 =	vge.f32 v1, $0.0e+00  }
0x33: {  	v1 =	vsel vm1, v1, v2  }
0x34: {  	v1 =	vmul.f32 $1.442695020e+00, v1;
	_ =	sdelay $0x1  }
0x35: {  	(erf) = vpow2.f32 v1;
	_ =	sdelay $0x1  }
0x36: {  	s9 =	simm.s32 $0x10  }
0x37: {  	s4 =	simm.s32 $0x80;
	v1 =	vld [tilespmem:s9+$0x7530]  }
.LBB2_2:
0x38: {  	p0 =	sne.s32 s4, $0x9C00;
	v2 =	vld [tilespmem:s9+$0x4E20];
	_ =	sdelay $0x4  }
0x39: {  	v3 =	vpop (erf)  }
0x3a: {  	[tilespmem:s1+$0x9C40] =	vst v3;
	s1 =	smov.u32 s9  }
0x3b: {  	s8 =	simm.s32 $0x0;
	v1 =	vld.idx.msk [tilespmem:v1+s24+$0x0], $0xffff  }
0x3c: {  	v2 =	vld.idx.msk [tilespmem:v2+s8+$0x0], $0xffff;
	_ =	sdelay $0x5  }
0x3d: {  	v1 =	vadd.f32 v1, v2;
	_ =	sdelay $0x1  }
0x3e: {  	v2 =	vmul.f32 $2.000000030e-01, v1  }
0x3f: {  	vm1 =	vge.f32 v1, $0.0e+00  }
0x40: {  	v1 =	vsel vm1, v1, v2  }
0x41: {  	v1 =	vmul.f32 $1.442695020e+00, v1  }
.Ltmp0:
0x42: {  	(pc) =	sbr.rel @p0 .LBB2_2-.Ltmp0, $3  }
0x43: {  	(erf) = vpow2.f32 v1;
	_ =	sdelay $0x1  }
0x44: {  	s9 =	sshra.s32 s4, $0x2  }
0x45: {  	s4 =	sadd.s32 $0x40, s4;
	v1 =	vld [tilespmem:s9+$0x7530]  }
0x46: {  	_ = 	snop  }
0x47: {  	v2 =	vld [tilespmem:s9+$0x4E20];
	_ =	sdelay $0x4  }
0x48: {  	v3 =	vpop (erf)  }
0x49: {  	[tilespmem:s1+$0x9C40] =	vst v3  }
0x4a: {  	v1 =	vld.idx.msk [tilespmem:v1+s24+$0x0], $0xffff  }
0x4b: {  	v2 =	vld.idx.msk [tilespmem:v2+s8+$0x0], $0xffff;
	_ =	sdelay $0x4  }
0x4c: {  	v1 =	vadd.f32 v1, v2;
	_ =	sdelay $0x1  }
0x4d: {  	v2 =	vmul.f32 $2.000000030e-01, v1  }
0x4e: {  	vm1 =	vge.f32 v1, $0.0e+00  }
0x4f: {  	v1 =	vsel vm1, v1, v2  }
0x50: {  	v1 =	vmul.f32 $1.442695020e+00, v1;
	_ =	sdelay $0x1  }
0x51: {  	(erf) = vpow2.f32 v1;
	_ =	sdelay $0x5  }
0x52: {  	p0 =	por $0x1, $0x1  }
.Ltmp1:
0x53: {  	_ = 	snop;
	(pc) =	sbr.rel @!p0 .LBB2_5-.Ltmp1, $4  }
0x54: {  	_ = 	snop  }
0x55: {  	v1 =	vpop (erf)  }
0x56: {  	s1 =	simm.s32 $0x0;
	[tilespmem:s9+$0x9C40] =	vst v1  }
0x57: {  	s4 =	simm.s32 $0x120;
	[tilespmem:s1+$0xC370] =	vst v0  }
.LBB2_4:
0x58: {  	p0 =	sne.s32 s4, $0x58E0;
	[tilespmem:s1+$0xC360] =	vst v0;
	s8 =	smov.u32 s4;
	s4 =	sadd.s32 $0x120, s4  }
.Ltmp2:
0x59: {  	[tilespmem:s1+$0xC380] =	vst v0;
	(pc) =	sbr.rel @p0 .LBB2_4-.Ltmp2, $4  }
0x5a: {  	[tilespmem:s1+$0xC388] =	vst v0  }
0x5b: {  	[tilespmem:s1+$0xC350] =	vst v0  }
0x5c: {  	s1 =	sshra.s32 s8, $0x2  }
0x5d: {  	[tilespmem:s1+$0xC370] =	vst v0  }
.LBB2_5:
0x5e: {  	[tilespmem:s1+$0xC360] =	vst v0  }
0x5f: {  	[tilespmem:s1+$0xC380] =	vst v0  }
0x60: {  	[tilespmem:s1+$0xC350] =	vst v0  }
0x61: {  	s13 =	rddreg [dreg:$0x8];
	[tilespmem:s1+$0xC388] =	vst v0  }
0x62: {  	[spmem:s13] =	stream.linear.scatter [tilespmem:s25], [sflag:$0x5], $0x1680, $0x38;
	[tilespmem:$0x1A350] =	vst v63  }
0x63: {  	_ =	swait.ge [sflag:s10], $0x1680  }
0x64: {  	[sflag:s10] =	ssyncset.done $0x0  }
0x65: {  	s14 =	rddreg [dreg:$0x9];
	[sflag:s10] =	ssyncadd.s32 $0xFFFFE980  }
0x66: {  	[spmem:s14] =	stream.linear.scatter [tilespmem:s25], [sflag:$0x5], $0x1680, $0x38;
	[tilespmem:$0x1A350] =	vst v63  }
0x67: {  	_ =	swait.ge [sflag:s10], $0x1680  }
0x68: {  	[sflag:s10] =	ssyncset.done $0x0  }
0x69: {  	s15 =	rddreg [dreg:$0xa];
	[sflag:s10] =	ssyncadd.s32 $0xFFFFE980  }
0x6a: {  	[spmem:s15] =	stream.linear.scatter [tilespmem:s25], [sflag:$0x5], $0x1680, $0x38;
	[tilespmem:$0x1A350] =	vst v63  }
0x6b: {  	_ =	swait.ge [sflag:s10], $0x1680  }
0x6c: {  	[sflag:s10] =	ssyncset.done $0x0  }
0x6d: {  	s16 =	rddreg [dreg:$0xb];
	[sflag:s10] =	ssyncadd.s32 $0xFFFFE980  }
0x6e: {  	[spmem:s16] =	stream.linear.scatter [tilespmem:s25], [sflag:$0x5], $0x1680, $0x38;
	[tilespmem:$0x1A350] =	vst v63  }
0x6f: {  	_ =	swait.ge [sflag:s10], $0x1680  }
0x70: {  	[sflag:s10] =	ssyncset.done $0x0  }
0x71: {  	s17 =	rddreg [dreg:$0xc];
	[sflag:s10] =	ssyncadd.s32 $0xFFFFE980  }
0x72: {  	[spmem:s17] =	stream.linear.scatter [tilespmem:s25], [sflag:$0x5], $0x1680, $0x38;
	[tilespmem:$0x1A350] =	vst v63  }
0x73: {  	_ =	swait.ge [sflag:s10], $0x1680  }
0x74: {  	[sflag:s10] =	ssyncset.done $0x0  }
0x75: {  	s18 =	rddreg [dreg:$0xd];
	[sflag:s10] =	ssyncadd.s32 $0xFFFFE980  }
0x76: {  	[spmem:s18] =	stream.linear.scatter [tilespmem:s25], [sflag:$0x5], $0x1680, $0x38;
	[tilespmem:$0x1A350] =	vst v63  }
0x77: {  	_ =	swait.ge [sflag:s10], $0x1680  }
0x78: {  	[sflag:s10] =	ssyncset.done $0x0  }
0x79: {  	s19 =	rddreg [dreg:$0xe];
	[sflag:s10] =	ssyncadd.s32 $0xFFFFE980  }
0x7a: {  	[spmem:s19] =	stream.linear.scatter [tilespmem:s25], [sflag:$0x5], $0x1680, $0x38;
	[tilespmem:$0x1A350] =	vst v63  }
0x7b: {  	_ =	swait.ge [sflag:s10], $0x1680  }
0x7c: {  	[sflag:s10] =	ssyncset.done $0x0  }
0x7d: {  	s20 =	rddreg [dreg:$0xf];
	[sflag:s10] =	ssyncadd.s32 $0xFFFFE980  }
0x7e: {  	[spmem:s20] =	stream.linear.scatter [tilespmem:s25], [sflag:$0x5], $0x1440, $0x38;
	[tilespmem:$0x1A350] =	vst v63  }
0x7f: {  	_ =	swait.ge [sflag:s10], $0x1440  }
0x80: {  	[sflag:s10] =	ssyncset.done $0x0  }
0x81: {  	[sflag:s10] =	ssyncadd.s32 $0xFFFFEBC0  }
0x82: {  	[bflag:$0x0] =	sbarrier.arrive $0xFFFF  }
0x83: {  	v1 =	vld [tilespmem:$0x4E20]  }
0x84: {  	v2 =	vld [tilespmem:$0x4E30]  }
0x85: {  	v3 =	vld [tilespmem:$0x4E40]  }
0x86: {  	v4 =	vld [tilespmem:$0x4E50]  }
0x87: {  	v5 =	vld [tilespmem:$0x4E60]  }
0x88: {  	[tilespmem:$0xF050] =	vst v1  }
0x89: {  	[tilespmem:$0xF060] =	vst v2  }
0x8a: {  	[tilespmem:$0xF070] =	vst v3  }
0x8b: {  	[tilespmem:$0xF080] =	vst v4  }
0x8c: {  	s4 =	rddreg [dreg:$0x0];
	[tilespmem:$0xF090] =	vst v5  }
0x8d: {  	[tilespmem:s25], [sflag:$0x1] =	stream.indirect.gather [hbm4b:s4+s26], $0x48, s28, s26, $0xb8;
	[tilespmem:$0x1A350] =	vst v63  }
0x8e: {  	v1 =	vld [tilespmem:$0x4E70]  }
0x8f: {  	v2 =	vld [tilespmem:$0x4E80]  }
0x90: {  	v3 =	vld [tilespmem:$0x4E90]  }
0x91: {  	v4 =	vld [tilespmem:$0x4EA0]  }
0x92: {  	v5 =	vld [tilespmem:$0x4EB0]  }
0x93: {  	[tilespmem:$0xF0A0] =	vst v1  }
0x94: {  	[tilespmem:$0xF0B0] =	vst v2  }
0x95: {  	[tilespmem:$0xF0C0] =	vst v3  }
0x96: {  	s22 =	simm.s32 $0x0;
	[tilespmem:$0xF0D0] =	vst v4  }
0x97: {  	s29 =	simm.s32 $0xF0A0;
	[tilespmem:$0xF0E0] =	vst v5;
	v1 =	vmov s22  }
0x98: {  	[tilespmem:s30], [sflag:$0x2] =	stream.indirect.gather [hbm4b:s4+s26], $0x48, s29, s26, $0xb8;
	[tilespmem:$0x1A350] =	vst v63  }
0x99: {  	_ =	swait.ge [sflag:s31], $0x1680  }
0x9a: {  	[sflag:s31] =	ssyncset.done $0x0  }
0x9b: {  	[sflag:s31] =	ssyncadd.s32 $0xFFFFE980  }
0x9c: {  	s4 =	simm.s32 $0xC370;
	v1 =	vld.idx.msk [tilespmem:v1+s0+$0x0], $0xffff  }
0x9d: {  	v2 =	vld [tilespmem:s4+$0x10]  }
0x9e: {  	v3 =	vld [tilespmem:s4+$0xFFFFFFF0];
	_ =	sdelay $0x2  }
0x9f: {  	v4 =	vld [tilespmem:s4+$0x0]  }
0xa0: {  	v2 =	vmul.f32 v2, v1  }
0xa1: {  	v5 =	vld [tilespmem:s4+$0xFFFFFFE0];
	v3 =	vmul.f32 v3, v1  }
0xa2: {  	[tilespmem:s4+$0x10] =	vst v2  }
0xa3: {  	[tilespmem:s4+$0xFFFFFFF0] =	vst v3;
	v3 =	vld [tilespmem:s4+$0x18]  }
0xa4: {  	v2 =	vmul.f32 v4, v1  }
0xa5: {  	s8 =	simm.s32 $0x1  }
0xa6: {  	v4 =	vmul.f32 v5, v1;
	[tilespmem:s4+$0x0] =	vst v2;
	v2 =	vmov s8  }
0xa7: {  	v1 =	vsel vm0, $0x3F800000, v1  }
0xa8: {  	s1 =	simm.s32 $0xC3B8;
	[tilespmem:s4+$0xFFFFFFE0] =	vst v4;
	v3 =	vmul.f32 v3, v1  }
0xa9: {  	s8 =	simm.s32 $0x2;
	v1 =	vld [tilespmem:s1+$0xFFFFFFF0]  }
.LBB2_6:
0xaa: {  	p0 =	sne.s32 s8, $0x4F;
	v4 =	vld [tilespmem:s1+$0xFFFFFFE0];
	[tilespmem:s4+$0x18] =	vst v3;
	s9 =	smov.u32 s8;
	s8 =	sadd.s32 $0x1, s8  }
0xab: {  	s4 =	smov.u32 s1;
	v3 =	vld.idx.msk [tilespmem:v2+s0+$0x0], $0xffff  }
0xac: {  	v2 =	vld [tilespmem:s1+$0x10]  }
0xad: {  	v5 =	vld [tilespmem:s1+$0x0];
	_ =	sdelay $0x3  }
0xae: {  	v4 =	vmul.f32 v4, v3;
	v2 =	vmul.f32 v2, v3  }
0xaf: {  	v1 =	vmul.f32 v1, v3;
	v5 =	vmul.f32 v5, v3  }
0xb0: {  	[tilespmem:s1+$0x10] =	vst v2  }
0xb1: {  	[tilespmem:s1+$0xFFFFFFF0] =	vst v1;
	v1 =	vld [tilespmem:s1+$0x18]  }
0xb2: {  	[tilespmem:s1+$0x0] =	vst v5  }
.Ltmp3:
0xb3: {  	[tilespmem:s1+$0xFFFFFFE0] =	vst v4;
	(pc) =	sbr.rel @p0 .LBB2_6-.Ltmp3, $4  }
0xb4: {  	v2 =	vmov s9  }
0xb5: {  	v3 =	vsel vm0, $0x3F800000, v3  }
0xb6: {  	s1 =	sadd.s32 $0x48, s1;
	v3 =	vmul.f32 v1, v3  }
0xb7: {  	v1 =	vld [tilespmem:s1+$0xFFFFFFF0]  }
0xb8: {  	_ =	sdelay $0x2  }
0xb9: {  	v4 =	vld [tilespmem:s1+$0xFFFFFFE0];
	[tilespmem:s4+$0x18] =	vst v3  }
0xba: {  	v2 =	vld.idx.msk [tilespmem:v2+s0+$0x0], $0xffff  }
0xbb: {  	v3 =	vld [tilespmem:s1+$0x10];
	_ =	sdelay $0x4  }
0xbc: {  	v3 =	vmul.f32 v3, v2  }
0xbd: {  	v1 =	vmul.f32 v1, v2  }
0xbe: {  	v5 =	vld [tilespmem:s1+$0x0];
	[tilespmem:s1+$0x10] =	vst v3  }
0xbf: {  	[tilespmem:s1+$0xFFFFFFF0] =	vst v1;
	v1 =	vld [tilespmem:s1+$0x18];
	_ =	sdelay $0x2  }
0xc0: {  	v4 =	vmul.f32 v4, v2  }
0xc1: {  	v3 =	vmul.f32 v5, v2;
	v2 =	vsel vm0, $0x3F800000, v2  }
0xc2: {  	[tilespmem:s1+$0xFFFFFFE0] =	vst v4;
	v1 =	vmul.f32 v1, v2  }
0xc3: {  	[tilespmem:s1+$0x0] =	vst v3  }
0xc4: {  	[tilespmem:s1+$0x18] =	vst v1  }
0xc5: {  	v1 =	vld [tilespmem:$0x7530]  }
0xc6: {  	v2 =	vld [tilespmem:$0x7540]  }
0xc7: {  	v3 =	vld [tilespmem:$0x7550]  }
0xc8: {  	v4 =	vld [tilespmem:$0x7560]  }
0xc9: {  	v5 =	vld [tilespmem:$0x7570]  }
0xca: {  	[tilespmem:$0xF0F0] =	vst v1  }
0xcb: {  	[tilespmem:$0xF100] =	vst v2  }
0xcc: {  	[tilespmem:$0xF110] =	vst v3  }
0xcd: {  	s29 =	simm.s32 $0x50;
	[tilespmem:$0xF120] =	vst v4  }
0xce: {  	[tilespmem:$0xF130] =	vst v5;
	v1 =	vmov s29  }
0xcf: {  	[spmem:s3] =	stream.indirect.scatter.add.f32 [tilespmem:s25], [sflag:$0x3], $0x48, s21, s29, $0xb8;
	[tilespmem:$0x1A350] =	vst v63  }
0xd0: {  	_ =	swait.ge [sflag:s23], $0x1680  }
0xd1: {  	[sflag:s23] =	ssyncset.done $0x0  }
0xd2: {  	[sflag:s23] =	ssyncadd.s32 $0xFFFFE980  }
0xd3: {  	s4 =	simm.s32 $0xD9F0;
	v1 =	vld.idx.msk [tilespmem:v1+s0+$0x0], $0xffff  }
0xd4: {  	v2 =	vld [tilespmem:s4+$0x10]  }
0xd5: {  	v3 =	vld [tilespmem:s4+$0xFFFFFFF0];
	_ =	sdelay $0x2  }
0xd6: {  	v4 =	vld [tilespmem:s4+$0x0]  }
0xd7: {  	v2 =	vmul.f32 v2, v1  }
0xd8: {  	v5 =	vld [tilespmem:s4+$0xFFFFFFE0];
	v3 =	vmul.f32 v3, v1  }
0xd9: {  	[tilespmem:s4+$0x10] =	vst v2  }
0xda: {  	[tilespmem:s4+$0xFFFFFFF0] =	vst v3;
	v3 =	vld [tilespmem:s4+$0x18]  }
0xdb: {  	v2 =	vmul.f32 v4, v1  }
0xdc: {  	s8 =	simm.s32 $0x51  }
0xdd: {  	v4 =	vmul.f32 v5, v1;
	[tilespmem:s4+$0x0] =	vst v2;
	v2 =	vmov s8  }
0xde: {  	v1 =	vsel vm0, $0x3F800000, v1  }
0xdf: {  	s1 =	simm.s32 $0xDA38;
	[tilespmem:s4+$0xFFFFFFE0] =	vst v4;
	v3 =	vmul.f32 v3, v1  }
0xe0: {  	s8 =	simm.s32 $0x52;
	v1 =	vld [tilespmem:s1+$0xFFFFFFF0]  }
.LBB2_8:
0xe1: {  	p0 =	sne.s32 s8, $0x9F;
	v4 =	vld [tilespmem:s1+$0xFFFFFFE0];
	[tilespmem:s4+$0x18] =	vst v3;
	s9 =	smov.u32 s8;
	s8 =	sadd.s32 $0x1, s8  }
0xe2: {  	s4 =	smov.u32 s1;
	v3 =	vld.idx.msk [tilespmem:v2+s0+$0x0], $0xffff  }
0xe3: {  	v2 =	vld [tilespmem:s1+$0x10]  }
0xe4: {  	v5 =	vld [tilespmem:s1+$0x0];
	_ =	sdelay $0x3  }
0xe5: {  	v4 =	vmul.f32 v4, v3;
	v2 =	vmul.f32 v2, v3  }
0xe6: {  	v1 =	vmul.f32 v1, v3;
	v5 =	vmul.f32 v5, v3  }
0xe7: {  	[tilespmem:s1+$0x10] =	vst v2  }
0xe8: {  	[tilespmem:s1+$0xFFFFFFF0] =	vst v1;
	v1 =	vld [tilespmem:s1+$0x18]  }
0xe9: {  	[tilespmem:s1+$0x0] =	vst v5  }
.Ltmp4:
0xea: {  	[tilespmem:s1+$0xFFFFFFE0] =	vst v4;
	(pc) =	sbr.rel @p0 .LBB2_8-.Ltmp4, $4  }
0xeb: {  	v2 =	vmov s9  }
0xec: {  	v3 =	vsel vm0, $0x3F800000, v3  }
0xed: {  	s1 =	sadd.s32 $0x48, s1;
	v3 =	vmul.f32 v1, v3  }
0xee: {  	v1 =	vld [tilespmem:s1+$0xFFFFFFF0]  }
0xef: {  	_ =	sdelay $0x2  }
0xf0: {  	v4 =	vld [tilespmem:s1+$0xFFFFFFE0];
	[tilespmem:s4+$0x18] =	vst v3  }
0xf1: {  	v2 =	vld.idx.msk [tilespmem:v2+s0+$0x0], $0xffff  }
0xf2: {  	v3 =	vld [tilespmem:s1+$0x10];
	_ =	sdelay $0x4  }
0xf3: {  	v3 =	vmul.f32 v3, v2  }
0xf4: {  	v1 =	vmul.f32 v1, v2  }
0xf5: {  	v5 =	vld [tilespmem:s1+$0x0];
	[tilespmem:s1+$0x10] =	vst v3  }
0xf6: {  	[tilespmem:s1+$0xFFFFFFF0] =	vst v1;
	v1 =	vld [tilespmem:s1+$0x18];
	_ =	sdelay $0x2  }
0xf7: {  	v4 =	vmul.f32 v4, v2  }
0xf8: {  	v3 =	vmul.f32 v5, v2;
	v2 =	vsel vm0, $0x3F800000, v2  }
0xf9: {  	[tilespmem:s1+$0xFFFFFFE0] =	vst v4;
	v1 =	vmul.f32 v1, v2  }
0xfa: {  	[tilespmem:s1+$0x0] =	vst v3  }
0xfb: {  	[tilespmem:s1+$0x18] =	vst v1  }
0xfc: {  	v1 =	vld [tilespmem:$0x7580]  }
0xfd: {  	v2 =	vld [tilespmem:$0x7590]  }
0xfe: {  	v3 =	vld [tilespmem:$0x75A0]  }
0xff: {  	v4 =	vld [tilespmem:$0x75B0]  }
0x100: {  	v63 =	vld [tilespmem:$0x75C0]  }
0x101: {  	[tilespmem:$0xF140] =	vst v1  }
0x102: {  	[tilespmem:$0xF150] =	vst v2  }
0x103: {  	[tilespmem:$0xF160] =	vst v3  }
0x104: {  	[tilespmem:$0xF170] =	vst v4  }
0x105: {  	s18 =	simm.s32 $0x1;
	s19 =	simm.s32 $0xA0;
	s8 =	simm.s32 $0xF0;
	[tilespmem:$0xF180] =	vst v63  }
0x106: {  	[spmem:s3] =	stream.indirect.scatter.add.f32 [tilespmem:s30], [sflag:$0x4], $0x48, s2, s26, $0xb8;
	[tilespmem:$0x1A350] =	vst v63  }
.LBB2_10:
0x107: {  	_ =	swait.ge [sflag:s6], $0x1680  }
0x108: {  	s15 =	smul.u32 $0xA0, s18;
	[sflag:s6] =	ssyncset.done $0x0  }
0x109: {  	[sflag:s6] =	ssyncadd.s32 $0xFFFFE980  }
0x10a: {  	v1 =	vld [tilespmem:s15+$0x4E20];
	_ =	sdelay $0x4  }
0x10b: {  	[tilespmem:$0xF050] =	vst v1  }
0x10c: {  	v1 =	vld [tilespmem:s15+$0x4E30];
	_ =	sdelay $0x4  }
0x10d: {  	[tilespmem:$0xF060] =	vst v1  }
0x10e: {  	v1 =	vld [tilespmem:s15+$0x4E40];
	_ =	sdelay $0x4  }
0x10f: {  	[tilespmem:$0xF070] =	vst v1  }
0x110: {  	v1 =	vld [tilespmem:s15+$0x4E50];
	_ =	sdelay $0x4  }
0x111: {  	[tilespmem:$0xF080] =	vst v1  }
0x112: {  	v1 =	vld [tilespmem:s15+$0x4E60];
	_ =	sdelay $0x4  }
0x113: {  	s4 =	rddreg [dreg:$0x0];
	[tilespmem:$0xF090] =	vst v1  }
0x114: {  	[tilespmem:s25], [sflag:$0x1] =	stream.indirect.gather [hbm4b:s4+s26], $0x48, s28, s26, $0xb8;
	[tilespmem:$0x1A350] =	vst v63  }
0x115: {  	_ =	swait.ge [sflag:s7], $0x1680  }
0x116: {  	[sflag:s7] =	ssyncset.done $0x0  }
0x117: {  	[sflag:s7] =	ssyncadd.s32 $0xFFFFE980  }
0x118: {  	v1 =	vld [tilespmem:s15+$0x4E70];
	_ =	sdelay $0x4  }
0x119: {  	[tilespmem:$0xF0A0] =	vst v1  }
0x11a: {  	v1 =	vld [tilespmem:s15+$0x4E80];
	_ =	sdelay $0x4  }
0x11b: {  	[tilespmem:$0xF0B0] =	vst v1  }
0x11c: {  	v1 =	vld [tilespmem:s15+$0x4E90];
	_ =	sdelay $0x4  }
0x11d: {  	[tilespmem:$0xF0C0] =	vst v1  }
0x11e: {  	v1 =	vld [tilespmem:s15+$0x4EA0];
	_ =	sdelay $0x4  }
0x11f: {  	[tilespmem:$0xF0D0] =	vst v1  }
0x120: {  	v1 =	vld [tilespmem:s15+$0x4EB0];
	_ =	sdelay $0x3  }
0x121: {  	s1 =	sadd.s32 $0x0, s19  }
0x122: {  	s29 =	simm.s32 $0xF0A0;
	[tilespmem:$0xF0E0] =	vst v1;
	v1 =	vmov s1  }
0x123: {  	[tilespmem:s30], [sflag:$0x2] =	stream.indirect.gather [hbm4b:s4+s26], $0x48, s29, s26, $0xb8;
	[tilespmem:$0x1A350] =	vst v63  }
0x124: {  	_ =	swait.ge [sflag:s31], $0x1680  }
0x125: {  	[sflag:s31] =	ssyncset.done $0x0  }
0x126: {  	[sflag:s31] =	ssyncadd.s32 $0xFFFFE980  }
0x127: {  	s9 =	simm.s32 $0xC370;
	v1 =	vld.idx.msk [tilespmem:v1+s0+$0x0], $0xffff  }
0x128: {  	v2 =	vld [tilespmem:s9+$0x10]  }
0x129: {  	v3 =	vld [tilespmem:s9+$0xFFFFFFF0];
	_ =	sdelay $0x2  }
0x12a: {  	v4 =	vld [tilespmem:s9+$0xFFFFFFE0]  }
0x12b: {  	v2 =	vmul.f32 v2, v1  }
0x12c: {  	v5 =	vld [tilespmem:s9+$0x0];
	v3 =	vmul.f32 v3, v1  }
0x12d: {  	[tilespmem:s9+$0x10] =	vst v2  }
0x12e: {  	[tilespmem:s9+$0xFFFFFFF0] =	vst v3;
	v3 =	vld [tilespmem:s9+$0x18]  }
0x12f: {  	v2 =	vmul.f32 v4, v1  }
0x130: {  	s22 =	sadd.s32 $0x1, s19  }
0x131: {  	s10 =	sor.u32 $0x10, s15;
	s16 =	sadd.s32 $0x30, s15;
	v4 =	vmul.f32 v5, v1;
	[tilespmem:s9+$0xFFFFFFE0] =	vst v2;
	v2 =	vmov s22  }
0x132: {  	s17 =	sadd.s32 $0x40, s15;
	s12 =	sadd.s32 $0x50, s15;
	s11 =	sadd.s32 $0x60, s15;
	v1 =	vsel vm0, $0x3F800000, v1  }
0x133: {  	s20 =	sadd.s32 $0x70, s15;
	s14 =	sadd.s32 $0x80, s15;
	s1 =	simm.s32 $0xC3B8;
	[tilespmem:s9+$0x0] =	vst v4;
	v3 =	vmul.f32 v3, v1  }
0x134: {  	s13 =	sadd.s32 $0x90, s15;
	s4 =	sadd.s32 $0x20, s15;
	s22 =	simm.s32 $0x2;
	v1 =	vld [tilespmem:s1+$0xFFFFFFF0]  }
.LBB2_11:
0x135: {  	p0 =	sne.s32 s22, $0x4F;
	v4 =	vld [tilespmem:s1+$0xFFFFFFE0];
	[tilespmem:s9+$0x18] =	vst v3;
	s29 =	smov.u32 s22;
	s22 =	sadd.s32 $0x1, s22  }
0x136: {  	s9 =	smov.u32 s1;
	v3 =	vld.idx.msk [tilespmem:v2+s0+$0x0], $0xffff  }
0x137: {  	v2 =	vld [tilespmem:s1+$0x10]  }
0x138: {  	v5 =	vld [tilespmem:s1+$0x0];
	_ =	sdelay $0x3  }
0x139: {  	v4 =	vmul.f32 v4, v3;
	v2 =	vmul.f32 v2, v3  }
0x13a: {  	v1 =	vmul.f32 v1, v3;
	v5 =	vmul.f32 v5, v3  }
0x13b: {  	[tilespmem:s1+$0x10] =	vst v2  }
0x13c: {  	[tilespmem:s1+$0xFFFFFFF0] =	vst v1;
	v1 =	vld [tilespmem:s1+$0x18]  }
0x13d: {  	[tilespmem:s1+$0xFFFFFFE0] =	vst v4  }
.Ltmp5:
0x13e: {  	s29 =	sadd.s32 s29, s19;
	[tilespmem:s1+$0x0] =	vst v5;
	(pc) =	sbr.rel @p0 .LBB2_11-.Ltmp5, $4  }
0x13f: {  	v2 =	vmov s29  }
0x140: {  	v3 =	vsel vm0, $0x3F800000, v3  }
0x141: {  	s1 =	sadd.s32 $0x48, s1;
	v3 =	vmul.f32 v1, v3  }
0x142: {  	v1 =	vld [tilespmem:s1+$0xFFFFFFF0]  }
0x143: {  	_ =	sdelay $0x2  }
0x144: {  	v4 =	vld [tilespmem:s1+$0xFFFFFFE0];
	[tilespmem:s9+$0x18] =	vst v3  }
0x145: {  	v2 =	vld.idx.msk [tilespmem:v2+s0+$0x0], $0xffff  }
0x146: {  	v3 =	vld [tilespmem:s1+$0x10];
	_ =	sdelay $0x4  }
0x147: {  	v3 =	vmul.f32 v3, v2  }
0x148: {  	v1 =	vmul.f32 v1, v2  }
0x149: {  	v5 =	vld [tilespmem:s1+$0x0];
	[tilespmem:s1+$0x10] =	vst v3  }
0x14a: {  	[tilespmem:s1+$0xFFFFFFF0] =	vst v1;
	v1 =	vld [tilespmem:s1+$0x18];
	_ =	sdelay $0x2  }
0x14b: {  	v3 =	vmul.f32 v4, v2  }
0x14c: {  	v4 =	vmul.f32 v5, v2;
	v2 =	vsel vm0, $0x3F800000, v2  }
0x14d: {  	[tilespmem:s1+$0xFFFFFFE0] =	vst v3;
	v1 =	vmul.f32 v1, v2  }
0x14e: {  	[tilespmem:s1+$0x0] =	vst v4  }
0x14f: {  	[tilespmem:s1+$0x18] =	vst v1  }
0x150: {  	v1 =	vld [tilespmem:s15+$0x7530];
	_ =	sdelay $0x4  }
0x151: {  	[tilespmem:$0xF0F0] =	vst v1  }
0x152: {  	v1 =	vld [tilespmem:s10+$0x7530];
	_ =	sdelay $0x4  }
0x153: {  	[tilespmem:$0xF100] =	vst v1  }
0x154: {  	v1 =	vld [tilespmem:s4+$0x7530];
	_ =	sdelay $0x4  }
0x155: {  	[tilespmem:$0xF110] =	vst v1  }
0x156: {  	v1 =	vld [tilespmem:s16+$0x7530];
	_ =	sdelay $0x4  }
0x157: {  	[tilespmem:$0xF120] =	vst v1  }
0x158: {  	v1 =	vld [tilespmem:s17+$0x7530];
	_ =	sdelay $0x3  }
0x159: {  	s22 =	sadd.s32 $0x0, s8  }
0x15a: {  	[tilespmem:$0xF130] =	vst v1;
	v1 =	vmov s22  }
0x15b: {  	[spmem:s3] =	stream.indirect.scatter.add.f32 [tilespmem:s25], [sflag:$0x3], $0x48, s21, s26, $0xb8;
	[tilespmem:$0x1A350] =	vst v63  }
0x15c: {  	_ =	swait.ge [sflag:s23], $0x1680  }
0x15d: {  	[sflag:s23] =	ssyncset.done $0x0  }
0x15e: {  	[sflag:s23] =	ssyncadd.s32 $0xFFFFE980  }
0x15f: {  	s4 =	simm.s32 $0xD9F0;
	v1 =	vld.idx.msk [tilespmem:v1+s0+$0x0], $0xffff  }
0x160: {  	v2 =	vld [tilespmem:s4+$0x10]  }
0x161: {  	v3 =	vld [tilespmem:s4+$0xFFFFFFF0];
	_ =	sdelay $0x2  }
0x162: {  	v4 =	vld [tilespmem:s4+$0xFFFFFFE0]  }
0x163: {  	v2 =	vmul.f32 v2, v1  }
0x164: {  	v5 =	vld [tilespmem:s4+$0x0];
	v3 =	vmul.f32 v3, v1  }
0x165: {  	[tilespmem:s4+$0x10] =	vst v2  }
0x166: {  	[tilespmem:s4+$0xFFFFFFF0] =	vst v3;
	v3 =	vld [tilespmem:s4+$0x18]  }
0x167: {  	v2 =	vmul.f32 v4, v1  }
0x168: {  	s29 =	sadd.s32 $0x1, s8  }
0x169: {  	v4 =	vmul.f32 v5, v1;
	[tilespmem:s4+$0xFFFFFFE0] =	vst v2;
	v2 =	vmov s29  }
0x16a: {  	v1 =	vsel vm0, $0x3F800000, v1  }
0x16b: {  	s1 =	simm.s32 $0xDA38;
	[tilespmem:s4+$0x0] =	vst v4;
	v3 =	vmul.f32 v3, v1  }
0x16c: {  	s9 =	simm.s32 $0x2;
	v1 =	vld [tilespmem:s1+$0xFFFFFFF0]  }
.LBB2_13:
0x16d: {  	p0 =	sne.s32 s9, $0x4F;
	v4 =	vld [tilespmem:s1+$0xFFFFFFE0];
	[tilespmem:s4+$0x18] =	vst v3;
	s10 =	smov.u32 s9;
	s9 =	sadd.s32 $0x1, s9  }
0x16e: {  	s4 =	smov.u32 s1;
	v3 =	vld.idx.msk [tilespmem:v2+s0+$0x0], $0xffff  }
0x16f: {  	v2 =	vld [tilespmem:s1+$0x10]  }
0x170: {  	v5 =	vld [tilespmem:s1+$0x0];
	_ =	sdelay $0x3  }
0x171: {  	v4 =	vmul.f32 v4, v3;
	v2 =	vmul.f32 v2, v3  }
0x172: {  	v1 =	vmul.f32 v1, v3;
	v5 =	vmul.f32 v5, v3  }
0x173: {  	[tilespmem:s1+$0x10] =	vst v2  }
0x174: {  	[tilespmem:s1+$0xFFFFFFF0] =	vst v1;
	v1 =	vld [tilespmem:s1+$0x18]  }
0x175: {  	[tilespmem:s1+$0xFFFFFFE0] =	vst v4  }
.Ltmp6:
0x176: {  	s10 =	sadd.s32 s10, s8;
	[tilespmem:s1+$0x0] =	vst v5;
	(pc) =	sbr.rel @p0 .LBB2_13-.Ltmp6, $4  }
0x177: {  	v2 =	vmov s10  }
0x178: {  	v3 =	vsel vm0, $0x3F800000, v3  }
0x179: {  	s1 =	sadd.s32 $0x48, s1;
	v3 =	vmul.f32 v1, v3  }
0x17a: {  	v1 =	vld [tilespmem:s1+$0xFFFFFFF0]  }
0x17b: {  	_ =	sdelay $0x2  }
0x17c: {  	v4 =	vld [tilespmem:s1+$0xFFFFFFE0];
	[tilespmem:s4+$0x18] =	vst v3  }
0x17d: {  	v2 =	vld.idx.msk [tilespmem:v2+s0+$0x0], $0xffff  }
0x17e: {  	v3 =	vld [tilespmem:s1+$0x10];
	_ =	sdelay $0x4  }
0x17f: {  	v3 =	vmul.f32 v3, v2  }
0x180: {  	v5 =	vld [tilespmem:s1+$0x0];
	v1 =	vmul.f32 v1, v2  }
0x181: {  	[tilespmem:s1+$0x10] =	vst v3  }
0x182: {  	[tilespmem:s1+$0xFFFFFFF0] =	vst v1;
	v1 =	vld [tilespmem:s1+$0x18];
	_ =	sdelay $0x2  }
0x183: {  	v63 =	vmul.f32 v5, v2  }
0x184: {  	v3 =	vmul.f32 v4, v2;
	v2 =	vsel vm0, $0x3F800000, v2  }
0x185: {  	[tilespmem:s1+$0x0] =	vst v63;
	v1 =	vmul.f32 v1, v2  }
0x186: {  	[tilespmem:s1+$0xFFFFFFE0] =	vst v3  }
0x187: {  	[tilespmem:s1+$0x18] =	vst v1  }
0x188: {  	v1 =	vld [tilespmem:s12+$0x7530];
	_ =	sdelay $0x4  }
0x189: {  	[tilespmem:$0xF140] =	vst v1  }
0x18a: {  	v1 =	vld [tilespmem:s11+$0x7530];
	_ =	sdelay $0x4  }
0x18b: {  	[tilespmem:$0xF150] =	vst v1  }
0x18c: {  	v1 =	vld [tilespmem:s20+$0x7530];
	_ =	sdelay $0x4  }
0x18d: {  	[tilespmem:$0xF160] =	vst v1  }
0x18e: {  	v1 =	vld [tilespmem:s14+$0x7530];
	_ =	sdelay $0x4  }
0x18f: {  	[tilespmem:$0xF170] =	vst v1  }
0x190: {  	s18 =	sadd.s32 $0x1, s18;
	v1 =	vld [tilespmem:s13+$0x7530]  }
0x191: {  	p0 =	sne.s32 s18, $0x3E  }
.Ltmp7:
0x192: {  	_ = 	snop;
	(pc) =	sbr.rel @p0 .LBB2_10-.Ltmp7, $3  }
0x193: {  	_ =	sdelay $0x1  }
0x194: {  	s19 =	sadd.s32 $0xA0, s19;
	s8 =	sadd.s32 $0xA0, s8;
	[tilespmem:$0xF180] =	vst v1  }
0x195: {  	[spmem:s3] =	stream.indirect.scatter.add.f32 [tilespmem:s30], [sflag:$0x4], $0x48, s2, s26, $0xb8;
	[tilespmem:$0x1A350] =	vst v63  }
0x196: {  	_ =	swait.ge [sflag:s6], $0x1680  }
0x197: {  	[sflag:s6] =	ssyncset.done $0x0  }
0x198: {  	[sflag:s6] =	ssyncadd.s32 $0xFFFFE980  }
0x199: {  	v1 =	vld [tilespmem:$0x74E0]  }
0x19a: {  	v2 =	vld [tilespmem:$0x74F0]  }
0x19b: {  	v3 =	vld [tilespmem:$0x7500]  }
0x19c: {  	v4 =	vld [tilespmem:$0x7510]  }
0x19d: {  	v5 =	vld [tilespmem:$0x7520]  }
0x19e: {  	[tilespmem:$0xF050] =	vst v1  }
0x19f: {  	[tilespmem:$0xF060] =	vst v2  }
0x1a0: {  	[tilespmem:$0xF070] =	vst v3  }
0x1a1: {  	s1 =	simm.s32 $0x26C0;
	[tilespmem:$0xF080] =	vst v4  }
0x1a2: {  	s29 =	rddreg [dreg:$0x0];
	[tilespmem:$0xF090] =	vst v5;
	v1 =	vmov s1  }
0x1a3: {  	[tilespmem:s25], [sflag:$0x1] =	stream.indirect.gather [hbm4b:s29+s26], $0x48, s28, s26, $0xb8;
	[tilespmem:$0x1A350] =	vst v63  }
0x1a4: {  	_ =	swait.ge [sflag:s31], $0x1680  }
0x1a5: {  	[sflag:s31] =	ssyncset.done $0x0  }
0x1a6: {  	[sflag:s31] =	ssyncadd.s32 $0xFFFFE980  }
0x1a7: {  	s4 =	simm.s32 $0xC370;
	v1 =	vld.idx.msk [tilespmem:v1+s0+$0x0], $0xffff  }
0x1a8: {  	v2 =	vld [tilespmem:s4+$0x10]  }
0x1a9: {  	v3 =	vld [tilespmem:s4+$0xFFFFFFF0];
	_ =	sdelay $0x2  }
0x1aa: {  	v4 =	vld [tilespmem:s4+$0x0]  }
0x1ab: {  	v2 =	vmul.f32 v2, v1  }
0x1ac: {  	v5 =	vld [tilespmem:s4+$0xFFFFFFE0];
	v3 =	vmul.f32 v3, v1  }
0x1ad: {  	[tilespmem:s4+$0x10] =	vst v2  }
0x1ae: {  	[tilespmem:s4+$0xFFFFFFF0] =	vst v3;
	v3 =	vld [tilespmem:s4+$0x18]  }
0x1af: {  	v2 =	vmul.f32 v4, v1  }
0x1b0: {  	s8 =	simm.s32 $0x26C1  }
0x1b1: {  	v4 =	vmul.f32 v5, v1;
	[tilespmem:s4+$0x0] =	vst v2;
	v2 =	vmov s8  }
0x1b2: {  	v1 =	vsel vm0, $0x3F800000, v1  }
0x1b3: {  	s1 =	simm.s32 $0xC3B8;
	[tilespmem:s4+$0xFFFFFFE0] =	vst v4;
	v3 =	vmul.f32 v3, v1  }
0x1b4: {  	s8 =	simm.s32 $0x26C2;
	v1 =	vld [tilespmem:s1+$0xFFFFFFF0]  }
.LBB2_16:
0x1b5: {  	p0 =	sne.s32 s8, $0x270F;
	v4 =	vld [tilespmem:s1+$0xFFFFFFE0];
	[tilespmem:s4+$0x18] =	vst v3;
	s9 =	smov.u32 s8;
	s8 =	sadd.s32 $0x1, s8  }
0x1b6: {  	s4 =	smov.u32 s1;
	v3 =	vld.idx.msk [tilespmem:v2+s0+$0x0], $0xffff  }
0x1b7: {  	v2 =	vld [tilespmem:s1+$0x10]  }
0x1b8: {  	v5 =	vld [tilespmem:s1+$0x0];
	_ =	sdelay $0x3  }
0x1b9: {  	v4 =	vmul.f32 v4, v3;
	v2 =	vmul.f32 v2, v3  }
0x1ba: {  	v1 =	vmul.f32 v1, v3;
	v5 =	vmul.f32 v5, v3  }
0x1bb: {  	[tilespmem:s1+$0x10] =	vst v2  }
0x1bc: {  	[tilespmem:s1+$0xFFFFFFF0] =	vst v1;
	v1 =	vld [tilespmem:s1+$0x18]  }
0x1bd: {  	[tilespmem:s1+$0x0] =	vst v5  }
.Ltmp8:
0x1be: {  	[tilespmem:s1+$0xFFFFFFE0] =	vst v4;
	(pc) =	sbr.rel @p0 .LBB2_16-.Ltmp8, $4  }
0x1bf: {  	v2 =	vmov s9  }
0x1c0: {  	v3 =	vsel vm0, $0x3F800000, v3  }
0x1c1: {  	s1 =	sadd.s32 $0x48, s1;
	v3 =	vmul.f32 v1, v3  }
0x1c2: {  	v1 =	vld [tilespmem:s1+$0xFFFFFFF0]  }
0x1c3: {  	_ =	sdelay $0x2  }
0x1c4: {  	v4 =	vld [tilespmem:s1+$0xFFFFFFE0];
	[tilespmem:s4+$0x18] =	vst v3  }
0x1c5: {  	v2 =	vld.idx.msk [tilespmem:v2+s0+$0x0], $0xffff  }
0x1c6: {  	v3 =	vld [tilespmem:s1+$0x10];
	_ =	sdelay $0x4  }
0x1c7: {  	v3 =	vmul.f32 v3, v2  }
0x1c8: {  	v1 =	vmul.f32 v1, v2  }
0x1c9: {  	v5 =	vld [tilespmem:s1+$0x0];
	[tilespmem:s1+$0x10] =	vst v3  }
0x1ca: {  	[tilespmem:s1+$0xFFFFFFF0] =	vst v1;
	v1 =	vld [tilespmem:s1+$0x18];
	_ =	sdelay $0x2  }
0x1cb: {  	v4 =	vmul.f32 v4, v2  }
0x1cc: {  	v3 =	vmul.f32 v5, v2;
	v2 =	vsel vm0, $0x3F800000, v2  }
0x1cd: {  	[tilespmem:s1+$0xFFFFFFE0] =	vst v4;
	v1 =	vmul.f32 v1, v2  }
0x1ce: {  	[tilespmem:s1+$0x0] =	vst v3  }
0x1cf: {  	[tilespmem:s1+$0x18] =	vst v1  }
0x1d0: {  	v1 =	vld [tilespmem:$0x9BF0]  }
0x1d1: {  	v2 =	vld [tilespmem:$0x9C00]  }
0x1d2: {  	v3 =	vld [tilespmem:$0x9C10]  }
0x1d3: {  	v4 =	vld [tilespmem:$0x9C20]  }
0x1d4: {  	v63 =	vld [tilespmem:$0x9C30]  }
0x1d5: {  	[tilespmem:$0xF0F0] =	vst v1  }
0x1d6: {  	[tilespmem:$0xF100] =	vst v2  }
0x1d7: {  	[tilespmem:$0xF110] =	vst v3  }
0x1d8: {  	[tilespmem:$0xF120] =	vst v4  }
0x1d9: {  	[tilespmem:$0xF130] =	vst v63  }
0x1da: {  	[spmem:s3] =	stream.indirect.scatter.add.f32 [tilespmem:s25], [sflag:$0x3], $0x48, s21, s26, $0xb8;
	[tilespmem:$0x1A350] =	vst v63  }
0x1db: {  	_ =	swait.ge [sflag:s6], $0x1680  }
0x1dc: {  	[sflag:s6] =	ssyncset.done $0x0  }
0x1dd: {  	[sflag:s6] =	ssyncadd.s32 $0xFFFFE980  }
0x1de: {  	_ =	swait.ge [sflag:s7], $0x1680  }
0x1df: {  	[sflag:s7] =	ssyncset.done $0x0  }
0x1e0: {  	[sflag:s7] =	ssyncadd.s32 $0xFFFFE980  }
0x1e1: {  	s19 =	stileid.u32;
	[bflag:$0x0] =	sbarrier.arrive $0xFFFF  }
0x1e2: {  	s1 =	sshll.u32 s19, $0x6;
	s22 =	rddreg [dreg:$0x8]  }
0x1e3: {  	s20 =	sor.u32 $0x1C05, s1;
	s29 =	rddreg [dreg:$0x10]  }
0x1e4: {  	[dreg:$0x14] =	wrdreg s20;
	s8 =	sshrl.u32 s22, $0x3  }
0x1e5: {  	s9 =	simm.s32 $0x5;
	[dreg:$0x15] =	wrdreg s8  }
0x1e6: {  	[hbm:s29], [sflag:s20] =	dma.local [spmem:s8], $0x1638  }
0x1e7: {  	_ =	swait.ge [sflag:s9], $0x1638  }
0x1e8: {  	[sflag:s9] =	ssyncset.done $0x0  }
0x1e9: {  	[sflag:s9] =	ssyncadd.s32 $0xFFFFE9C8  }
0x1ea: {  	s1 =	simm.s32 $0x0;
	[bflag:$0x0] =	sbarrier.arrive $0xFFFF  }
0x1eb: {  	s4 =	simm.s32 $0x120;
	[tilespmem:s1+$0xC370] =	vst v0  }
.LBB2_18:
0x1ec: {  	p0 =	sne.s32 s4, $0x58E0;
	[tilespmem:s1+$0xC360] =	vst v0;
	s8 =	smov.u32 s4;
	s4 =	sadd.s32 $0x120, s4  }
.Ltmp9:
0x1ed: {  	[tilespmem:s1+$0xC380] =	vst v0;
	(pc) =	sbr.rel @p0 .LBB2_18-.Ltmp9, $4  }
0x1ee: {  	[tilespmem:s1+$0xC388] =	vst v0  }
0x1ef: {  	[tilespmem:s1+$0xC350] =	vst v0  }
0x1f0: {  	s1 =	sshra.s32 s8, $0x2  }
0x1f1: {  	[tilespmem:s1+$0xC370] =	vst v0  }
0x1f2: {  	[tilespmem:s1+$0xC360] =	vst v0  }
0x1f3: {  	[tilespmem:s1+$0xC380] =	vst v0  }
0x1f4: {  	[tilespmem:s1+$0xC350] =	vst v0  }
0x1f5: {  	s13 =	rddreg [dreg:$0x8];
	[tilespmem:s1+$0xC388] =	vst v0  }
0x1f6: {  	[spmem:s13] =	stream.linear.scatter [tilespmem:s25], [sflag:$0x5], $0x1680, $0x38;
	[tilespmem:$0x1A350] =	vst v63  }
0x1f7: {  	_ =	swait.ge [sflag:s9], $0x1680  }
0x1f8: {  	[sflag:s9] =	ssyncset.done $0x0  }
0x1f9: {  	s14 =	rddreg [dreg:$0x9];
	[sflag:s9] =	ssyncadd.s32 $0xFFFFE980  }
0x1fa: {  	[spmem:s14] =	stream.linear.scatter [tilespmem:s25], [sflag:$0x5], $0x1680, $0x38;
	[tilespmem:$0x1A350] =	vst v63  }
0x1fb: {  	_ =	swait.ge [sflag:s9], $0x1680  }
0x1fc: {  	[sflag:s9] =	ssyncset.done $0x0  }
0x1fd: {  	s15 =	rddreg [dreg:$0xa];
	[sflag:s9] =	ssyncadd.s32 $0xFFFFE980  }
0x1fe: {  	[spmem:s15] =	stream.linear.scatter [tilespmem:s25], [sflag:$0x5], $0x1680, $0x38;
	[tilespmem:$0x1A350] =	vst v63  }
0x1ff: {  	_ =	swait.ge [sflag:s9], $0x1680  }
0x200: {  	[sflag:s9] =	ssyncset.done $0x0  }
0x201: {  	s16 =	rddreg [dreg:$0xb];
	[sflag:s9] =	ssyncadd.s32 $0xFFFFE980  }
0x202: {  	[spmem:s16] =	stream.linear.scatter [tilespmem:s25], [sflag:$0x5], $0x1680, $0x38;
	[tilespmem:$0x1A350] =	vst v63  }
0x203: {  	_ =	swait.ge [sflag:s9], $0x1680  }
0x204: {  	[sflag:s9] =	ssyncset.done $0x0  }
0x205: {  	s17 =	rddreg [dreg:$0xc];
	[sflag:s9] =	ssyncadd.s32 $0xFFFFE980  }
0x206: {  	[spmem:s17] =	stream.linear.scatter [tilespmem:s25], [sflag:$0x5], $0x1680, $0x38;
	[tilespmem:$0x1A350] =	vst v63  }
0x207: {  	_ =	swait.ge [sflag:s9], $0x1680  }
0x208: {  	[sflag:s9] =	ssyncset.done $0x0  }
0x209: {  	s18 =	rddreg [dreg:$0xd];
	[sflag:s9] =	ssyncadd.s32 $0xFFFFE980  }
0x20a: {  	[spmem:s18] =	stream.linear.scatter [tilespmem:s25], [sflag:$0x5], $0x1680, $0x38;
	[tilespmem:$0x1A350] =	vst v63  }
0x20b: {  	_ =	swait.ge [sflag:s9], $0x1680  }
0x20c: {  	[sflag:s9] =	ssyncset.done $0x0  }
0x20d: {  	s19 =	rddreg [dreg:$0xe];
	[sflag:s9] =	ssyncadd.s32 $0xFFFFE980  }
0x20e: {  	[spmem:s19] =	stream.linear.scatter [tilespmem:s25], [sflag:$0x5], $0x1680, $0x38;
	[tilespmem:$0x1A350] =	vst v63  }
0x20f: {  	_ =	swait.ge [sflag:s9], $0x1680  }
0x210: {  	[sflag:s9] =	ssyncset.done $0x0  }
0x211: {  	s20 =	rddreg [dreg:$0xf];
	[sflag:s9] =	ssyncadd.s32 $0xFFFFE980  }
0x212: {  	[spmem:s20] =	stream.linear.scatter [tilespmem:s25], [sflag:$0x5], $0x1440, $0x38;
	[tilespmem:$0x1A350] =	vst v63  }
0x213: {  	_ =	swait.ge [sflag:s9], $0x1440  }
0x214: {  	[sflag:s9] =	ssyncset.done $0x0  }
0x215: {  	[sflag:s9] =	ssyncadd.s32 $0xFFFFEBC0  }
0x216: {  	[bflag:$0x0] =	sbarrier.arrive $0xFFFF  }
0x217: {  	v1 =	vld [tilespmem:$0x4E20]  }
0x218: {  	v2 =	vld [tilespmem:$0x4E30]  }
0x219: {  	v3 =	vld [tilespmem:$0x4E40]  }
0x21a: {  	v4 =	vld [tilespmem:$0x4E50]  }
0x21b: {  	v5 =	vld [tilespmem:$0x4E60]  }
0x21c: {  	[tilespmem:$0xF050] =	vst v1  }
0x21d: {  	[tilespmem:$0xF060] =	vst v2  }
0x21e: {  	[tilespmem:$0xF070] =	vst v3  }
0x21f: {  	[tilespmem:$0xF080] =	vst v4  }
0x220: {  	[tilespmem:$0xF090] =	vst v5  }
0x221: {  	[tilespmem:s25], [sflag:$0x1] =	stream.indirect.gather [hbm4b:s5+s26], $0x48, s28, s26, $0xb8;
	[tilespmem:$0x1A350] =	vst v63  }
0x222: {  	v1 =	vld [tilespmem:$0x4E70]  }
0x223: {  	v2 =	vld [tilespmem:$0x4E80]  }
0x224: {  	v3 =	vld [tilespmem:$0x4E90]  }
0x225: {  	v4 =	vld [tilespmem:$0x4EA0]  }
0x226: {  	v5 =	vld [tilespmem:$0x4EB0]  }
0x227: {  	[tilespmem:$0xF0A0] =	vst v1  }
0x228: {  	[tilespmem:$0xF0B0] =	vst v2  }
0x229: {  	[tilespmem:$0xF0C0] =	vst v3  }
0x22a: {  	s22 =	simm.s32 $0x0;
	[tilespmem:$0xF0D0] =	vst v4  }
0x22b: {  	s29 =	simm.s32 $0xF0A0;
	[tilespmem:$0xF0E0] =	vst v5;
	v1 =	vmov s22  }
0x22c: {  	[tilespmem:s30], [sflag:$0x2] =	stream.indirect.gather [hbm4b:s5+s26], $0x48, s29, s26, $0xb8;
	[tilespmem:$0x1A350] =	vst v63  }
0x22d: {  	_ =	swait.ge [sflag:s31], $0x1680  }
0x22e: {  	[sflag:s31] =	ssyncset.done $0x0  }
0x22f: {  	[sflag:s31] =	ssyncadd.s32 $0xFFFFE980  }
0x230: {  	s4 =	simm.s32 $0xC370;
	v1 =	vld.idx.msk [tilespmem:v1+s0+$0x0], $0xffff  }
0x231: {  	v2 =	vld [tilespmem:s4+$0x10]  }
0x232: {  	v3 =	vld [tilespmem:s4+$0xFFFFFFF0];
	_ =	sdelay $0x2  }
0x233: {  	v4 =	vld [tilespmem:s4+$0x0]  }
0x234: {  	v2 =	vmul.f32 v2, v1  }
0x235: {  	v5 =	vld [tilespmem:s4+$0xFFFFFFE0];
	v3 =	vmul.f32 v3, v1  }
0x236: {  	[tilespmem:s4+$0x10] =	vst v2  }
0x237: {  	[tilespmem:s4+$0xFFFFFFF0] =	vst v3;
	v3 =	vld [tilespmem:s4+$0x18]  }
0x238: {  	v2 =	vmul.f32 v4, v1  }
0x239: {  	s8 =	simm.s32 $0x1  }
0x23a: {  	v4 =	vmul.f32 v5, v1;
	[tilespmem:s4+$0x0] =	vst v2;
	v2 =	vmov s8  }
0x23b: {  	v1 =	vsel vm0, $0x3F800000, v1  }
0x23c: {  	s1 =	simm.s32 $0xC3B8;
	[tilespmem:s4+$0xFFFFFFE0] =	vst v4;
	v3 =	vmul.f32 v3, v1  }
0x23d: {  	s8 =	simm.s32 $0x2;
	v1 =	vld [tilespmem:s1+$0xFFFFFFF0]  }
.LBB2_20:
0x23e: {  	p0 =	sne.s32 s8, $0x4F;
	v4 =	vld [tilespmem:s1+$0xFFFFFFE0];
	[tilespmem:s4+$0x18] =	vst v3;
	s9 =	smov.u32 s8;
	s8 =	sadd.s32 $0x1, s8  }
0x23f: {  	s4 =	smov.u32 s1;
	v3 =	vld.idx.msk [tilespmem:v2+s0+$0x0], $0xffff  }
0x240: {  	v2 =	vld [tilespmem:s1+$0x10]  }
0x241: {  	v5 =	vld [tilespmem:s1+$0x0];
	_ =	sdelay $0x3  }
0x242: {  	v4 =	vmul.f32 v4, v3;
	v2 =	vmul.f32 v2, v3  }
0x243: {  	v1 =	vmul.f32 v1, v3;
	v5 =	vmul.f32 v5, v3  }
0x244: {  	[tilespmem:s1+$0x10] =	vst v2  }
0x245: {  	[tilespmem:s1+$0xFFFFFFF0] =	vst v1;
	v1 =	vld [tilespmem:s1+$0x18]  }
0x246: {  	[tilespmem:s1+$0x0] =	vst v5  }
.Ltmp10:
0x247: {  	[tilespmem:s1+$0xFFFFFFE0] =	vst v4;
	(pc) =	sbr.rel @p0 .LBB2_20-.Ltmp10, $4  }
0x248: {  	v2 =	vmov s9  }
0x249: {  	v3 =	vsel vm0, $0x3F800000, v3  }
0x24a: {  	s1 =	sadd.s32 $0x48, s1;
	v3 =	vmul.f32 v1, v3  }
0x24b: {  	v1 =	vld [tilespmem:s1+$0xFFFFFFF0]  }
0x24c: {  	_ =	sdelay $0x2  }
0x24d: {  	v4 =	vld [tilespmem:s1+$0xFFFFFFE0];
	[tilespmem:s4+$0x18] =	vst v3  }
0x24e: {  	v2 =	vld.idx.msk [tilespmem:v2+s0+$0x0], $0xffff  }
0x24f: {  	v3 =	vld [tilespmem:s1+$0x10];
	_ =	sdelay $0x4  }
0x250: {  	v3 =	vmul.f32 v3, v2  }
0x251: {  	v1 =	vmul.f32 v1, v2  }
0x252: {  	v5 =	vld [tilespmem:s1+$0x0];
	[tilespmem:s1+$0x10] =	vst v3  }
0x253: {  	[tilespmem:s1+$0xFFFFFFF0] =	vst v1;
	v1 =	vld [tilespmem:s1+$0x18];
	_ =	sdelay $0x2  }
0x254: {  	v4 =	vmul.f32 v4, v2  }
0x255: {  	v3 =	vmul.f32 v5, v2;
	v2 =	vsel vm0, $0x3F800000, v2  }
0x256: {  	[tilespmem:s1+$0xFFFFFFE0] =	vst v4;
	v1 =	vmul.f32 v1, v2  }
0x257: {  	[tilespmem:s1+$0x0] =	vst v3  }
0x258: {  	[tilespmem:s1+$0x18] =	vst v1  }
0x259: {  	v1 =	vld [tilespmem:$0x7530]  }
0x25a: {  	v2 =	vld [tilespmem:$0x7540]  }
0x25b: {  	v3 =	vld [tilespmem:$0x7550]  }
0x25c: {  	v4 =	vld [tilespmem:$0x7560]  }
0x25d: {  	v5 =	vld [tilespmem:$0x7570]  }
0x25e: {  	[tilespmem:$0xF0F0] =	vst v1  }
0x25f: {  	[tilespmem:$0xF100] =	vst v2  }
0x260: {  	[tilespmem:$0xF110] =	vst v3  }
0x261: {  	s29 =	simm.s32 $0x50;
	[tilespmem:$0xF120] =	vst v4  }
0x262: {  	[tilespmem:$0xF130] =	vst v5;
	v1 =	vmov s29  }
0x263: {  	[spmem:s3] =	stream.indirect.scatter.add.f32 [tilespmem:s25], [sflag:$0x3], $0x48, s21, s29, $0xb8;
	[tilespmem:$0x1A350] =	vst v63  }
0x264: {  	_ =	swait.ge [sflag:s23], $0x1680  }
0x265: {  	[sflag:s23] =	ssyncset.done $0x0  }
0x266: {  	[sflag:s23] =	ssyncadd.s32 $0xFFFFE980  }
0x267: {  	s4 =	simm.s32 $0xD9F0;
	v1 =	vld.idx.msk [tilespmem:v1+s0+$0x0], $0xffff  }
0x268: {  	v2 =	vld [tilespmem:s4+$0x10]  }
0x269: {  	v3 =	vld [tilespmem:s4+$0xFFFFFFF0];
	_ =	sdelay $0x2  }
0x26a: {  	v4 =	vld [tilespmem:s4+$0x0]  }
0x26b: {  	v2 =	vmul.f32 v2, v1  }
0x26c: {  	v5 =	vld [tilespmem:s4+$0xFFFFFFE0];
	v3 =	vmul.f32 v3, v1  }
0x26d: {  	[tilespmem:s4+$0x10] =	vst v2  }
0x26e: {  	[tilespmem:s4+$0xFFFFFFF0] =	vst v3;
	v3 =	vld [tilespmem:s4+$0x18]  }
0x26f: {  	v2 =	vmul.f32 v4, v1  }
0x270: {  	s8 =	simm.s32 $0x51  }
0x271: {  	v4 =	vmul.f32 v5, v1;
	[tilespmem:s4+$0x0] =	vst v2;
	v2 =	vmov s8  }
0x272: {  	v1 =	vsel vm0, $0x3F800000, v1  }
0x273: {  	s1 =	simm.s32 $0xDA38;
	[tilespmem:s4+$0xFFFFFFE0] =	vst v4;
	v3 =	vmul.f32 v3, v1  }
0x274: {  	s8 =	simm.s32 $0x52;
	v1 =	vld [tilespmem:s1+$0xFFFFFFF0]  }
.LBB2_22:
0x275: {  	p0 =	sne.s32 s8, $0x9F;
	v4 =	vld [tilespmem:s1+$0xFFFFFFE0];
	[tilespmem:s4+$0x18] =	vst v3;
	s9 =	smov.u32 s8;
	s8 =	sadd.s32 $0x1, s8  }
0x276: {  	s4 =	smov.u32 s1;
	v3 =	vld.idx.msk [tilespmem:v2+s0+$0x0], $0xffff  }
0x277: {  	v2 =	vld [tilespmem:s1+$0x10]  }
0x278: {  	v5 =	vld [tilespmem:s1+$0x0];
	_ =	sdelay $0x3  }
0x279: {  	v4 =	vmul.f32 v4, v3;
	v2 =	vmul.f32 v2, v3  }
0x27a: {  	v1 =	vmul.f32 v1, v3;
	v5 =	vmul.f32 v5, v3  }
0x27b: {  	[tilespmem:s1+$0x10] =	vst v2  }
0x27c: {  	[tilespmem:s1+$0xFFFFFFF0] =	vst v1;
	v1 =	vld [tilespmem:s1+$0x18]  }
0x27d: {  	[tilespmem:s1+$0x0] =	vst v5  }
.Ltmp11:
0x27e: {  	[tilespmem:s1+$0xFFFFFFE0] =	vst v4;
	(pc) =	sbr.rel @p0 .LBB2_22-.Ltmp11, $4  }
0x27f: {  	v2 =	vmov s9  }
0x280: {  	v3 =	vsel vm0, $0x3F800000, v3  }
0x281: {  	s1 =	sadd.s32 $0x48, s1;
	v3 =	vmul.f32 v1, v3  }
0x282: {  	v1 =	vld [tilespmem:s1+$0xFFFFFFF0]  }
0x283: {  	_ =	sdelay $0x2  }
0x284: {  	v4 =	vld [tilespmem:s1+$0xFFFFFFE0];
	[tilespmem:s4+$0x18] =	vst v3  }
0x285: {  	v2 =	vld.idx.msk [tilespmem:v2+s0+$0x0], $0xffff  }
0x286: {  	v3 =	vld [tilespmem:s1+$0x10];
	_ =	sdelay $0x4  }
0x287: {  	v3 =	vmul.f32 v3, v2  }
0x288: {  	v1 =	vmul.f32 v1, v2  }
0x289: {  	v5 =	vld [tilespmem:s1+$0x0];
	[tilespmem:s1+$0x10] =	vst v3  }
0x28a: {  	[tilespmem:s1+$0xFFFFFFF0] =	vst v1;
	v1 =	vld [tilespmem:s1+$0x18];
	_ =	sdelay $0x2  }
0x28b: {  	v4 =	vmul.f32 v4, v2  }
0x28c: {  	v3 =	vmul.f32 v5, v2;
	v2 =	vsel vm0, $0x3F800000, v2  }
0x28d: {  	[tilespmem:s1+$0xFFFFFFE0] =	vst v4;
	v1 =	vmul.f32 v1, v2  }
0x28e: {  	[tilespmem:s1+$0x0] =	vst v3  }
0x28f: {  	[tilespmem:s1+$0x18] =	vst v1  }
0x290: {  	v1 =	vld [tilespmem:$0x7580]  }
0x291: {  	v2 =	vld [tilespmem:$0x7590]  }
0x292: {  	v3 =	vld [tilespmem:$0x75A0]  }
0x293: {  	v4 =	vld [tilespmem:$0x75B0]  }
0x294: {  	v63 =	vld [tilespmem:$0x75C0]  }
0x295: {  	[tilespmem:$0xF140] =	vst v1  }
0x296: {  	[tilespmem:$0xF150] =	vst v2  }
0x297: {  	[tilespmem:$0xF160] =	vst v3  }
0x298: {  	[tilespmem:$0xF170] =	vst v4  }
0x299: {  	s20 =	simm.s32 $0x1;
	s8 =	simm.s32 $0xA0;
	s11 =	simm.s32 $0xF0;
	[tilespmem:$0xF180] =	vst v63  }
0x29a: {  	[spmem:s3] =	stream.indirect.scatter.add.f32 [tilespmem:s30], [sflag:$0x4], $0x48, s2, s26, $0xb8;
	[tilespmem:$0x1A350] =	vst v63  }
.LBB2_24:
0x29b: {  	_ =	swait.ge [sflag:s6], $0x1680  }
0x29c: {  	s17 =	smul.u32 $0xA0, s20;
	[sflag:s6] =	ssyncset.done $0x0  }
0x29d: {  	[sflag:s6] =	ssyncadd.s32 $0xFFFFE980  }
0x29e: {  	v1 =	vld [tilespmem:s17+$0x4E20];
	_ =	sdelay $0x4  }
0x29f: {  	[tilespmem:$0xF050] =	vst v1  }
0x2a0: {  	v1 =	vld [tilespmem:s17+$0x4E30];
	_ =	sdelay $0x4  }
0x2a1: {  	[tilespmem:$0xF060] =	vst v1  }
0x2a2: {  	v1 =	vld [tilespmem:s17+$0x4E40];
	_ =	sdelay $0x4  }
0x2a3: {  	[tilespmem:$0xF070] =	vst v1  }
0x2a4: {  	v1 =	vld [tilespmem:s17+$0x4E50];
	_ =	sdelay $0x4  }
0x2a5: {  	[tilespmem:$0xF080] =	vst v1  }
0x2a6: {  	v1 =	vld [tilespmem:s17+$0x4E60];
	_ =	sdelay $0x4  }
0x2a7: {  	[tilespmem:$0xF090] =	vst v1  }
0x2a8: {  	[tilespmem:s25], [sflag:$0x1] =	stream.indirect.gather [hbm4b:s5+s26], $0x48, s28, s26, $0xb8;
	[tilespmem:$0x1A350] =	vst v63  }
0x2a9: {  	_ =	swait.ge [sflag:s7], $0x1680  }
0x2aa: {  	[sflag:s7] =	ssyncset.done $0x0  }
0x2ab: {  	[sflag:s7] =	ssyncadd.s32 $0xFFFFE980  }
0x2ac: {  	v1 =	vld [tilespmem:s17+$0x4E70];
	_ =	sdelay $0x4  }
0x2ad: {  	[tilespmem:$0xF0A0] =	vst v1  }
0x2ae: {  	v1 =	vld [tilespmem:s17+$0x4E80];
	_ =	sdelay $0x4  }
0x2af: {  	[tilespmem:$0xF0B0] =	vst v1  }
0x2b0: {  	v1 =	vld [tilespmem:s17+$0x4E90];
	_ =	sdelay $0x4  }
0x2b1: {  	[tilespmem:$0xF0C0] =	vst v1  }
0x2b2: {  	v1 =	vld [tilespmem:s17+$0x4EA0];
	_ =	sdelay $0x4  }
0x2b3: {  	[tilespmem:$0xF0D0] =	vst v1  }
0x2b4: {  	v1 =	vld [tilespmem:s17+$0x4EB0];
	_ =	sdelay $0x3  }
0x2b5: {  	s1 =	sadd.s32 $0x0, s8  }
0x2b6: {  	s29 =	simm.s32 $0xF0A0;
	[tilespmem:$0xF0E0] =	vst v1;
	v1 =	vmov s1  }
0x2b7: {  	[tilespmem:s30], [sflag:$0x2] =	stream.indirect.gather [hbm4b:s5+s26], $0x48, s29, s26, $0xb8;
	[tilespmem:$0x1A350] =	vst v63  }
0x2b8: {  	_ =	swait.ge [sflag:s31], $0x1680  }
0x2b9: {  	[sflag:s31] =	ssyncset.done $0x0  }
0x2ba: {  	[sflag:s31] =	ssyncadd.s32 $0xFFFFE980  }
0x2bb: {  	s9 =	simm.s32 $0xC370;
	v1 =	vld.idx.msk [tilespmem:v1+s0+$0x0], $0xffff  }
0x2bc: {  	v2 =	vld [tilespmem:s9+$0x10]  }
0x2bd: {  	v3 =	vld [tilespmem:s9+$0xFFFFFFF0];
	_ =	sdelay $0x2  }
0x2be: {  	v4 =	vld [tilespmem:s9+$0xFFFFFFE0]  }
0x2bf: {  	v2 =	vmul.f32 v2, v1  }
0x2c0: {  	v5 =	vld [tilespmem:s9+$0x0];
	v3 =	vmul.f32 v3, v1  }
0x2c1: {  	[tilespmem:s9+$0x10] =	vst v2  }
0x2c2: {  	[tilespmem:s9+$0xFFFFFFF0] =	vst v3;
	v3 =	vld [tilespmem:s9+$0x18]  }
0x2c3: {  	v2 =	vmul.f32 v4, v1  }
0x2c4: {  	s22 =	sadd.s32 $0x1, s8  }
0x2c5: {  	s19 =	sor.u32 $0x10, s17;
	s18 =	sadd.s32 $0x20, s17;
	v4 =	vmul.f32 v5, v1;
	[tilespmem:s9+$0xFFFFFFE0] =	vst v2;
	v2 =	vmov s22  }
0x2c6: {  	s4 =	sadd.s32 $0x30, s17;
	s10 =	sadd.s32 $0x40, s17;
	s14 =	sadd.s32 $0x50, s17;
	v1 =	vsel vm0, $0x3F800000, v1  }
0x2c7: {  	s12 =	sadd.s32 $0x60, s17;
	s13 =	sadd.s32 $0x70, s17;
	s1 =	simm.s32 $0xC3B8;
	[tilespmem:s9+$0x0] =	vst v4;
	v3 =	vmul.f32 v3, v1  }
0x2c8: {  	s16 =	sadd.s32 $0x80, s17;
	s15 =	sadd.s32 $0x90, s17;
	s22 =	simm.s32 $0x2;
	v1 =	vld [tilespmem:s1+$0xFFFFFFF0]  }
.LBB2_25:
0x2c9: {  	p0 =	sne.s32 s22, $0x4F;
	v4 =	vld [tilespmem:s1+$0xFFFFFFE0];
	[tilespmem:s9+$0x18] =	vst v3;
	s29 =	smov.u32 s22;
	s22 =	sadd.s32 $0x1, s22  }
0x2ca: {  	s9 =	smov.u32 s1;
	v3 =	vld.idx.msk [tilespmem:v2+s0+$0x0], $0xffff  }
0x2cb: {  	v2 =	vld [tilespmem:s1+$0x10]  }
0x2cc: {  	v5 =	vld [tilespmem:s1+$0x0];
	_ =	sdelay $0x3  }
0x2cd: {  	v4 =	vmul.f32 v4, v3;
	v2 =	vmul.f32 v2, v3  }
0x2ce: {  	v1 =	vmul.f32 v1, v3;
	v5 =	vmul.f32 v5, v3  }
0x2cf: {  	[tilespmem:s1+$0x10] =	vst v2  }
0x2d0: {  	[tilespmem:s1+$0xFFFFFFF0] =	vst v1;
	v1 =	vld [tilespmem:s1+$0x18]  }
0x2d1: {  	[tilespmem:s1+$0xFFFFFFE0] =	vst v4  }
.Ltmp12:
0x2d2: {  	s29 =	sadd.s32 s29, s8;
	[tilespmem:s1+$0x0] =	vst v5;
	(pc) =	sbr.rel @p0 .LBB2_25-.Ltmp12, $4  }
0x2d3: {  	v2 =	vmov s29  }
0x2d4: {  	v3 =	vsel vm0, $0x3F800000, v3  }
0x2d5: {  	s1 =	sadd.s32 $0x48, s1;
	v3 =	vmul.f32 v1, v3  }
0x2d6: {  	v1 =	vld [tilespmem:s1+$0xFFFFFFF0]  }
0x2d7: {  	_ =	sdelay $0x2  }
0x2d8: {  	v4 =	vld [tilespmem:s1+$0xFFFFFFE0];
	[tilespmem:s9+$0x18] =	vst v3  }
0x2d9: {  	v2 =	vld.idx.msk [tilespmem:v2+s0+$0x0], $0xffff  }
0x2da: {  	v3 =	vld [tilespmem:s1+$0x10];
	_ =	sdelay $0x4  }
0x2db: {  	v3 =	vmul.f32 v3, v2  }
0x2dc: {  	v1 =	vmul.f32 v1, v2  }
0x2dd: {  	v5 =	vld [tilespmem:s1+$0x0];
	[tilespmem:s1+$0x10] =	vst v3  }
0x2de: {  	[tilespmem:s1+$0xFFFFFFF0] =	vst v1;
	v1 =	vld [tilespmem:s1+$0x18];
	_ =	sdelay $0x2  }
0x2df: {  	v3 =	vmul.f32 v4, v2  }
0x2e0: {  	v4 =	vmul.f32 v5, v2;
	v2 =	vsel vm0, $0x3F800000, v2  }
0x2e1: {  	[tilespmem:s1+$0xFFFFFFE0] =	vst v3;
	v1 =	vmul.f32 v1, v2  }
0x2e2: {  	[tilespmem:s1+$0x0] =	vst v4  }
0x2e3: {  	[tilespmem:s1+$0x18] =	vst v1  }
0x2e4: {  	v1 =	vld [tilespmem:s17+$0x7530];
	_ =	sdelay $0x4  }
0x2e5: {  	[tilespmem:$0xF0F0] =	vst v1  }
0x2e6: {  	v1 =	vld [tilespmem:s19+$0x7530];
	_ =	sdelay $0x4  }
0x2e7: {  	[tilespmem:$0xF100] =	vst v1  }
0x2e8: {  	v1 =	vld [tilespmem:s18+$0x7530];
	_ =	sdelay $0x4  }
0x2e9: {  	[tilespmem:$0xF110] =	vst v1  }
0x2ea: {  	v1 =	vld [tilespmem:s4+$0x7530];
	_ =	sdelay $0x4  }
0x2eb: {  	[tilespmem:$0xF120] =	vst v1  }
0x2ec: {  	v1 =	vld [tilespmem:s10+$0x7530];
	_ =	sdelay $0x3  }
0x2ed: {  	s22 =	sadd.s32 $0x0, s11  }
0x2ee: {  	[tilespmem:$0xF130] =	vst v1;
	v1 =	vmov s22  }
0x2ef: {  	[spmem:s3] =	stream.indirect.scatter.add.f32 [tilespmem:s25], [sflag:$0x3], $0x48, s21, s26, $0xb8;
	[tilespmem:$0x1A350] =	vst v63  }
0x2f0: {  	_ =	swait.ge [sflag:s23], $0x1680  }
0x2f1: {  	[sflag:s23] =	ssyncset.done $0x0  }
0x2f2: {  	[sflag:s23] =	ssyncadd.s32 $0xFFFFE980  }
0x2f3: {  	s4 =	simm.s32 $0xD9F0;
	v1 =	vld.idx.msk [tilespmem:v1+s0+$0x0], $0xffff  }
0x2f4: {  	v2 =	vld [tilespmem:s4+$0x10]  }
0x2f5: {  	v3 =	vld [tilespmem:s4+$0xFFFFFFF0];
	_ =	sdelay $0x2  }
0x2f6: {  	v4 =	vld [tilespmem:s4+$0xFFFFFFE0]  }
0x2f7: {  	v2 =	vmul.f32 v2, v1  }
0x2f8: {  	v5 =	vld [tilespmem:s4+$0x0];
	v3 =	vmul.f32 v3, v1  }
0x2f9: {  	[tilespmem:s4+$0x10] =	vst v2  }
0x2fa: {  	[tilespmem:s4+$0xFFFFFFF0] =	vst v3;
	v3 =	vld [tilespmem:s4+$0x18]  }
0x2fb: {  	v2 =	vmul.f32 v4, v1  }
0x2fc: {  	s29 =	sadd.s32 $0x1, s11  }
0x2fd: {  	v4 =	vmul.f32 v5, v1;
	[tilespmem:s4+$0xFFFFFFE0] =	vst v2;
	v2 =	vmov s29  }
0x2fe: {  	v1 =	vsel vm0, $0x3F800000, v1  }
0x2ff: {  	s1 =	simm.s32 $0xDA38;
	[tilespmem:s4+$0x0] =	vst v4;
	v3 =	vmul.f32 v3, v1  }
0x300: {  	s9 =	simm.s32 $0x2;
	v1 =	vld [tilespmem:s1+$0xFFFFFFF0]  }
.LBB2_27:
0x301: {  	p0 =	sne.s32 s9, $0x4F;
	v4 =	vld [tilespmem:s1+$0xFFFFFFE0];
	[tilespmem:s4+$0x18] =	vst v3;
	s10 =	smov.u32 s9;
	s9 =	sadd.s32 $0x1, s9  }
0x302: {  	s4 =	smov.u32 s1;
	v3 =	vld.idx.msk [tilespmem:v2+s0+$0x0], $0xffff  }
0x303: {  	v2 =	vld [tilespmem:s1+$0x10]  }
0x304: {  	v5 =	vld [tilespmem:s1+$0x0];
	_ =	sdelay $0x3  }
0x305: {  	v4 =	vmul.f32 v4, v3;
	v2 =	vmul.f32 v2, v3  }
0x306: {  	v1 =	vmul.f32 v1, v3;
	v5 =	vmul.f32 v5, v3  }
0x307: {  	[tilespmem:s1+$0x10] =	vst v2  }
0x308: {  	[tilespmem:s1+$0xFFFFFFF0] =	vst v1;
	v1 =	vld [tilespmem:s1+$0x18]  }
0x309: {  	[tilespmem:s1+$0xFFFFFFE0] =	vst v4  }
.Ltmp13:
0x30a: {  	s10 =	sadd.s32 s10, s11;
	[tilespmem:s1+$0x0] =	vst v5;
	(pc) =	sbr.rel @p0 .LBB2_27-.Ltmp13, $4  }
0x30b: {  	v2 =	vmov s10  }
0x30c: {  	v3 =	vsel vm0, $0x3F800000, v3  }
0x30d: {  	s1 =	sadd.s32 $0x48, s1;
	v3 =	vmul.f32 v1, v3  }
0x30e: {  	v1 =	vld [tilespmem:s1+$0xFFFFFFF0]  }
0x30f: {  	_ =	sdelay $0x2  }
0x310: {  	v4 =	vld [tilespmem:s1+$0xFFFFFFE0];
	[tilespmem:s4+$0x18] =	vst v3  }
0x311: {  	v2 =	vld.idx.msk [tilespmem:v2+s0+$0x0], $0xffff  }
0x312: {  	v3 =	vld [tilespmem:s1+$0x10];
	_ =	sdelay $0x4  }
0x313: {  	v3 =	vmul.f32 v3, v2  }
0x314: {  	v5 =	vld [tilespmem:s1+$0x0];
	v1 =	vmul.f32 v1, v2  }
0x315: {  	[tilespmem:s1+$0x10] =	vst v3  }
0x316: {  	[tilespmem:s1+$0xFFFFFFF0] =	vst v1;
	v1 =	vld [tilespmem:s1+$0x18];
	_ =	sdelay $0x2  }
0x317: {  	v63 =	vmul.f32 v5, v2  }
0x318: {  	v3 =	vmul.f32 v4, v2;
	v2 =	vsel vm0, $0x3F800000, v2  }
0x319: {  	[tilespmem:s1+$0x0] =	vst v63;
	v1 =	vmul.f32 v1, v2  }
0x31a: {  	[tilespmem:s1+$0xFFFFFFE0] =	vst v3  }
0x31b: {  	[tilespmem:s1+$0x18] =	vst v1  }
0x31c: {  	v1 =	vld [tilespmem:s14+$0x7530];
	_ =	sdelay $0x4  }
0x31d: {  	[tilespmem:$0xF140] =	vst v1  }
0x31e: {  	v1 =	vld [tilespmem:s12+$0x7530];
	_ =	sdelay $0x4  }
0x31f: {  	[tilespmem:$0xF150] =	vst v1  }
0x320: {  	v1 =	vld [tilespmem:s13+$0x7530];
	_ =	sdelay $0x4  }
0x321: {  	[tilespmem:$0xF160] =	vst v1  }
0x322: {  	v1 =	vld [tilespmem:s16+$0x7530];
	_ =	sdelay $0x4  }
0x323: {  	[tilespmem:$0xF170] =	vst v1  }
0x324: {  	s20 =	sadd.s32 $0x1, s20;
	v1 =	vld [tilespmem:s15+$0x7530]  }
0x325: {  	p0 =	sne.s32 s20, $0x3E  }
.Ltmp14:
0x326: {  	_ = 	snop;
	(pc) =	sbr.rel @p0 .LBB2_24-.Ltmp14, $3  }
0x327: {  	_ =	sdelay $0x1  }
0x328: {  	s8 =	sadd.s32 $0xA0, s8;
	s11 =	sadd.s32 $0xA0, s11;
	[tilespmem:$0xF180] =	vst v1  }
0x329: {  	[spmem:s3] =	stream.indirect.scatter.add.f32 [tilespmem:s30], [sflag:$0x4], $0x48, s2, s26, $0xb8;
	[tilespmem:$0x1A350] =	vst v63  }
0x32a: {  	_ =	swait.ge [sflag:s6], $0x1680  }
0x32b: {  	[sflag:s6] =	ssyncset.done $0x0  }
0x32c: {  	[sflag:s6] =	ssyncadd.s32 $0xFFFFE980  }
0x32d: {  	v1 =	vld [tilespmem:$0x74E0]  }
0x32e: {  	v2 =	vld [tilespmem:$0x74F0]  }
0x32f: {  	v3 =	vld [tilespmem:$0x7500]  }
0x330: {  	v4 =	vld [tilespmem:$0x7510]  }
0x331: {  	v5 =	vld [tilespmem:$0x7520]  }
0x332: {  	[tilespmem:$0xF050] =	vst v1  }
0x333: {  	[tilespmem:$0xF060] =	vst v2  }
0x334: {  	[tilespmem:$0xF070] =	vst v3  }
0x335: {  	s1 =	simm.s32 $0x26C0;
	[tilespmem:$0xF080] =	vst v4  }
0x336: {  	[tilespmem:$0xF090] =	vst v5;
	v1 =	vmov s1  }
0x337: {  	[tilespmem:s25], [sflag:$0x1] =	stream.indirect.gather [hbm4b:s5+s26], $0x48, s28, s26, $0xb8;
	[tilespmem:$0x1A350] =	vst v63  }
0x338: {  	_ =	swait.ge [sflag:s31], $0x1680  }
0x339: {  	[sflag:s31] =	ssyncset.done $0x0  }
0x33a: {  	[sflag:s31] =	ssyncadd.s32 $0xFFFFE980  }
0x33b: {  	s4 =	simm.s32 $0xC370;
	v1 =	vld.idx.msk [tilespmem:v1+s0+$0x0], $0xffff  }
0x33c: {  	v2 =	vld [tilespmem:s4+$0x10]  }
0x33d: {  	v3 =	vld [tilespmem:s4+$0xFFFFFFF0];
	_ =	sdelay $0x2  }
0x33e: {  	v4 =	vld [tilespmem:s4+$0x0]  }
0x33f: {  	v2 =	vmul.f32 v2, v1  }
0x340: {  	v5 =	vld [tilespmem:s4+$0xFFFFFFE0];
	v3 =	vmul.f32 v3, v1  }
0x341: {  	[tilespmem:s4+$0x10] =	vst v2  }
0x342: {  	[tilespmem:s4+$0xFFFFFFF0] =	vst v3;
	v3 =	vld [tilespmem:s4+$0x18]  }
0x343: {  	v2 =	vmul.f32 v4, v1  }
0x344: {  	s8 =	simm.s32 $0x26C1  }
0x345: {  	v4 =	vmul.f32 v5, v1;
	[tilespmem:s4+$0x0] =	vst v2;
	v2 =	vmov s8  }
0x346: {  	v1 =	vsel vm0, $0x3F800000, v1  }
0x347: {  	s1 =	simm.s32 $0xC3B8;
	[tilespmem:s4+$0xFFFFFFE0] =	vst v4;
	v3 =	vmul.f32 v3, v1  }
0x348: {  	s8 =	simm.s32 $0x26C2;
	v1 =	vld [tilespmem:s1+$0xFFFFFFF0]  }
.LBB2_30:
0x349: {  	p0 =	sne.s32 s8, $0x270F;
	v4 =	vld [tilespmem:s1+$0xFFFFFFE0];
	[tilespmem:s4+$0x18] =	vst v3;
	s9 =	smov.u32 s8;
	s8 =	sadd.s32 $0x1, s8  }
0x34a: {  	s4 =	smov.u32 s1;
	v3 =	vld.idx.msk [tilespmem:v2+s0+$0x0], $0xffff  }
0x34b: {  	v2 =	vld [tilespmem:s1+$0x10]  }
0x34c: {  	v5 =	vld [tilespmem:s1+$0x0];
	_ =	sdelay $0x3  }
0x34d: {  	v4 =	vmul.f32 v4, v3;
	v2 =	vmul.f32 v2, v3  }
0x34e: {  	v1 =	vmul.f32 v1, v3;
	v5 =	vmul.f32 v5, v3  }
0x34f: {  	[tilespmem:s1+$0x10] =	vst v2  }
0x350: {  	[tilespmem:s1+$0xFFFFFFF0] =	vst v1;
	v1 =	vld [tilespmem:s1+$0x18]  }
0x351: {  	[tilespmem:s1+$0x0] =	vst v5  }
.Ltmp15:
0x352: {  	[tilespmem:s1+$0xFFFFFFE0] =	vst v4;
	(pc) =	sbr.rel @p0 .LBB2_30-.Ltmp15, $4  }
0x353: {  	v2 =	vmov s9  }
0x354: {  	v3 =	vsel vm0, $0x3F800000, v3  }
0x355: {  	s1 =	sadd.s32 $0x48, s1;
	v3 =	vmul.f32 v1, v3  }
0x356: {  	v1 =	vld [tilespmem:s1+$0xFFFFFFF0]  }
0x357: {  	_ =	sdelay $0x2  }
0x358: {  	v4 =	vld [tilespmem:s1+$0xFFFFFFE0];
	[tilespmem:s4+$0x18] =	vst v3  }
0x359: {  	v2 =	vld.idx.msk [tilespmem:v2+s0+$0x0], $0xffff  }
0x35a: {  	v3 =	vld [tilespmem:s1+$0x10];
	_ =	sdelay $0x4  }
0x35b: {  	v3 =	vmul.f32 v3, v2  }
0x35c: {  	v1 =	vmul.f32 v1, v2  }
0x35d: {  	v5 =	vld [tilespmem:s1+$0x0];
	[tilespmem:s1+$0x10] =	vst v3  }
0x35e: {  	[tilespmem:s1+$0xFFFFFFF0] =	vst v1;
	v1 =	vld [tilespmem:s1+$0x18];
	_ =	sdelay $0x2  }
0x35f: {  	v4 =	vmul.f32 v4, v2  }
0x360: {  	v3 =	vmul.f32 v5, v2;
	v2 =	vsel vm0, $0x3F800000, v2  }
0x361: {  	[tilespmem:s1+$0xFFFFFFE0] =	vst v4;
	v1 =	vmul.f32 v1, v2  }
0x362: {  	[tilespmem:s1+$0x0] =	vst v3  }
0x363: {  	[tilespmem:s1+$0x18] =	vst v1  }
0x364: {  	v1 =	vld [tilespmem:$0x9BF0]  }
0x365: {  	v2 =	vld [tilespmem:$0x9C00]  }
0x366: {  	v3 =	vld [tilespmem:$0x9C10]  }
0x367: {  	v4 =	vld [tilespmem:$0x9C20]  }
0x368: {  	v63 =	vld [tilespmem:$0x9C30]  }
0x369: {  	[tilespmem:$0xF0F0] =	vst v1  }
0x36a: {  	[tilespmem:$0xF100] =	vst v2  }
0x36b: {  	[tilespmem:$0xF110] =	vst v3  }
0x36c: {  	[tilespmem:$0xF120] =	vst v4  }
0x36d: {  	[tilespmem:$0xF130] =	vst v63  }
0x36e: {  	[spmem:s3] =	stream.indirect.scatter.add.f32 [tilespmem:s25], [sflag:$0x3], $0x48, s21, s26, $0xb8;
	[tilespmem:$0x1A350] =	vst v63  }
0x36f: {  	_ =	swait.ge [sflag:s6], $0x1680  }
0x370: {  	[sflag:s6] =	ssyncset.done $0x0  }
0x371: {  	[sflag:s6] =	ssyncadd.s32 $0xFFFFE980  }
0x372: {  	_ =	swait.ge [sflag:s7], $0x1680  }
0x373: {  	[sflag:s7] =	ssyncset.done $0x0  }
0x374: {  	[sflag:s7] =	ssyncadd.s32 $0xFFFFE980  }
0x375: {  	[bflag:$0x0] =	sbarrier.arrive $0xFFFF  }
0x376: {  	s19 =	rddreg [dreg:$0x11]  }
0x377: {  	s20 =	rddreg [dreg:$0x14]  }
0x378: {  	s10 =	simm.s32 $0x5;
	s8 =	rddreg [dreg:$0x15]  }
0x379: {  	[hbm:s19], [sflag:s20] =	dma.local [spmem:s8], $0x1638  }
0x37a: {  	_ =	swait.ge [sflag:s10], $0x1638  }
0x37b: {  	s22 =	rddreg [dreg:$0x13]  }
0x37c: {  	s29 =	rddreg [dreg:$0x12];
	s4 =	sadd.s32 $0x1, s22  }
0x37d: {  	p0 =	sne.s32 s4, s29  }
.Ltmp16:
0x37e: {  	_ = 	snop;
	(pc) =	sbr.rel @p0 .LBB2_1-.Ltmp16, $3  }
0x37f: {  	[sflag:s10] =	ssyncset.done $0x0  }
0x380: {  	[sflag:s10] =	ssyncadd.s32 $0xFFFFE9C8  }
0x381: {  	[bflag:$0x0] =	sbarrier.arrive $0xFFFF;
	_ =	sdelay $0x1  }
0x382: {  	_ =	sfence.sel $0x180000  }
0x383: {  	[bflag:$0x0] =	sbarrier.arrive $0xFFFF  }
0x384: {  	_ =	strace $0x90000047  }
0x385: {  	s0 =	stileid.u32;
	[bflag:$0x2] =	sbarrier.arrive $0xFFFF  }
0x386: {  	p0 =	sne.s32 s0, $0x0;
	s0 =	rddreg [dreg:$0x3]  }
0x387: {  	s0 =	sadd.s32 @!p0 $0x100000, s0  }
0x388: {  	[sflag:s0] =	ssyncadd.tile.s32 @!p0 $0x1;
	_ =	shalt  }
.Lfunc_end2:
_tile_overlayer_lowered:
.L_overlay_start_2:
0x389: {  	(tag) =	ssettag $0x2  }
0x38a: {  	s0 =	rddreg [dreg:$0x0];
	s2 =	stileid.u32  }
0x38b: {  	s1 =	rddreg [dreg:$0x1];
	p0 =	sne.s32 s2, $0x0  }
0x38c: {  	s3 =	rddreg [dreg:$0x2];
	[bflag:$0x3] =	sbarrier.arrive $0xFFFF;
	s2 =	simm.s32 @!p0 $0x1C05  }
0x38d: {  	[timem:s3], [sflag:s2] =	dma.local @!p0 [hbm:s0], s1  }
0x38e: {  	s0 =	simm.s32 @!p0 $0x5  }
0x38f: {  	_ =	swait.ge @!p0 [sflag:s0], s1  }
0x390: {  	s1 =	ssub.s32 @!p0 $0x0, s1;
	[sflag:s0] =	ssyncset.done @!p0 $0x0  }
0x391: {  	[sflag:s0] =	ssyncadd.s32 @!p0 s1  }
0x392: {  	[bflag:$0x3] =	sbarrier.arrive $0xFFFF  }
0x393: {  	_ =	shalt  }

</sc_bundles>
